<compile_context>
chip_gen: v7x
topology: tpu7x:2x2x1
jax: 0.10.2.dev20260603
libtpu: 0.0.44.dev20260713+nightly
codegen_flags: <defaults>
</compile_context>

<pallas_src>
import functools

import jax
import jax.numpy as jnp
from jax import lax
from jax.experimental import pallas as pl
from jax.experimental.pallas import tpu as pltpu
from jax.experimental.pallas import tpu_sc as plsc

_N = 10000
_D = 128
_E = 320000
_NPAD = 10240
_CHUNK = 64
_NC, _NS = 2, 16
_NW = _NC * _NS
_EPAD = 327680
_NCHUNKS = _EPAD // _CHUNK
_CPW = _NCHUNKS // _NW
_EPW = _EPAD // _NW
_NBUF = 4
_NPH = 2
_CPP = _CPW // _NPH
_EPP = _CPP * _CHUNK
_RPS = _NPAD // _NS

_mesh = plsc.VectorSubcoreMesh(
    core_axis_name="c", subcore_axis_name="s", num_cores=_NC, num_subcores=_NS
)


@functools.partial(
    pl.kernel,
    out_type=jax.ShapeDtypeStruct((_NW, _NPAD), jnp.float32),
    mesh=_mesh,
    scratch_types=[
        pltpu.VMEM((_EPW,), jnp.int32),
        pltpu.VMEM((_NPAD,), jnp.float32),
    ],
    compiler_params=pltpu.CompilerParams(needs_layout_passes=False),
)
def _deg_kernel(dst_hbm, out_hbm, dstv, hist):
    c = lax.axis_index("c")
    s = lax.axis_index("s")
    w = s * _NC + c
    pltpu.sync_copy(dst_hbm.at[pl.ds(w * _EPW, _EPW)], dstv)

    zeros = jnp.zeros((16,), jnp.float32)

    def zbody(i, carry):
        hist[pl.ds(i * 16, 16)] = zeros
        return carry

    lax.fori_loop(0, _NPAD // 16, zbody, 0)

    ones = jnp.ones((16,), jnp.float32)

    def hbody(i, carry):
        for u in range(4):
            idx = dstv[pl.ds((i * 4 + u) * 16, 16)]
            plsc.addupdate_scatter(hist, [idx], ones)
        return carry

    lax.fori_loop(0, _EPW // 64, hbody, 0)
    pltpu.sync_copy(hist, out_hbm.at[w])


@functools.partial(
    pl.kernel,
    out_type=jax.ShapeDtypeStruct((_NC, _NPAD, _D), jnp.float32),
    mesh=_mesh,
    scratch_types=(
        [
            pltpu.VMEM((_EPP,), jnp.int32),
            pltpu.VMEM((_CPP, _CHUNK), jnp.int32),
            pltpu.VMEM_SHARED((_NPAD, _D), jnp.float32),
        ]
        + [pltpu.VMEM((_CHUNK, _D), jnp.float32)] * _NBUF
        + [pltpu.SemaphoreType.DMA] * (2 * _NBUF + 1)
    ),
    compiler_params=pltpu.CompilerParams(needs_layout_passes=False),
)
def _scatter_kernel(g_hbm, src_hbm, dst3_hbm, out_hbm,
                    sidx_all, didx_all, acc, *bufs_and_sems):
    rows = bufs_and_sems[:_NBUF]
    gsems = bufs_and_sems[_NBUF:2 * _NBUF]
    ssems = bufs_and_sems[2 * _NBUF:3 * _NBUF]
    isem = bufs_and_sems[3 * _NBUF]
    c = lax.axis_index("c")
    s = lax.axis_index("s")
    w = s * _NC + c

    icp1 = pltpu.async_copy(
        src_hbm.at[pl.ds(w * _EPW, _EPP)], sidx_all, isem)
    icp2 = pltpu.async_copy(dst3_hbm.at[w, pl.ds(0, _CPP)], didx_all, isem)

    zeros = jnp.zeros((16,), jnp.float32)

    def zbody(i, carry):
        rows[0][i // 8, pl.ds((i % 8) * 16, 16)] = zeros
        return carry

    lax.fori_loop(0, _CHUNK * 8, zbody, 0)

    def zcbody(t, carry):
        pltpu.sync_copy(rows[0],
                        acc.at[pl.ds(s * _RPS + t * _CHUNK, _CHUNK)])
        return carry

    lax.fori_loop(0, _RPS // _CHUNK, zcbody, 0)
    icp1.wait()
    icp2.wait()

    def start_gather(i, k):
        pltpu.async_copy(
            g_hbm.at[sidx_all.at[pl.ds(i * _CHUNK, _CHUNK)]],
            rows[k], gsems[k])

    def start_scatter(i, k):
        pltpu.async_copy(rows[k], acc.at[didx_all.at[i]], ssems[k], add=True)

    def wait_gather(k):
        pltpu.make_async_copy(
            g_hbm.at[sidx_all.at[pl.ds(0, _CHUNK)]], rows[k], gsems[k]).wait()

    def wait_scatter(k):
        pltpu.make_async_copy(
            rows[k], acc.at[didx_all.at[0]], ssems[k]).wait()

    plsc.subcore_barrier()

    rounds = _CPP // _NBUF

    def body(j, carry):
        for k in range(_NBUF):
            wait_gather(k)
            start_scatter((j - 1) * _NBUF + k, k)
        for k in range(_NBUF):
            wait_scatter(k)
            start_gather(j * _NBUF + k, k)
        return carry

    for ph in range(_NPH):
        if ph > 0:
            pltpu.sync_copy(
                src_hbm.at[pl.ds(w * _EPW + ph * _EPP, _EPP)], sidx_all)
            pltpu.sync_copy(dst3_hbm.at[w, pl.ds(ph * _CPP, _CPP)], didx_all)
        for k in range(_NBUF):
            start_gather(k, k)
        lax.fori_loop(1, rounds, body, 0)
        for k in range(_NBUF):
            wait_gather(k)
            start_scatter((rounds - 1) * _NBUF + k, k)
        for k in range(_NBUF):
            wait_scatter(k)
    plsc.subcore_barrier()
    pltpu.sync_copy(acc.at[pl.ds(s * _RPS, _RPS)],
                    out_hbm.at[c, pl.ds(s * _RPS, _RPS)])


_BR = 2048
_GRID = _NPAD // _BR


def _dense1_body(x_ref, w1_ref, degp_ref, g1_ref, dinv_ref):
    deg = jnp.sum(degp_ref[...], axis=0) + 1.0
    dinv = lax.rsqrt(deg)
    h = jnp.dot(x_ref[...], w1_ref[...], preferred_element_type=jnp.float32)
    g1_ref[...] = h * dinv[:, None]
    dinv_ref[...] = dinv[:, None]


def _dense2_body(sp_ref, g1_ref, dinv_ref, b1_ref, w2_ref, g2_ref):
    ssum = sp_ref[0] + sp_ref[1] + g1_ref[...]
    y = jnp.maximum(ssum * dinv_ref[...] + b1_ref[...], 0.0)
    g2_ref[...] = (
        jnp.dot(y, w2_ref[...], preferred_element_type=jnp.float32)
        * dinv_ref[...]
    )


def _dense3_body(sp_ref, g2_ref, dinv_ref, b2_ref, z_ref):
    z_ref[...] = (sp_ref[0] + sp_ref[1] + g2_ref[...]) * dinv_ref[...] + b2_ref[...]


_dense1 = pl.pallas_call(
    _dense1_body,
    grid=(_GRID,),
    in_specs=[
        pl.BlockSpec((_BR, _D), lambda i: (i, 0)),
        pl.BlockSpec((_D, _D), lambda i: (0, 0)),
        pl.BlockSpec((_NW, _BR), lambda i: (0, i)),
    ],
    out_specs=[
        pl.BlockSpec((_BR, _D), lambda i: (i, 0)),
        pl.BlockSpec((_BR, 1), lambda i: (i, 0)),
    ],
    out_shape=[
        jax.ShapeDtypeStruct((_N, _D), jnp.float32),
        jax.ShapeDtypeStruct((_N, 1), jnp.float32),
    ],
)

_dense2 = pl.pallas_call(
    _dense2_body,
    grid=(_GRID,),
    in_specs=[
        pl.BlockSpec((_NC, _BR, _D), lambda i: (0, i, 0)),
        pl.BlockSpec((_BR, _D), lambda i: (i, 0)),
        pl.BlockSpec((_BR, 1), lambda i: (i, 0)),
        pl.BlockSpec((1, _D), lambda i: (0, 0)),
        pl.BlockSpec((_D, _D), lambda i: (0, 0)),
    ],
    out_specs=pl.BlockSpec((_BR, _D), lambda i: (i, 0)),
    out_shape=jax.ShapeDtypeStruct((_N, _D), jnp.float32),
)

_dense3 = pl.pallas_call(
    _dense3_body,
    grid=(_GRID,),
    in_specs=[
        pl.BlockSpec((_NC, _BR, _D), lambda i: (0, i, 0)),
        pl.BlockSpec((_BR, _D), lambda i: (i, 0)),
        pl.BlockSpec((_BR, 1), lambda i: (i, 0)),
        pl.BlockSpec((1, _D), lambda i: (0, 0)),
    ],
    out_specs=pl.BlockSpec((_BR, _D), lambda i: (i, 0)),
    out_shape=jax.ShapeDtypeStruct((_N, _D), jnp.float32),
)


@jax.jit
def kernel(x, edge_index, W1, b1, W2, b2):
    src = edge_index[0]
    dst = edge_index[1]
    pad = _EPAD - _E
    ar = jnp.arange(pad, dtype=jnp.int32)
    src_p = jnp.concatenate([src, ar % _N])
    dst_p = jnp.concatenate([dst, _N + ar % (_NPAD - _N)])
    dst3 = dst_p.reshape(_NW, _CPW, _CHUNK)

    degp = _deg_kernel(dst_p)

    g1, dinv = _dense1(x, W1, degp)
    s1 = _scatter_kernel(g1, src_p, dst3)
    g2 = _dense2(s1, g1, dinv, b1.reshape(1, _D), W2)
    s2 = _scatter_kernel(g2, src_p, dst3)
    return _dense3(s2, g2, dinv, b2.reshape(1, _D))

# --- scband reference (transcript-rebuilt; emitter-appended) ---
"""Pipeline reference for scband-graphi-stasis-28106265985592 (READ-ONLY COPY).

The authoritative reference and input builder live on the scoring server;
editing this copy changes nothing except your own understanding.
"""

import jax, jax.numpy as jnp
import numpy as np

N = 10000
D = 128
E = 320000


def setup_inputs(seed: int = 0) -> dict:
    key = jax.random.key(seed)
    k1, k2, k3, k4, k5, k6 = jax.random.split(key, 6)
    x = jax.random.normal(k1, (N, D), dtype=jnp.float32)
    edge_index = jax.random.randint(k2, (2, E), 0, N, dtype=jnp.int32)
    W1 = jax.random.normal(k3, (D, D), dtype=jnp.float32) * 0.05
    b1 = jnp.zeros((D,), dtype=jnp.float32)
    W2 = jax.random.normal(k4, (D, D), dtype=jnp.float32) * 0.05
    b2 = jnp.zeros((D,), dtype=jnp.float32)
    return {"x": x, "edge_index": edge_index, "W1": W1, "b1": b1, "W2": W2, "b2": b2}


def _gcn_conv(x, src, dst, W, b):
    # GCNConv (PyG semantics): linear transform, symmetric normalization
    # with self-loops already appended to (src, dst), scatter-add aggregate.
    h = x @ W
    deg = jnp.zeros((N,), dtype=h.dtype).at[dst].add(1.0)
    dinv = jnp.where(deg > 0, 1.0 / jnp.sqrt(deg), 0.0)
    norm = dinv[src] * dinv[dst]
    msg = h[src] * norm[:, None]
    out = jnp.zeros((N, h.shape[1]), dtype=h.dtype).at[dst].add(msg)
    return out + b


def reference(x, edge_index, W1, b1, W2, b2):
    loop = jnp.arange(N, dtype=edge_index.dtype)
    src = jnp.concatenate([edge_index[0], loop])
    dst = jnp.concatenate([edge_index[1], loop])
    h = _gcn_conv(x, src, dst, W1, b1)
    h = jax.nn.relu(h)
    z = _gcn_conv(h, src, dst, W2, b2)
    return z

if __name__ == "__main__":
    import jax
    _d = setup_inputs()
    print(jax.jit(kernel)(*tuple(_d.values())))

</pallas_src>

<mosaic_0001>
#map = affine_map<(d0, d1) -> (0, 0)>
#map1 = affine_map<(d0, d1) -> (0)>
#map2 = affine_map<(d0, d1) -> (0, 0, 0)>
module attributes {stable_mosaic.version = 14 : i64} {
  func.func @_scatter_kernel(%arg0: i32, %arg1: i32, %arg2: memref<10000x128xf32, #tpu.memory_space<hbm>>, %arg3: memref<327680xi32, #tpu.memory_space<hbm>>, %arg4: memref<32x160x64xi32, #tpu.memory_space<hbm>>, %arg5: memref<2x10240x128xf32, #tpu.memory_space<hbm>>, %arg6: memref<5120xi32, #tpu.memory_space<vmem>>, %arg7: memref<80x64xi32, #tpu.memory_space<vmem>>, %arg8: memref<10240x128xf32, #tpu.memory_space<vmem_shared>>, %arg9: memref<64x128xf32, #tpu.memory_space<vmem>>, %arg10: memref<64x128xf32, #tpu.memory_space<vmem>>, %arg11: memref<64x128xf32, #tpu.memory_space<vmem>>, %arg12: memref<64x128xf32, #tpu.memory_space<vmem>>, %arg13: memref<!tpu.dma_semaphore, #tpu.memory_space<semaphore_mem>>, %arg14: memref<!tpu.dma_semaphore, #tpu.memory_space<semaphore_mem>>, %arg15: memref<!tpu.dma_semaphore, #tpu.memory_space<semaphore_mem>>, %arg16: memref<!tpu.dma_semaphore, #tpu.memory_space<semaphore_mem>>, %arg17: memref<!tpu.dma_semaphore, #tpu.memory_space<semaphore_mem>>, %arg18: memref<!tpu.dma_semaphore, #tpu.memory_space<semaphore_mem>>, %arg19: memref<!tpu.dma_semaphore, #tpu.memory_space<semaphore_mem>>, %arg20: memref<!tpu.dma_semaphore, #tpu.memory_space<semaphore_mem>>, %arg21: memref<!tpu.dma_semaphore, #tpu.memory_space<semaphore_mem>>) attributes {dimension_semantics = [#tpu.dimension_semantics<core_parallel>, #tpu.dimension_semantics<subcore_parallel>], iteration_bounds = array<i64: 2, 16>, scalar_prefetch = 0 : i64, scratch_operands = 16 : i64, tpu.core_type = #tpu.core_type<sc_vector_subcore>, window_params = [{transform_indices = #map}, {transform_indices = #map1}, {transform_indices = #map2}, {transform_indices = #map2}]} {
    %mul3A = arith.constant 2 : i32
    %mul3A_0 = arith.muli %arg1, %mul3A : i32
    %add3A = arith.addi %mul3A_0, %arg0 : i32
    %mul3A_1 = arith.constant 10240 : i32
    %mul3A_2 = arith.muli %add3A, %mul3A_1 : i32
    %dma_start3A = tpu.memref_slice %arg3[%mul3A_2] : memref<327680xi32, #tpu.memory_space<hbm>> -> memref<5120xi32, #tpu.memory_space<hbm>>
    %dma_start3A_3 = tpu.memref_slice %arg3[%mul3A_2] : memref<327680xi32, #tpu.memory_space<hbm>> -> memref<5120xi32, #tpu.memory_space<hbm>>
    tpu.enqueue_dma source(%dma_start3A_3 : memref<5120xi32, #tpu.memory_space<hbm>>) target(%arg6 : memref<5120xi32, #tpu.memory_space<vmem>>) target_semaphore(%arg21 : memref<!tpu.dma_semaphore, #tpu.memory_space<semaphore_mem>>)
    %dma_start3A_4 = arith.constant 0 : i32
    %dma_start3A_5 = arith.constant 0 : i32
    %dma_start3A_6 = tpu.memref_slice %arg4[%add3A, %dma_start3A_4, %dma_start3A_5] : memref<32x160x64xi32, #tpu.memory_space<hbm>> -> memref<1x80x64xi32, #tpu.memory_space<hbm>>
    %dma_start3A_7 = tpu.memref_squeeze %dma_start3A_6 : memref<1x80x64xi32, #tpu.memory_space<hbm>> -> memref<80x64xi32, #tpu.memory_space<hbm>>
    %dma_start3A_8 = arith.constant 0 : i32
    %dma_start3A_9 = arith.constant 0 : i32
    %dma_start3A_10 = tpu.memref_slice %arg4[%add3A, %dma_start3A_8, %dma_start3A_9] : memref<32x160x64xi32, #tpu.memory_space<hbm>> -> memref<1x80x64xi32, #tpu.memory_space<hbm>>
    %dma_start3A_11 = tpu.memref_squeeze %dma_start3A_10 : memref<1x80x64xi32, #tpu.memory_space<hbm>> -> memref<80x64xi32, #tpu.memory_space<hbm>>
    tpu.enqueue_dma source(%dma_start3A_11 : memref<80x64xi32, #tpu.memory_space<hbm>>) target(%arg7 : memref<80x64xi32, #tpu.memory_space<vmem>>) target_semaphore(%arg21 : memref<!tpu.dma_semaphore, #tpu.memory_space<semaphore_mem>>)
    %broadcast_in_dim3A = arith.constant 0.000000e+00 : f32
    %broadcast_in_dim3A_12 = vector.broadcast %broadcast_in_dim3A : f32 to vector<16xf32>
    %scan3A = arith.constant 0 : i32
    %scan3A_13 = arith.constant 0 : i32
    %scan3A_14 = arith.constant 512 : i32
    %scan3A_15 = arith.addi %scan3A_13, %scan3A_14 : i32
    %scan3A_16 = arith.constant 1 : i32
    scf.for %scan3A_246 = %scan3A_13 to %scan3A_15 step %scan3A_16  : i32 {
      %jit3A = arith.constant 8 : i32
      %div3A = arith.divsi %scan3A_246, %jit3A : i32
      %sign3A = arith.constant 0 : i32
      %sign3A_247 = arith.cmpi sgt, %scan3A_246, %sign3A : i32
      %sign3A_248 = arith.extui %sign3A_247 : i1 to i32
      %sign3A_249 = arith.constant 0 : i32
      %sign3A_250 = arith.cmpi slt, %scan3A_246, %sign3A_249 : i32
      %sign3A_251 = arith.extui %sign3A_250 : i1 to i32
      %sign3A_252 = arith.subi %sign3A_248, %sign3A_251 : i32
      %sign3A_253 = arith.constant 0 : i32
      %sign3A_254 = arith.cmpi sgt, %jit3A, %sign3A_253 : i32
      %sign3A_255 = arith.extui %sign3A_254 : i1 to i32
      %sign3A_256 = arith.constant 0 : i32
      %sign3A_257 = arith.cmpi slt, %jit3A, %sign3A_256 : i32
      %sign3A_258 = arith.extui %sign3A_257 : i1 to i32
      %sign3A_259 = arith.subi %sign3A_255, %sign3A_258 : i32
      %ne3A = arith.cmpi ne, %sign3A_252, %sign3A_259 : i32
      %rem3A = arith.remsi %scan3A_246, %jit3A : i32
      %ne3A_260 = arith.constant 0 : i32
      %ne3A_261 = arith.cmpi ne, %rem3A, %ne3A_260 : i32
      %and3A = arith.andi %ne3A, %ne3A_261 : i1
      %sub3A = arith.constant 1 : i32
      %sub3A_262 = arith.subi %div3A, %sub3A : i32
      %select_n3A = arith.select %and3A, %sub3A_262, %div3A : i32
      %jit3A_263 = arith.constant 8 : i32
      %eq3A = arith.constant 0 : i32
      %eq3A_264 = arith.cmpi eq, %jit3A_263, %eq3A : i32
      %jit3A_265 = arith.constant 1 : i32
      %select_n3A_266 = arith.select %eq3A_264, %jit3A_265, %jit3A_263 : i32
      %rem3A_267 = arith.remsi %scan3A_246, %select_n3A_266 : i32
      %ne3A_268 = arith.constant 0 : i32
      %ne3A_269 = arith.cmpi ne, %rem3A_267, %ne3A_268 : i32
      %lt3A = arith.constant 0 : i32
      %lt3A_270 = arith.cmpi slt, %rem3A_267, %lt3A : i32
      %lt3A_271 = arith.constant 0 : i32
      %lt3A_272 = arith.cmpi slt, %select_n3A_266, %lt3A_271 : i32
      %ne3A_273 = arith.xori %lt3A_270, %lt3A_272 : i1
      %and3A_274 = arith.andi %ne3A_273, %ne3A_269 : i1
      %add3A_275 = arith.addi %rem3A_267, %select_n3A_266 : i32
      %select_n3A_276 = arith.select %and3A_274, %add3A_275, %rem3A_267 : i32
      %mul3A_277 = arith.constant 16 : i32
      %mul3A_278 = arith.muli %select_n3A_276, %mul3A_277 : i32
      %swap3A = arith.index_cast %select_n3A : i32 to index
      %swap3A_279 = arith.index_cast %mul3A_278 : i32 to index
      %swap3A_280 = tpu.vector_load %arg9[%swap3A, %swap3A_279] {strides = array<i32>} : memref<64x128xf32, #tpu.memory_space<vmem>>, vector<16xf32>,
      tpu.vector_store %arg9[%swap3A, %swap3A_279], %broadcast_in_dim3A_12 {strides = array<i32>} : memref<64x128xf32, #tpu.memory_space<vmem>>, vector<16xf32>,
    }
    %scan3A_17 = arith.constant 512 : i32
    %scan3A_18 = arith.constant 0 : i32
    %scan3A_19 = arith.constant 0 : i32
    %scan3A_20 = arith.constant 10 : i32
    %scan3A_21 = arith.addi %scan3A_19, %scan3A_20 : i32
    %scan3A_22 = arith.constant 1 : i32
    scf.for %scan3A_246 = %scan3A_19 to %scan3A_21 step %scan3A_22  : i32 {
      %mul3A_247 = arith.constant 640 : i32
      %mul3A_248 = arith.muli %arg1, %mul3A_247 : i32
      %mul3A_249 = arith.constant 64 : i32
      %mul3A_250 = arith.muli %scan3A_246, %mul3A_249 : i32
      %add3A_251 = arith.addi %mul3A_248, %mul3A_250 : i32
      "tpu.region"() ({
        %run_scoped3A = tpu.sem_alloc : memref<!tpu.dma_semaphore, #tpu.memory_space<semaphore_mem>>
        %dma_start3A_252 = arith.constant 0 : i32
        %dma_start3A_253 = tpu.memref_slice %arg8[%add3A_251, %dma_start3A_252] : memref<10240x128xf32, #tpu.memory_space<vmem_shared>> -> memref<64x128xf32, #tpu.memory_space<vmem_shared>>
        %dma_start3A_254 = arith.constant 0 : i32
        %dma_start3A_255 = tpu.memref_slice %arg8[%add3A_251, %dma_start3A_254] : memref<10240x128xf32, #tpu.memory_space<vmem_shared>> -> memref<64x128xf32, #tpu.memory_space<vmem_shared>>
        tpu.enqueue_dma source(%arg9 : memref<64x128xf32, #tpu.memory_space<vmem>>) target(%dma_start3A_255 : memref<64x128xf32, #tpu.memory_space<vmem_shared>>) target_semaphore(%run_scoped3A : memref<!tpu.dma_semaphore, #tpu.memory_space<semaphore_mem>>)
        %dma_wait3A_256 = arith.constant 0 : i32
        %dma_wait3A_257 = tpu.memref_slice %arg8[%add3A_251, %dma_wait3A_256] : memref<10240x128xf32, #tpu.memory_space<vmem_shared>> -> memref<64x128xf32, #tpu.memory_space<vmem_shared>>
        %dma_wait3A_258 = arith.constant 0 : i32
        %dma_wait3A_259 = tpu.memref_slice %arg8[%add3A_251, %dma_wait3A_258] : memref<10240x128xf32, #tpu.memory_space<vmem_shared>> -> memref<64x128xf32, #tpu.memory_space<vmem_shared>>
        tpu.wait_dma2 semaphore(%run_scoped3A : memref<!tpu.dma_semaphore, #tpu.memory_space<semaphore_mem>>) src(%arg9 : memref<64x128xf32, #tpu.memory_space<vmem>>) dst(%dma_wait3A_259 : memref<64x128xf32, #tpu.memory_space<vmem_shared>>)
        tpu.yield
      }) : () -> ()
    }
    %scan3A_23 = arith.constant 10 : i32
    %dma_wait3A = tpu.memref_slice %arg3[%mul3A_2] : memref<327680xi32, #tpu.memory_space<hbm>> -> memref<5120xi32, #tpu.memory_space<hbm>>
    %dma_wait3A_24 = tpu.memref_slice %arg3[%mul3A_2] : memref<327680xi32, #tpu.memory_space<hbm>> -> memref<5120xi32, #tpu.memory_space<hbm>>
    tpu.wait_dma2 semaphore(%arg21 : memref<!tpu.dma_semaphore, #tpu.memory_space<semaphore_mem>>) src(%dma_wait3A_24 : memref<5120xi32, #tpu.memory_space<hbm>>) dst(%arg6 : memref<5120xi32, #tpu.memory_space<vmem>>)
    %dma_wait3A_25 = arith.constant 0 : i32
    %dma_wait3A_26 = arith.constant 0 : i32
    %dma_wait3A_27 = tpu.memref_slice %arg4[%add3A, %dma_wait3A_25, %dma_wait3A_26] : memref<32x160x64xi32, #tpu.memory_space<hbm>> -> memref<1x80x64xi32, #tpu.memory_space<hbm>>
    %dma_wait3A_28 = tpu.memref_squeeze %dma_wait3A_27 : memref<1x80x64xi32, #tpu.memory_space<hbm>> -> memref<80x64xi32, #tpu.memory_space<hbm>>
    %dma_wait3A_29 = arith.constant 0 : i32
    %dma_wait3A_30 = arith.constant 0 : i32
    %dma_wait3A_31 = tpu.memref_slice %arg4[%add3A, %dma_wait3A_29, %dma_wait3A_30] : memref<32x160x64xi32, #tpu.memory_space<hbm>> -> memref<1x80x64xi32, #tpu.memory_space<hbm>>
    %dma_wait3A_32 = tpu.memref_squeeze %dma_wait3A_31 : memref<1x80x64xi32, #tpu.memory_space<hbm>> -> memref<80x64xi32, #tpu.memory_space<hbm>>
    tpu.wait_dma2 semaphore(%arg21 : memref<!tpu.dma_semaphore, #tpu.memory_space<semaphore_mem>>) src(%dma_wait3A_32 : memref<80x64xi32, #tpu.memory_space<hbm>>) dst(%arg7 : memref<80x64xi32, #tpu.memory_space<vmem>>)
    %barrier3A = arith.constant 0 : index
    tpu.barrier barrier_id(%barrier3A)
    %dma_start3A_33 = arith.constant 0 : i32
    %dma_start3A_34 = tpu.memref_slice %arg6[%dma_start3A_33] : memref<5120xi32, #tpu.memory_space<vmem>> -> memref<64xi32, #tpu.memory_space<vmem>>
    %dma_start3A_35 = arith.constant 0 : i32
    %dma_start3A_36 = arith.constant 0 : i32
    %dma_start3A_37 = tpu.memref_slice %arg2[%dma_start3A_35, %dma_start3A_36] : memref<10000x128xf32, #tpu.memory_space<hbm>> -> memref<10000x128xf32, #tpu.memory_space<hbm>>
    tpu.enqueue_indirect_dma source(%dma_start3A_37 : memref<10000x128xf32, #tpu.memory_space<hbm>>) target(%arg9 : memref<64x128xf32, #tpu.memory_space<vmem>>) offsets(%dma_start3A_34 : memref<64xi32, #tpu.memory_space<vmem>>) semaphore(%arg13 : memref<!tpu.dma_semaphore, #tpu.memory_space<semaphore_mem>>)
    %dma_start3A_38 = arith.constant 64 : i32
    %dma_start3A_39 = tpu.memref_slice %arg6[%dma_start3A_38] : memref<5120xi32, #tpu.memory_space<vmem>> -> memref<64xi32, #tpu.memory_space<vmem>>
    %dma_start3A_40 = arith.constant 0 : i32
    %dma_start3A_41 = arith.constant 0 : i32
    %dma_start3A_42 = tpu.memref_slice %arg2[%dma_start3A_40, %dma_start3A_41] : memref<10000x128xf32, #tpu.memory_space<hbm>> -> memref<10000x128xf32, #tpu.memory_space<hbm>>
    tpu.enqueue_indirect_dma source(%dma_start3A_42 : memref<10000x128xf32, #tpu.memory_space<hbm>>) target(%arg10 : memref<64x128xf32, #tpu.memory_space<vmem>>) offsets(%dma_start3A_39 : memref<64xi32, #tpu.memory_space<vmem>>) semaphore(%arg14 : memref<!tpu.dma_semaphore, #tpu.memory_space<semaphore_mem>>)
    %dma_start3A_43 = arith.constant 128 : i32
    %dma_start3A_44 = tpu.memref_slice %arg6[%dma_start3A_43] : memref<5120xi32, #tpu.memory_space<vmem>> -> memref<64xi32, #tpu.memory_space<vmem>>
    %dma_start3A_45 = arith.constant 0 : i32
    %dma_start3A_46 = arith.constant 0 : i32
    %dma_start3A_47 = tpu.memref_slice %arg2[%dma_start3A_45, %dma_start3A_46] : memref<10000x128xf32, #tpu.memory_space<hbm>> -> memref<10000x128xf32, #tpu.memory_space<hbm>>
    tpu.enqueue_indirect_dma source(%dma_start3A_47 : memref<10000x128xf32, #tpu.memory_space<hbm>>) target(%arg11 : memref<64x128xf32, #tpu.memory_space<vmem>>) offsets(%dma_start3A_44 : memref<64xi32, #tpu.memory_space<vmem>>) semaphore(%arg15 : memref<!tpu.dma_semaphore, #tpu.memory_space<semaphore_mem>>)
    %dma_start3A_48 = arith.constant 192 : i32
    %dma_start3A_49 = tpu.memref_slice %arg6[%dma_start3A_48] : memref<5120xi32, #tpu.memory_space<vmem>> -> memref<64xi32, #tpu.memory_space<vmem>>
    %dma_start3A_50 = arith.constant 0 : i32
    %dma_start3A_51 = arith.constant 0 : i32
    %dma_start3A_52 = tpu.memref_slice %arg2[%dma_start3A_50, %dma_start3A_51] : memref<10000x128xf32, #tpu.memory_space<hbm>> -> memref<10000x128xf32, #tpu.memory_space<hbm>>
    tpu.enqueue_indirect_dma source(%dma_start3A_52 : memref<10000x128xf32, #tpu.memory_space<hbm>>) target(%arg12 : memref<64x128xf32, #tpu.memory_space<vmem>>) offsets(%dma_start3A_49 : memref<64xi32, #tpu.memory_space<vmem>>) semaphore(%arg16 : memref<!tpu.dma_semaphore, #tpu.memory_space<semaphore_mem>>)
    %scan3A_53 = arith.constant 0 : i32
    %scan3A_54 = arith.constant 1 : i32
    %scan3A_55 = arith.constant 19 : i32
    %scan3A_56 = arith.addi %scan3A_54, %scan3A_55 : i32
    %scan3A_57 = arith.constant 1 : i32
    scf.for %scan3A_246 = %scan3A_54 to %scan3A_56 step %scan3A_57  : i32 {
      %dma_wait3A_247 = arith.constant 0 : i32
      %dma_wait3A_248 = tpu.memref_slice %arg6[%dma_wait3A_247] : memref<5120xi32, #tpu.memory_space<vmem>> -> memref<64xi32, #tpu.memory_space<vmem>>
      %dma_wait3A_249 = arith.constant 0 : i32
      %dma_wait3A_250 = arith.constant 0 : i32
      %dma_wait3A_251 = tpu.memref_slice %arg2[%dma_wait3A_249, %dma_wait3A_250] : memref<10000x128xf32, #tpu.memory_space<hbm>> -> memref<10000x128xf32, #tpu.memory_space<hbm>>
      tpu.wait_indirect_dma semaphore(%arg13 : memref<!tpu.dma_semaphore, #tpu.memory_space<semaphore_mem>>) src(%dma_wait3A_251 : memref<10000x128xf32, #tpu.memory_space<hbm>>) dst(%arg9 : memref<64x128xf32, #tpu.memory_space<vmem>>)
      %sub3A = arith.constant 1 : i32
      %sub3A_252 = arith.subi %scan3A_246, %sub3A : i32
      %mul3A_253 = arith.constant 4 : i32
      %mul3A_254 = arith.muli %sub3A_252, %mul3A_253 : i32
      %add3A_255 = arith.constant 0 : i32
      %add3A_256 = arith.addi %mul3A_254, %add3A_255 : i32
      %dma_start3A_257 = arith.constant 0 : i32
      %dma_start3A_258 = tpu.memref_slice %arg7[%add3A_256, %dma_start3A_257] : memref<80x64xi32, #tpu.memory_space<vmem>> -> memref<1x64xi32, #tpu.memory_space<vmem>>
      %dma_start3A_259 = tpu.memref_squeeze %dma_start3A_258 : memref<1x64xi32, #tpu.memory_space<vmem>> -> memref<64xi32, #tpu.memory_space<vmem>>
      %dma_start3A_260 = arith.constant 0 : i32
      %dma_start3A_261 = arith.constant 0 : i32
      %dma_start3A_262 = tpu.memref_slice %arg8[%dma_start3A_260, %dma_start3A_261] : memref<10240x128xf32, #tpu.memory_space<vmem_shared>> -> memref<10240x128xf32, #tpu.memory_space<vmem_shared>>
      tpu.enqueue_indirect_dma source(%arg9 : memref<64x128xf32, #tpu.memory_space<vmem>>) target(%dma_start3A_262 : memref<10240x128xf32, #tpu.memory_space<vmem_shared>>) offsets(%dma_start3A_259 : memref<64xi32, #tpu.memory_space<vmem>>) semaphore(%arg17 : memref<!tpu.dma_semaphore, #tpu.memory_space<semaphore_mem>>) {add = true}
      %dma_wait3A_263 = arith.constant 0 : i32
      %dma_wait3A_264 = tpu.memref_slice %arg6[%dma_wait3A_263] : memref<5120xi32, #tpu.memory_space<vmem>> -> memref<64xi32, #tpu.memory_space<vmem>>
      %dma_wait3A_265 = arith.constant 0 : i32
      %dma_wait3A_266 = arith.constant 0 : i32
      %dma_wait3A_267 = tpu.memref_slice %arg2[%dma_wait3A_265, %dma_wait3A_266] : memref<10000x128xf32, #tpu.memory_space<hbm>> -> memref<10000x128xf32, #tpu.memory_space<hbm>>
      tpu.wait_indirect_dma semaphore(%arg14 : memref<!tpu.dma_semaphore, #tpu.memory_space<semaphore_mem>>) src(%dma_wait3A_267 : memref<10000x128xf32, #tpu.memory_space<hbm>>) dst(%arg10 : memref<64x128xf32, #tpu.memory_space<vmem>>)
      %sub3A_268 = arith.constant 1 : i32
      %sub3A_269 = arith.subi %scan3A_246, %sub3A_268 : i32
      %mul3A_270 = arith.constant 4 : i32
      %mul3A_271 = arith.muli %sub3A_269, %mul3A_270 : i32
      %add3A_272 = arith.constant 1 : i32
      %add3A_273 = arith.addi %mul3A_271, %add3A_272 : i32
      %dma_start3A_274 = arith.constant 0 : i32
      %dma_start3A_275 = tpu.memref_slice %arg7[%add3A_273, %dma_start3A_274] : memref<80x64xi32, #tpu.memory_space<vmem>> -> memref<1x64xi32, #tpu.memory_space<vmem>>
      %dma_start3A_276 = tpu.memref_squeeze %dma_start3A_275 : memref<1x64xi32, #tpu.memory_space<vmem>> -> memref<64xi32, #tpu.memory_space<vmem>>
      %dma_start3A_277 = arith.constant 0 : i32
      %dma_start3A_278 = arith.constant 0 : i32
      %dma_start3A_279 = tpu.memref_slice %arg8[%dma_start3A_277, %dma_start3A_278] : memref<10240x128xf32, #tpu.memory_space<vmem_shared>> -> memref<10240x128xf32, #tpu.memory_space<vmem_shared>>
      tpu.enqueue_indirect_dma source(%arg10 : memref<64x128xf32, #tpu.memory_space<vmem>>) target(%dma_start3A_279 : memref<10240x128xf32, #tpu.memory_space<vmem_shared>>) offsets(%dma_start3A_276 : memref<64xi32, #tpu.memory_space<vmem>>) semaphore(%arg18 : memref<!tpu.dma_semaphore, #tpu.memory_space<semaphore_mem>>) {add = true}
      %dma_wait3A_280 = arith.constant 0 : i32
      %dma_wait3A_281 = tpu.memref_slice %arg6[%dma_wait3A_280] : memref<5120xi32, #tpu.memory_space<vmem>> -> memref<64xi32, #tpu.memory_space<vmem>>
      %dma_wait3A_282 = arith.constant 0 : i32
      %dma_wait3A_283 = arith.constant 0 : i32
      %dma_wait3A_284 = tpu.memref_slice %arg2[%dma_wait3A_282, %dma_wait3A_283] : memref<10000x128xf32, #tpu.memory_space<hbm>> -> memref<10000x128xf32, #tpu.memory_space<hbm>>
      tpu.wait_indirect_dma semaphore(%arg15 : memref<!tpu.dma_semaphore, #tpu.memory_space<semaphore_mem>>) src(%dma_wait3A_284 : memref<10000x128xf32, #tpu.memory_space<hbm>>) dst(%arg11 : memref<64x128xf32, #tpu.memory_space<vmem>>)
      %sub3A_285 = arith.constant 1 : i32
      %sub3A_286 = arith.subi %scan3A_246, %sub3A_285 : i32
      %mul3A_287 = arith.constant 4 : i32
      %mul3A_288 = arith.muli %sub3A_286, %mul3A_287 : i32
      %add3A_289 = arith.constant 2 : i32
      %add3A_290 = arith.addi %mul3A_288, %add3A_289 : i32
      %dma_start3A_291 = arith.constant 0 : i32
      %dma_start3A_292 = tpu.memref_slice %arg7[%add3A_290, %dma_start3A_291] : memref<80x64xi32, #tpu.memory_space<vmem>> -> memref<1x64xi32, #tpu.memory_space<vmem>>
      %dma_start3A_293 = tpu.memref_squeeze %dma_start3A_292 : memref<1x64xi32, #tpu.memory_space<vmem>> -> memref<64xi32, #tpu.memory_space<vmem>>
      %dma_start3A_294 = arith.constant 0 : i32
      %dma_start3A_295 = arith.constant 0 : i32
      %dma_start3A_296 = tpu.memref_slice %arg8[%dma_start3A_294, %dma_start3A_295] : memref<10240x128xf32, #tpu.memory_space<vmem_shared>> -> memref<10240x128xf32, #tpu.memory_space<vmem_shared>>
      tpu.enqueue_indirect_dma source(%arg11 : memref<64x128xf32, #tpu.memory_space<vmem>>) target(%dma_start3A_296 : memref<10240x128xf32, #tpu.memory_space<vmem_shared>>) offsets(%dma_start3A_293 : memref<64xi32, #tpu.memory_space<vmem>>) semaphore(%arg19 : memref<!tpu.dma_semaphore, #tpu.memory_space<semaphore_mem>>) {add = true}
      %dma_wait3A_297 = arith.constant 0 : i32
      %dma_wait3A_298 = tpu.memref_slice %arg6[%dma_wait3A_297] : memref<5120xi32, #tpu.memory_space<vmem>> -> memref<64xi32, #tpu.memory_space<vmem>>
      %dma_wait3A_299 = arith.constant 0 : i32
      %dma_wait3A_300 = arith.constant 0 : i32
      %dma_wait3A_301 = tpu.memref_slice %arg2[%dma_wait3A_299, %dma_wait3A_300] : memref<10000x128xf32, #tpu.memory_space<hbm>> -> memref<10000x128xf32, #tpu.memory_space<hbm>>
      tpu.wait_indirect_dma semaphore(%arg16 : memref<!tpu.dma_semaphore, #tpu.memory_space<semaphore_mem>>) src(%dma_wait3A_301 : memref<10000x128xf32, #tpu.memory_space<hbm>>) dst(%arg12 : memref<64x128xf32, #tpu.memory_space<vmem>>)
      %sub3A_302 = arith.constant 1 : i32
      %sub3A_303 = arith.subi %scan3A_246, %sub3A_302 : i32
      %mul3A_304 = arith.constant 4 : i32
      %mul3A_305 = arith.muli %sub3A_303, %mul3A_304 : i32
      %add3A_306 = arith.constant 3 : i32
      %add3A_307 = arith.addi %mul3A_305, %add3A_306 : i32
      %dma_start3A_308 = arith.constant 0 : i32
      %dma_start3A_309 = tpu.memref_slice %arg7[%add3A_307, %dma_start3A_308] : memref<80x64xi32, #tpu.memory_space<vmem>> -> memref<1x64xi32, #tpu.memory_space<vmem>>
      %dma_start3A_310 = tpu.memref_squeeze %dma_start3A_309 : memref<1x64xi32, #tpu.memory_space<vmem>> -> memref<64xi32, #tpu.memory_space<vmem>>
      %dma_start3A_311 = arith.constant 0 : i32
      %dma_start3A_312 = arith.constant 0 : i32
      %dma_start3A_313 = tpu.memref_slice %arg8[%dma_start3A_311, %dma_start3A_312] : memref<10240x128xf32, #tpu.memory_space<vmem_shared>> -> memref<10240x128xf32, #tpu.memory_space<vmem_shared>>
      tpu.enqueue_indirect_dma source(%arg12 : memref<64x128xf32, #tpu.memory_space<vmem>>) target(%dma_start3A_313 : memref<10240x128xf32, #tpu.memory_space<vmem_shared>>) offsets(%dma_start3A_310 : memref<64xi32, #tpu.memory_space<vmem>>) semaphore(%arg20 : memref<!tpu.dma_semaphore, #tpu.memory_space<semaphore_mem>>) {add = true}
      %dma_wait3A_314 = arith.constant 0 : i32
      %dma_wait3A_315 = arith.constant 0 : i32
      %dma_wait3A_316 = tpu.memref_slice %arg7[%dma_wait3A_314, %dma_wait3A_315] : memref<80x64xi32, #tpu.memory_space<vmem>> -> memref<1x64xi32, #tpu.memory_space<vmem>>
      %dma_wait3A_317 = tpu.memref_squeeze %dma_wait3A_316 : memref<1x64xi32, #tpu.memory_space<vmem>> -> memref<64xi32, #tpu.memory_space<vmem>>
      %dma_wait3A_318 = arith.constant 0 : i32
      %dma_wait3A_319 = arith.constant 0 : i32
      %dma_wait3A_320 = tpu.memref_slice %arg8[%dma_wait3A_318, %dma_wait3A_319] : memref<10240x128xf32, #tpu.memory_space<vmem_shared>> -> memref<10240x128xf32, #tpu.memory_space<vmem_shared>>
      tpu.wait_indirect_dma semaphore(%arg17 : memref<!tpu.dma_semaphore, #tpu.memory_space<semaphore_mem>>) src(%arg9 : memref<64x128xf32, #tpu.memory_space<vmem>>) dst(%dma_wait3A_320 : memref<10240x128xf32, #tpu.memory_space<vmem_shared>>)
      %mul3A_321 = arith.constant 4 : i32
      %mul3A_322 = arith.muli %scan3A_246, %mul3A_321 : i32
      %add3A_323 = arith.constant 0 : i32
      %add3A_324 = arith.addi %mul3A_322, %add3A_323 : i32
      %mul3A_325 = arith.constant 64 : i32
      %mul3A_326 = arith.muli %add3A_324, %mul3A_325 : i32
      %dma_start3A_327 = tpu.memref_slice %arg6[%mul3A_326] : memref<5120xi32, #tpu.memory_space<vmem>> -> memref<64xi32, #tpu.memory_space<vmem>>
      %dma_start3A_328 = arith.constant 0 : i32
      %dma_start3A_329 = arith.constant 0 : i32
      %dma_start3A_330 = tpu.memref_slice %arg2[%dma_start3A_328, %dma_start3A_329] : memref<10000x128xf32, #tpu.memory_space<hbm>> -> memref<10000x128xf32, #tpu.memory_space<hbm>>
      tpu.enqueue_indirect_dma source(%dma_start3A_330 : memref<10000x128xf32, #tpu.memory_space<hbm>>) target(%arg9 : memref<64x128xf32, #tpu.memory_space<vmem>>) offsets(%dma_start3A_327 : memref<64xi32, #tpu.memory_space<vmem>>) semaphore(%arg13 : memref<!tpu.dma_semaphore, #tpu.memory_space<semaphore_mem>>)
      %dma_wait3A_331 = arith.constant 0 : i32
      %dma_wait3A_332 = arith.constant 0 : i32
      %dma_wait3A_333 = tpu.memref_slice %arg7[%dma_wait3A_331, %dma_wait3A_332] : memref<80x64xi32, #tpu.memory_space<vmem>> -> memref<1x64xi32, #tpu.memory_space<vmem>>
      %dma_wait3A_334 = tpu.memref_squeeze %dma_wait3A_333 : memref<1x64xi32, #tpu.memory_space<vmem>> -> memref<64xi32, #tpu.memory_space<vmem>>
      %dma_wait3A_335 = arith.constant 0 : i32
      %dma_wait3A_336 = arith.constant 0 : i32
      %dma_wait3A_337 = tpu.memref_slice %arg8[%dma_wait3A_335, %dma_wait3A_336] : memref<10240x128xf32, #tpu.memory_space<vmem_shared>> -> memref<10240x128xf32, #tpu.memory_space<vmem_shared>>
      tpu.wait_indirect_dma semaphore(%arg18 : memref<!tpu.dma_semaphore, #tpu.memory_space<semaphore_mem>>) src(%arg10 : memref<64x128xf32, #tpu.memory_space<vmem>>) dst(%dma_wait3A_337 : memref<10240x128xf32, #tpu.memory_space<vmem_shared>>)
      %mul3A_338 = arith.constant 4 : i32
      %mul3A_339 = arith.muli %scan3A_246, %mul3A_338 : i32
      %add3A_340 = arith.constant 1 : i32
      %add3A_341 = arith.addi %mul3A_339, %add3A_340 : i32
      %mul3A_342 = arith.constant 64 : i32
      %mul3A_343 = arith.muli %add3A_341, %mul3A_342 : i32
      %dma_start3A_344 = tpu.memref_slice %arg6[%mul3A_343] : memref<5120xi32, #tpu.memory_space<vmem>> -> memref<64xi32, #tpu.memory_space<vmem>>
      %dma_start3A_345 = arith.constant 0 : i32
      %dma_start3A_346 = arith.constant 0 : i32
      %dma_start3A_347 = tpu.memref_slice %arg2[%dma_start3A_345, %dma_start3A_346] : memref<10000x128xf32, #tpu.memory_space<hbm>> -> memref<10000x128xf32, #tpu.memory_space<hbm>>
      tpu.enqueue_indirect_dma source(%dma_start3A_347 : memref<10000x128xf32, #tpu.memory_space<hbm>>) target(%arg10 : memref<64x128xf32, #tpu.memory_space<vmem>>) offsets(%dma_start3A_344 : memref<64xi32, #tpu.memory_space<vmem>>) semaphore(%arg14 : memref<!tpu.dma_semaphore, #tpu.memory_space<semaphore_mem>>)
      %dma_wait3A_348 = arith.constant 0 : i32
      %dma_wait3A_349 = arith.constant 0 : i32
      %dma_wait3A_350 = tpu.memref_slice %arg7[%dma_wait3A_348, %dma_wait3A_349] : memref<80x64xi32, #tpu.memory_space<vmem>> -> memref<1x64xi32, #tpu.memory_space<vmem>>
      %dma_wait3A_351 = tpu.memref_squeeze %dma_wait3A_350 : memref<1x64xi32, #tpu.memory_space<vmem>> -> memref<64xi32, #tpu.memory_space<vmem>>
      %dma_wait3A_352 = arith.constant 0 : i32
      %dma_wait3A_353 = arith.constant 0 : i32
      %dma_wait3A_354 = tpu.memref_slice %arg8[%dma_wait3A_352, %dma_wait3A_353] : memref<10240x128xf32, #tpu.memory_space<vmem_shared>> -> memref<10240x128xf32, #tpu.memory_space<vmem_shared>>
      tpu.wait_indirect_dma semaphore(%arg19 : memref<!tpu.dma_semaphore, #tpu.memory_space<semaphore_mem>>) src(%arg11 : memref<64x128xf32, #tpu.memory_space<vmem>>) dst(%dma_wait3A_354 : memref<10240x128xf32, #tpu.memory_space<vmem_shared>>)
      %mul3A_355 = arith.constant 4 : i32
      %mul3A_356 = arith.muli %scan3A_246, %mul3A_355 : i32
      %add3A_357 = arith.constant 2 : i32
      %add3A_358 = arith.addi %mul3A_356, %add3A_357 : i32
      %mul3A_359 = arith.constant 64 : i32
      %mul3A_360 = arith.muli %add3A_358, %mul3A_359 : i32
      %dma_start3A_361 = tpu.memref_slice %arg6[%mul3A_360] : memref<5120xi32, #tpu.memory_space<vmem>> -> memref<64xi32, #tpu.memory_space<vmem>>
      %dma_start3A_362 = arith.constant 0 : i32
      %dma_start3A_363 = arith.constant 0 : i32
      %dma_start3A_364 = tpu.memref_slice %arg2[%dma_start3A_362, %dma_start3A_363] : memref<10000x128xf32, #tpu.memory_space<hbm>> -> memref<10000x128xf32, #tpu.memory_space<hbm>>
      tpu.enqueue_indirect_dma source(%dma_start3A_364 : memref<10000x128xf32, #tpu.memory_space<hbm>>) target(%arg11 : memref<64x128xf32, #tpu.memory_space<vmem>>) offsets(%dma_start3A_361 : memref<64xi32, #tpu.memory_space<vmem>>) semaphore(%arg15 : memref<!tpu.dma_semaphore, #tpu.memory_space<semaphore_mem>>)
      %dma_wait3A_365 = arith.constant 0 : i32
      %dma_wait3A_366 = arith.constant 0 : i32
      %dma_wait3A_367 = tpu.memref_slice %arg7[%dma_wait3A_365, %dma_wait3A_366] : memref<80x64xi32, #tpu.memory_space<vmem>> -> memref<1x64xi32, #tpu.memory_space<vmem>>
      %dma_wait3A_368 = tpu.memref_squeeze %dma_wait3A_367 : memref<1x64xi32, #tpu.memory_space<vmem>> -> memref<64xi32, #tpu.memory_space<vmem>>
      %dma_wait3A_369 = arith.constant 0 : i32
      %dma_wait3A_370 = arith.constant 0 : i32
      %dma_wait3A_371 = tpu.memref_slice %arg8[%dma_wait3A_369, %dma_wait3A_370] : memref<10240x128xf32, #tpu.memory_space<vmem_shared>> -> memref<10240x128xf32, #tpu.memory_space<vmem_shared>>
      tpu.wait_indirect_dma semaphore(%arg20 : memref<!tpu.dma_semaphore, #tpu.memory_space<semaphore_mem>>) src(%arg12 : memref<64x128xf32, #tpu.memory_space<vmem>>) dst(%dma_wait3A_371 : memref<10240x128xf32, #tpu.memory_space<vmem_shared>>)
      %mul3A_372 = arith.constant 4 : i32
      %mul3A_373 = arith.muli %scan3A_246, %mul3A_372 : i32
      %add3A_374 = arith.constant 3 : i32
      %add3A_375 = arith.addi %mul3A_373, %add3A_374 : i32
      %mul3A_376 = arith.constant 64 : i32
      %mul3A_377 = arith.muli %add3A_375, %mul3A_376 : i32
      %dma_start3A_378 = tpu.memref_slice %arg6[%mul3A_377] : memref<5120xi32, #tpu.memory_space<vmem>> -> memref<64xi32, #tpu.memory_space<vmem>>
      %dma_start3A_379 = arith.constant 0 : i32
      %dma_start3A_380 = arith.constant 0 : i32
      %dma_start3A_381 = tpu.memref_slice %arg2[%dma_start3A_379, %dma_start3A_380] : memref<10000x128xf32, #tpu.memory_space<hbm>> -> memref<10000x128xf32, #tpu.memory_space<hbm>>
      tpu.enqueue_indirect_dma source(%dma_start3A_381 : memref<10000x128xf32, #tpu.memory_space<hbm>>) target(%arg12 : memref<64x128xf32, #tpu.memory_space<vmem>>) offsets(%dma_start3A_378 : memref<64xi32, #tpu.memory_space<vmem>>) semaphore(%arg16 : memref<!tpu.dma_semaphore, #tpu.memory_space<semaphore_mem>>)
    }
    %scan3A_58 = arith.constant 19 : i32
    %dma_wait3A_59 = arith.constant 0 : i32
    %dma_wait3A_60 = tpu.memref_slice %arg6[%dma_wait3A_59] : memref<5120xi32, #tpu.memory_space<vmem>> -> memref<64xi32, #tpu.memory_space<vmem>>
    %dma_wait3A_61 = arith.constant 0 : i32
    %dma_wait3A_62 = arith.constant 0 : i32
    %dma_wait3A_63 = tpu.memref_slice %arg2[%dma_wait3A_61, %dma_wait3A_62] : memref<10000x128xf32, #tpu.memory_space<hbm>> -> memref<10000x128xf32, #tpu.memory_space<hbm>>
    tpu.wait_indirect_dma semaphore(%arg13 : memref<!tpu.dma_semaphore, #tpu.memory_space<semaphore_mem>>) src(%dma_wait3A_63 : memref<10000x128xf32, #tpu.memory_space<hbm>>) dst(%arg9 : memref<64x128xf32, #tpu.memory_space<vmem>>)
    %dma_start3A_64 = arith.constant 76 : i32
    %dma_start3A_65 = arith.constant 0 : i32
    %dma_start3A_66 = tpu.memref_slice %arg7[%dma_start3A_64, %dma_start3A_65] : memref<80x64xi32, #tpu.memory_space<vmem>> -> memref<1x64xi32, #tpu.memory_space<vmem>>
    %dma_start3A_67 = tpu.memref_squeeze %dma_start3A_66 : memref<1x64xi32, #tpu.memory_space<vmem>> -> memref<64xi32, #tpu.memory_space<vmem>>
    %dma_start3A_68 = arith.constant 0 : i32
    %dma_start3A_69 = arith.constant 0 : i32
    %dma_start3A_70 = tpu.memref_slice %arg8[%dma_start3A_68, %dma_start3A_69] : memref<10240x128xf32, #tpu.memory_space<vmem_shared>> -> memref<10240x128xf32, #tpu.memory_space<vmem_shared>>
    tpu.enqueue_indirect_dma source(%arg9 : memref<64x128xf32, #tpu.memory_space<vmem>>) target(%dma_start3A_70 : memref<10240x128xf32, #tpu.memory_space<vmem_shared>>) offsets(%dma_start3A_67 : memref<64xi32, #tpu.memory_space<vmem>>) semaphore(%arg17 : memref<!tpu.dma_semaphore, #tpu.memory_space<semaphore_mem>>) {add = true}
    %dma_wait3A_71 = arith.constant 0 : i32
    %dma_wait3A_72 = tpu.memref_slice %arg6[%dma_wait3A_71] : memref<5120xi32, #tpu.memory_space<vmem>> -> memref<64xi32, #tpu.memory_space<vmem>>
    %dma_wait3A_73 = arith.constant 0 : i32
    %dma_wait3A_74 = arith.constant 0 : i32
    %dma_wait3A_75 = tpu.memref_slice %arg2[%dma_wait3A_73, %dma_wait3A_74] : memref<10000x128xf32, #tpu.memory_space<hbm>> -> memref<10000x128xf32, #tpu.memory_space<hbm>>
    tpu.wait_indirect_dma semaphore(%arg14 : memref<!tpu.dma_semaphore, #tpu.memory_space<semaphore_mem>>) src(%dma_wait3A_75 : memref<10000x128xf32, #tpu.memory_space<hbm>>) dst(%arg10 : memref<64x128xf32, #tpu.memory_space<vmem>>)
    %dma_start3A_76 = arith.constant 77 : i32
    %dma_start3A_77 = arith.constant 0 : i32
    %dma_start3A_78 = tpu.memref_slice %arg7[%dma_start3A_76, %dma_start3A_77] : memref<80x64xi32, #tpu.memory_space<vmem>> -> memref<1x64xi32, #tpu.memory_space<vmem>>
    %dma_start3A_79 = tpu.memref_squeeze %dma_start3A_78 : memref<1x64xi32, #tpu.memory_space<vmem>> -> memref<64xi32, #tpu.memory_space<vmem>>
    %dma_start3A_80 = arith.constant 0 : i32
    %dma_start3A_81 = arith.constant 0 : i32
    %dma_start3A_82 = tpu.memref_slice %arg8[%dma_start3A_80, %dma_start3A_81] : memref<10240x128xf32, #tpu.memory_space<vmem_shared>> -> memref<10240x128xf32, #tpu.memory_space<vmem_shared>>
    tpu.enqueue_indirect_dma source(%arg10 : memref<64x128xf32, #tpu.memory_space<vmem>>) target(%dma_start3A_82 : memref<10240x128xf32, #tpu.memory_space<vmem_shared>>) offsets(%dma_start3A_79 : memref<64xi32, #tpu.memory_space<vmem>>) semaphore(%arg18 : memref<!tpu.dma_semaphore, #tpu.memory_space<semaphore_mem>>) {add = true}
    %dma_wait3A_83 = arith.constant 0 : i32
    %dma_wait3A_84 = tpu.memref_slice %arg6[%dma_wait3A_83] : memref<5120xi32, #tpu.memory_space<vmem>> -> memref<64xi32, #tpu.memory_space<vmem>>
    %dma_wait3A_85 = arith.constant 0 : i32
    %dma_wait3A_86 = arith.constant 0 : i32
    %dma_wait3A_87 = tpu.memref_slice %arg2[%dma_wait3A_85, %dma_wait3A_86] : memref<10000x128xf32, #tpu.memory_space<hbm>> -> memref<10000x128xf32, #tpu.memory_space<hbm>>
    tpu.wait_indirect_dma semaphore(%arg15 : memref<!tpu.dma_semaphore, #tpu.memory_space<semaphore_mem>>) src(%dma_wait3A_87 : memref<10000x128xf32, #tpu.memory_space<hbm>>) dst(%arg11 : memref<64x128xf32, #tpu.memory_space<vmem>>)
    %dma_start3A_88 = arith.constant 78 : i32
    %dma_start3A_89 = arith.constant 0 : i32
    %dma_start3A_90 = tpu.memref_slice %arg7[%dma_start3A_88, %dma_start3A_89] : memref<80x64xi32, #tpu.memory_space<vmem>> -> memref<1x64xi32, #tpu.memory_space<vmem>>
    %dma_start3A_91 = tpu.memref_squeeze %dma_start3A_90 : memref<1x64xi32, #tpu.memory_space<vmem>> -> memref<64xi32, #tpu.memory_space<vmem>>
    %dma_start3A_92 = arith.constant 0 : i32
    %dma_start3A_93 = arith.constant 0 : i32
    %dma_start3A_94 = tpu.memref_slice %arg8[%dma_start3A_92, %dma_start3A_93] : memref<10240x128xf32, #tpu.memory_space<vmem_shared>> -> memref<10240x128xf32, #tpu.memory_space<vmem_shared>>
    tpu.enqueue_indirect_dma source(%arg11 : memref<64x128xf32, #tpu.memory_space<vmem>>) target(%dma_start3A_94 : memref<10240x128xf32, #tpu.memory_space<vmem_shared>>) offsets(%dma_start3A_91 : memref<64xi32, #tpu.memory_space<vmem>>) semaphore(%arg19 : memref<!tpu.dma_semaphore, #tpu.memory_space<semaphore_mem>>) {add = true}
    %dma_wait3A_95 = arith.constant 0 : i32
    %dma_wait3A_96 = tpu.memref_slice %arg6[%dma_wait3A_95] : memref<5120xi32, #tpu.memory_space<vmem>> -> memref<64xi32, #tpu.memory_space<vmem>>
    %dma_wait3A_97 = arith.constant 0 : i32
    %dma_wait3A_98 = arith.constant 0 : i32
    %dma_wait3A_99 = tpu.memref_slice %arg2[%dma_wait3A_97, %dma_wait3A_98] : memref<10000x128xf32, #tpu.memory_space<hbm>> -> memref<10000x128xf32, #tpu.memory_space<hbm>>
    tpu.wait_indirect_dma semaphore(%arg16 : memref<!tpu.dma_semaphore, #tpu.memory_space<semaphore_mem>>) src(%dma_wait3A_99 : memref<10000x128xf32, #tpu.memory_space<hbm>>) dst(%arg12 : memref<64x128xf32, #tpu.memory_space<vmem>>)
    %dma_start3A_100 = arith.constant 79 : i32
    %dma_start3A_101 = arith.constant 0 : i32
    %dma_start3A_102 = tpu.memref_slice %arg7[%dma_start3A_100, %dma_start3A_101] : memref<80x64xi32, #tpu.memory_space<vmem>> -> memref<1x64xi32, #tpu.memory_space<vmem>>
    %dma_start3A_103 = tpu.memref_squeeze %dma_start3A_102 : memref<1x64xi32, #tpu.memory_space<vmem>> -> memref<64xi32, #tpu.memory_space<vmem>>
    %dma_start3A_104 = arith.constant 0 : i32
    %dma_start3A_105 = arith.constant 0 : i32
    %dma_start3A_106 = tpu.memref_slice %arg8[%dma_start3A_104, %dma_start3A_105] : memref<10240x128xf32, #tpu.memory_space<vmem_shared>> -> memref<10240x128xf32, #tpu.memory_space<vmem_shared>>
    tpu.enqueue_indirect_dma source(%arg12 : memref<64x128xf32, #tpu.memory_space<vmem>>) target(%dma_start3A_106 : memref<10240x128xf32, #tpu.memory_space<vmem_shared>>) offsets(%dma_start3A_103 : memref<64xi32, #tpu.memory_space<vmem>>) semaphore(%arg20 : memref<!tpu.dma_semaphore, #tpu.memory_space<semaphore_mem>>) {add = true}
    %dma_wait3A_107 = arith.constant 0 : i32
    %dma_wait3A_108 = arith.constant 0 : i32
    %dma_wait3A_109 = tpu.memref_slice %arg7[%dma_wait3A_107, %dma_wait3A_108] : memref<80x64xi32, #tpu.memory_space<vmem>> -> memref<1x64xi32, #tpu.memory_space<vmem>>
    %dma_wait3A_110 = tpu.memref_squeeze %dma_wait3A_109 : memref<1x64xi32, #tpu.memory_space<vmem>> -> memref<64xi32, #tpu.memory_space<vmem>>
    %dma_wait3A_111 = arith.constant 0 : i32
    %dma_wait3A_112 = arith.constant 0 : i32
    %dma_wait3A_113 = tpu.memref_slice %arg8[%dma_wait3A_111, %dma_wait3A_112] : memref<10240x128xf32, #tpu.memory_space<vmem_shared>> -> memref<10240x128xf32, #tpu.memory_space<vmem_shared>>
    tpu.wait_indirect_dma semaphore(%arg17 : memref<!tpu.dma_semaphore, #tpu.memory_space<semaphore_mem>>) src(%arg9 : memref<64x128xf32, #tpu.memory_space<vmem>>) dst(%dma_wait3A_113 : memref<10240x128xf32, #tpu.memory_space<vmem_shared>>)
    %dma_wait3A_114 = arith.constant 0 : i32
    %dma_wait3A_115 = arith.constant 0 : i32
    %dma_wait3A_116 = tpu.memref_slice %arg7[%dma_wait3A_114, %dma_wait3A_115] : memref<80x64xi32, #tpu.memory_space<vmem>> -> memref<1x64xi32, #tpu.memory_space<vmem>>
    %dma_wait3A_117 = tpu.memref_squeeze %dma_wait3A_116 : memref<1x64xi32, #tpu.memory_space<vmem>> -> memref<64xi32, #tpu.memory_space<vmem>>
    %dma_wait3A_118 = arith.constant 0 : i32
    %dma_wait3A_119 = arith.constant 0 : i32
    %dma_wait3A_120 = tpu.memref_slice %arg8[%dma_wait3A_118, %dma_wait3A_119] : memref<10240x128xf32, #tpu.memory_space<vmem_shared>> -> memref<10240x128xf32, #tpu.memory_space<vmem_shared>>
    tpu.wait_indirect_dma semaphore(%arg18 : memref<!tpu.dma_semaphore, #tpu.memory_space<semaphore_mem>>) src(%arg10 : memref<64x128xf32, #tpu.memory_space<vmem>>) dst(%dma_wait3A_120 : memref<10240x128xf32, #tpu.memory_space<vmem_shared>>)
    %dma_wait3A_121 = arith.constant 0 : i32
    %dma_wait3A_122 = arith.constant 0 : i32
    %dma_wait3A_123 = tpu.memref_slice %arg7[%dma_wait3A_121, %dma_wait3A_122] : memref<80x64xi32, #tpu.memory_space<vmem>> -> memref<1x64xi32, #tpu.memory_space<vmem>>
    %dma_wait3A_124 = tpu.memref_squeeze %dma_wait3A_123 : memref<1x64xi32, #tpu.memory_space<vmem>> -> memref<64xi32, #tpu.memory_space<vmem>>
    %dma_wait3A_125 = arith.constant 0 : i32
    %dma_wait3A_126 = arith.constant 0 : i32
    %dma_wait3A_127 = tpu.memref_slice %arg8[%dma_wait3A_125, %dma_wait3A_126] : memref<10240x128xf32, #tpu.memory_space<vmem_shared>> -> memref<10240x128xf32, #tpu.memory_space<vmem_shared>>
    tpu.wait_indirect_dma semaphore(%arg19 : memref<!tpu.dma_semaphore, #tpu.memory_space<semaphore_mem>>) src(%arg11 : memref<64x128xf32, #tpu.memory_space<vmem>>) dst(%dma_wait3A_127 : memref<10240x128xf32, #tpu.memory_space<vmem_shared>>)
    %dma_wait3A_128 = arith.constant 0 : i32
    %dma_wait3A_129 = arith.constant 0 : i32
    %dma_wait3A_130 = tpu.memref_slice %arg7[%dma_wait3A_128, %dma_wait3A_129] : memref<80x64xi32, #tpu.memory_space<vmem>> -> memref<1x64xi32, #tpu.memory_space<vmem>>
    %dma_wait3A_131 = tpu.memref_squeeze %dma_wait3A_130 : memref<1x64xi32, #tpu.memory_space<vmem>> -> memref<64xi32, #tpu.memory_space<vmem>>
    %dma_wait3A_132 = arith.constant 0 : i32
    %dma_wait3A_133 = arith.constant 0 : i32
    %dma_wait3A_134 = tpu.memref_slice %arg8[%dma_wait3A_132, %dma_wait3A_133] : memref<10240x128xf32, #tpu.memory_space<vmem_shared>> -> memref<10240x128xf32, #tpu.memory_space<vmem_shared>>
    tpu.wait_indirect_dma semaphore(%arg20 : memref<!tpu.dma_semaphore, #tpu.memory_space<semaphore_mem>>) src(%arg12 : memref<64x128xf32, #tpu.memory_space<vmem>>) dst(%dma_wait3A_134 : memref<10240x128xf32, #tpu.memory_space<vmem_shared>>)
    %mul3A_135 = arith.constant 10240 : i32
    %mul3A_136 = arith.muli %add3A, %mul3A_135 : i32
    %add3A_137 = arith.constant 5120 : i32
    %add3A_138 = arith.addi %mul3A_136, %add3A_137 : i32
    "tpu.region"() ({
      %run_scoped3A = tpu.sem_alloc : memref<!tpu.dma_semaphore, #tpu.memory_space<semaphore_mem>>
      %dma_start3A_246 = tpu.memref_slice %arg3[%add3A_138] : memref<327680xi32, #tpu.memory_space<hbm>> -> memref<5120xi32, #tpu.memory_space<hbm>>
      %dma_start3A_247 = tpu.memref_slice %arg3[%add3A_138] : memref<327680xi32, #tpu.memory_space<hbm>> -> memref<5120xi32, #tpu.memory_space<hbm>>
      tpu.enqueue_dma source(%dma_start3A_247 : memref<5120xi32, #tpu.memory_space<hbm>>) target(%arg6 : memref<5120xi32, #tpu.memory_space<vmem>>) target_semaphore(%run_scoped3A : memref<!tpu.dma_semaphore, #tpu.memory_space<semaphore_mem>>)
      %dma_wait3A_248 = tpu.memref_slice %arg3[%add3A_138] : memref<327680xi32, #tpu.memory_space<hbm>> -> memref<5120xi32, #tpu.memory_space<hbm>>
      %dma_wait3A_249 = tpu.memref_slice %arg3[%add3A_138] : memref<327680xi32, #tpu.memory_space<hbm>> -> memref<5120xi32, #tpu.memory_space<hbm>>
      tpu.wait_dma2 semaphore(%run_scoped3A : memref<!tpu.dma_semaphore, #tpu.memory_space<semaphore_mem>>) src(%dma_wait3A_249 : memref<5120xi32, #tpu.memory_space<hbm>>) dst(%arg6 : memref<5120xi32, #tpu.memory_space<vmem>>)
      tpu.yield
    }) : () -> ()
    "tpu.region"() ({
      %run_scoped3A = tpu.sem_alloc : memref<!tpu.dma_semaphore, #tpu.memory_space<semaphore_mem>>
      %dma_start3A_246 = arith.constant 80 : i32
      %dma_start3A_247 = arith.constant 0 : i32
      %dma_start3A_248 = tpu.memref_slice %arg4[%add3A, %dma_start3A_246, %dma_start3A_247] : memref<32x160x64xi32, #tpu.memory_space<hbm>> -> memref<1x80x64xi32, #tpu.memory_space<hbm>>
      %dma_start3A_249 = tpu.memref_squeeze %dma_start3A_248 : memref<1x80x64xi32, #tpu.memory_space<hbm>> -> memref<80x64xi32, #tpu.memory_space<hbm>>
      %dma_start3A_250 = arith.constant 80 : i32
      %dma_start3A_251 = arith.constant 0 : i32
      %dma_start3A_252 = tpu.memref_slice %arg4[%add3A, %dma_start3A_250, %dma_start3A_251] : memref<32x160x64xi32, #tpu.memory_space<hbm>> -> memref<1x80x64xi32, #tpu.memory_space<hbm>>
      %dma_start3A_253 = tpu.memref_squeeze %dma_start3A_252 : memref<1x80x64xi32, #tpu.memory_space<hbm>> -> memref<80x64xi32, #tpu.memory_space<hbm>>
      tpu.enqueue_dma source(%dma_start3A_253 : memref<80x64xi32, #tpu.memory_space<hbm>>) target(%arg7 : memref<80x64xi32, #tpu.memory_space<vmem>>) target_semaphore(%run_scoped3A : memref<!tpu.dma_semaphore, #tpu.memory_space<semaphore_mem>>)
      %dma_wait3A_254 = arith.constant 80 : i32
      %dma_wait3A_255 = arith.constant 0 : i32
      %dma_wait3A_256 = tpu.memref_slice %arg4[%add3A, %dma_wait3A_254, %dma_wait3A_255] : memref<32x160x64xi32, #tpu.memory_space<hbm>> -> memref<1x80x64xi32, #tpu.memory_space<hbm>>
      %dma_wait3A_257 = tpu.memref_squeeze %dma_wait3A_256 : memref<1x80x64xi32, #tpu.memory_space<hbm>> -> memref<80x64xi32, #tpu.memory_space<hbm>>
      %dma_wait3A_258 = arith.constant 80 : i32
      %dma_wait3A_259 = arith.constant 0 : i32
      %dma_wait3A_260 = tpu.memref_slice %arg4[%add3A, %dma_wait3A_258, %dma_wait3A_259] : memref<32x160x64xi32, #tpu.memory_space<hbm>> -> memref<1x80x64xi32, #tpu.memory_space<hbm>>
      %dma_wait3A_261 = tpu.memref_squeeze %dma_wait3A_260 : memref<1x80x64xi32, #tpu.memory_space<hbm>> -> memref<80x64xi32, #tpu.memory_space<hbm>>
      tpu.wait_dma2 semaphore(%run_scoped3A : memref<!tpu.dma_semaphore, #tpu.memory_space<semaphore_mem>>) src(%dma_wait3A_261 : memref<80x64xi32, #tpu.memory_space<hbm>>) dst(%arg7 : memref<80x64xi32, #tpu.memory_space<vmem>>)
      tpu.yield
    }) : () -> ()
    %dma_start3A_139 = arith.constant 0 : i32
    %dma_start3A_140 = tpu.memref_slice %arg6[%dma_start3A_139] : memref<5120xi32, #tpu.memory_space<vmem>> -> memref<64xi32, #tpu.memory_space<vmem>>
    %dma_start3A_141 = arith.constant 0 : i32
    %dma_start3A_142 = arith.constant 0 : i32
    %dma_start3A_143 = tpu.memref_slice %arg2[%dma_start3A_141, %dma_start3A_142] : memref<10000x128xf32, #tpu.memory_space<hbm>> -> memref<10000x128xf32, #tpu.memory_space<hbm>>
    tpu.enqueue_indirect_dma source(%dma_start3A_143 : memref<10000x128xf32, #tpu.memory_space<hbm>>) target(%arg9 : memref<64x128xf32, #tpu.memory_space<vmem>>) offsets(%dma_start3A_140 : memref<64xi32, #tpu.memory_space<vmem>>) semaphore(%arg13 : memref<!tpu.dma_semaphore, #tpu.memory_space<semaphore_mem>>)
    %dma_start3A_144 = arith.constant 64 : i32
    %dma_start3A_145 = tpu.memref_slice %arg6[%dma_start3A_144] : memref<5120xi32, #tpu.memory_space<vmem>> -> memref<64xi32, #tpu.memory_space<vmem>>
    %dma_start3A_146 = arith.constant 0 : i32
    %dma_start3A_147 = arith.constant 0 : i32
    %dma_start3A_148 = tpu.memref_slice %arg2[%dma_start3A_146, %dma_start3A_147] : memref<10000x128xf32, #tpu.memory_space<hbm>> -> memref<10000x128xf32, #tpu.memory_space<hbm>>
    tpu.enqueue_indirect_dma source(%dma_start3A_148 : memref<10000x128xf32, #tpu.memory_space<hbm>>) target(%arg10 : memref<64x128xf32, #tpu.memory_space<vmem>>) offsets(%dma_start3A_145 : memref<64xi32, #tpu.memory_space<vmem>>) semaphore(%arg14 : memref<!tpu.dma_semaphore, #tpu.memory_space<semaphore_mem>>)
    %dma_start3A_149 = arith.constant 128 : i32
    %dma_start3A_150 = tpu.memref_slice %arg6[%dma_start3A_149] : memref<5120xi32, #tpu.memory_space<vmem>> -> memref<64xi32, #tpu.memory_space<vmem>>
    %dma_start3A_151 = arith.constant 0 : i32
    %dma_start3A_152 = arith.constant 0 : i32
    %dma_start3A_153 = tpu.memref_slice %arg2[%dma_start3A_151, %dma_start3A_152] : memref<10000x128xf32, #tpu.memory_space<hbm>> -> memref<10000x128xf32, #tpu.memory_space<hbm>>
    tpu.enqueue_indirect_dma source(%dma_start3A_153 : memref<10000x128xf32, #tpu.memory_space<hbm>>) target(%arg11 : memref<64x128xf32, #tpu.memory_space<vmem>>) offsets(%dma_start3A_150 : memref<64xi32, #tpu.memory_space<vmem>>) semaphore(%arg15 : memref<!tpu.dma_semaphore, #tpu.memory_space<semaphore_mem>>)
    %dma_start3A_154 = arith.constant 192 : i32
    %dma_start3A_155 = tpu.memref_slice %arg6[%dma_start3A_154] : memref<5120xi32, #tpu.memory_space<vmem>> -> memref<64xi32, #tpu.memory_space<vmem>>
    %dma_start3A_156 = arith.constant 0 : i32
    %dma_start3A_157 = arith.constant 0 : i32
    %dma_start3A_158 = tpu.memref_slice %arg2[%dma_start3A_156, %dma_start3A_157] : memref<10000x128xf32, #tpu.memory_space<hbm>> -> memref<10000x128xf32, #tpu.memory_space<hbm>>
    tpu.enqueue_indirect_dma source(%dma_start3A_158 : memref<10000x128xf32, #tpu.memory_space<hbm>>) target(%arg12 : memref<64x128xf32, #tpu.memory_space<vmem>>) offsets(%dma_start3A_155 : memref<64xi32, #tpu.memory_space<vmem>>) semaphore(%arg16 : memref<!tpu.dma_semaphore, #tpu.memory_space<semaphore_mem>>)
    %scan3A_159 = arith.constant 0 : i32
    %scan3A_160 = arith.constant 1 : i32
    %scan3A_161 = arith.constant 19 : i32
    %scan3A_162 = arith.addi %scan3A_160, %scan3A_161 : i32
    %scan3A_163 = arith.constant 1 : i32
    scf.for %scan3A_246 = %scan3A_160 to %scan3A_162 step %scan3A_163  : i32 {
      %dma_wait3A_247 = arith.constant 0 : i32
      %dma_wait3A_248 = tpu.memref_slice %arg6[%dma_wait3A_247] : memref<5120xi32, #tpu.memory_space<vmem>> -> memref<64xi32, #tpu.memory_space<vmem>>
      %dma_wait3A_249 = arith.constant 0 : i32
      %dma_wait3A_250 = arith.constant 0 : i32
      %dma_wait3A_251 = tpu.memref_slice %arg2[%dma_wait3A_249, %dma_wait3A_250] : memref<10000x128xf32, #tpu.memory_space<hbm>> -> memref<10000x128xf32, #tpu.memory_space<hbm>>
      tpu.wait_indirect_dma semaphore(%arg13 : memref<!tpu.dma_semaphore, #tpu.memory_space<semaphore_mem>>) src(%dma_wait3A_251 : memref<10000x128xf32, #tpu.memory_space<hbm>>) dst(%arg9 : memref<64x128xf32, #tpu.memory_space<vmem>>)
      %sub3A = arith.constant 1 : i32
      %sub3A_252 = arith.subi %scan3A_246, %sub3A : i32
      %mul3A_253 = arith.constant 4 : i32
      %mul3A_254 = arith.muli %sub3A_252, %mul3A_253 : i32
      %add3A_255 = arith.constant 0 : i32
      %add3A_256 = arith.addi %mul3A_254, %add3A_255 : i32
      %dma_start3A_257 = arith.constant 0 : i32
      %dma_start3A_258 = tpu.memref_slice %arg7[%add3A_256, %dma_start3A_257] : memref<80x64xi32, #tpu.memory_space<vmem>> -> memref<1x64xi32, #tpu.memory_space<vmem>>
      %dma_start3A_259 = tpu.memref_squeeze %dma_start3A_258 : memref<1x64xi32, #tpu.memory_space<vmem>> -> memref<64xi32, #tpu.memory_space<vmem>>
      %dma_start3A_260 = arith.constant 0 : i32
      %dma_start3A_261 = arith.constant 0 : i32
      %dma_start3A_262 = tpu.memref_slice %arg8[%dma_start3A_260, %dma_start3A_261] : memref<10240x128xf32, #tpu.memory_space<vmem_shared>> -> memref<10240x128xf32, #tpu.memory_space<vmem_shared>>
      tpu.enqueue_indirect_dma source(%arg9 : memref<64x128xf32, #tpu.memory_space<vmem>>) target(%dma_start3A_262 : memref<10240x128xf32, #tpu.memory_space<vmem_shared>>) offsets(%dma_start3A_259 : memref<64xi32, #tpu.memory_space<vmem>>) semaphore(%arg17 : memref<!tpu.dma_semaphore, #tpu.memory_space<semaphore_mem>>) {add = true}
      %dma_wait3A_263 = arith.constant 0 : i32
      %dma_wait3A_264 = tpu.memref_slice %arg6[%dma_wait3A_263] : memref<5120xi32, #tpu.memory_space<vmem>> -> memref<64xi32, #tpu.memory_space<vmem>>
      %dma_wait3A_265 = arith.constant 0 : i32
      %dma_wait3A_266 = arith.constant 0 : i32
      %dma_wait3A_267 = tpu.memref_slice %arg2[%dma_wait3A_265, %dma_wait3A_266] : memref<10000x128xf32, #tpu.memory_space<hbm>> -> memref<10000x128xf32, #tpu.memory_space<hbm>>
      tpu.wait_indirect_dma semaphore(%arg14 : memref<!tpu.dma_semaphore, #tpu.memory_space<semaphore_mem>>) src(%dma_wait3A_267 : memref<10000x128xf32, #tpu.memory_space<hbm>>) dst(%arg10 : memref<64x128xf32, #tpu.memory_space<vmem>>)
      %sub3A_268 = arith.constant 1 : i32
      %sub3A_269 = arith.subi %scan3A_246, %sub3A_268 : i32
      %mul3A_270 = arith.constant 4 : i32
      %mul3A_271 = arith.muli %sub3A_269, %mul3A_270 : i32
      %add3A_272 = arith.constant 1 : i32
      %add3A_273 = arith.addi %mul3A_271, %add3A_272 : i32
      %dma_start3A_274 = arith.constant 0 : i32
      %dma_start3A_275 = tpu.memref_slice %arg7[%add3A_273, %dma_start3A_274] : memref<80x64xi32, #tpu.memory_space<vmem>> -> memref<1x64xi32, #tpu.memory_space<vmem>>
      %dma_start3A_276 = tpu.memref_squeeze %dma_start3A_275 : memref<1x64xi32, #tpu.memory_space<vmem>> -> memref<64xi32, #tpu.memory_space<vmem>>
      %dma_start3A_277 = arith.constant 0 : i32
      %dma_start3A_278 = arith.constant 0 : i32
      %dma_start3A_279 = tpu.memref_slice %arg8[%dma_start3A_277, %dma_start3A_278] : memref<10240x128xf32, #tpu.memory_space<vmem_shared>> -> memref<10240x128xf32, #tpu.memory_space<vmem_shared>>
      tpu.enqueue_indirect_dma source(%arg10 : memref<64x128xf32, #tpu.memory_space<vmem>>) target(%dma_start3A_279 : memref<10240x128xf32, #tpu.memory_space<vmem_shared>>) offsets(%dma_start3A_276 : memref<64xi32, #tpu.memory_space<vmem>>) semaphore(%arg18 : memref<!tpu.dma_semaphore, #tpu.memory_space<semaphore_mem>>) {add = true}
      %dma_wait3A_280 = arith.constant 0 : i32
      %dma_wait3A_281 = tpu.memref_slice %arg6[%dma_wait3A_280] : memref<5120xi32, #tpu.memory_space<vmem>> -> memref<64xi32, #tpu.memory_space<vmem>>
      %dma_wait3A_282 = arith.constant 0 : i32
      %dma_wait3A_283 = arith.constant 0 : i32
      %dma_wait3A_284 = tpu.memref_slice %arg2[%dma_wait3A_282, %dma_wait3A_283] : memref<10000x128xf32, #tpu.memory_space<hbm>> -> memref<10000x128xf32, #tpu.memory_space<hbm>>
      tpu.wait_indirect_dma semaphore(%arg15 : memref<!tpu.dma_semaphore, #tpu.memory_space<semaphore_mem>>) src(%dma_wait3A_284 : memref<10000x128xf32, #tpu.memory_space<hbm>>) dst(%arg11 : memref<64x128xf32, #tpu.memory_space<vmem>>)
      %sub3A_285 = arith.constant 1 : i32
      %sub3A_286 = arith.subi %scan3A_246, %sub3A_285 : i32
      %mul3A_287 = arith.constant 4 : i32
      %mul3A_288 = arith.muli %sub3A_286, %mul3A_287 : i32
      %add3A_289 = arith.constant 2 : i32
      %add3A_290 = arith.addi %mul3A_288, %add3A_289 : i32
      %dma_start3A_291 = arith.constant 0 : i32
      %dma_start3A_292 = tpu.memref_slice %arg7[%add3A_290, %dma_start3A_291] : memref<80x64xi32, #tpu.memory_space<vmem>> -> memref<1x64xi32, #tpu.memory_space<vmem>>
      %dma_start3A_293 = tpu.memref_squeeze %dma_start3A_292 : memref<1x64xi32, #tpu.memory_space<vmem>> -> memref<64xi32, #tpu.memory_space<vmem>>
      %dma_start3A_294 = arith.constant 0 : i32
      %dma_start3A_295 = arith.constant 0 : i32
      %dma_start3A_296 = tpu.memref_slice %arg8[%dma_start3A_294, %dma_start3A_295] : memref<10240x128xf32, #tpu.memory_space<vmem_shared>> -> memref<10240x128xf32, #tpu.memory_space<vmem_shared>>
      tpu.enqueue_indirect_dma source(%arg11 : memref<64x128xf32, #tpu.memory_space<vmem>>) target(%dma_start3A_296 : memref<10240x128xf32, #tpu.memory_space<vmem_shared>>) offsets(%dma_start3A_293 : memref<64xi32, #tpu.memory_space<vmem>>) semaphore(%arg19 : memref<!tpu.dma_semaphore, #tpu.memory_space<semaphore_mem>>) {add = true}
      %dma_wait3A_297 = arith.constant 0 : i32
      %dma_wait3A_298 = tpu.memref_slice %arg6[%dma_wait3A_297] : memref<5120xi32, #tpu.memory_space<vmem>> -> memref<64xi32, #tpu.memory_space<vmem>>
      %dma_wait3A_299 = arith.constant 0 : i32
      %dma_wait3A_300 = arith.constant 0 : i32
      %dma_wait3A_301 = tpu.memref_slice %arg2[%dma_wait3A_299, %dma_wait3A_300] : memref<10000x128xf32, #tpu.memory_space<hbm>> -> memref<10000x128xf32, #tpu.memory_space<hbm>>
      tpu.wait_indirect_dma semaphore(%arg16 : memref<!tpu.dma_semaphore, #tpu.memory_space<semaphore_mem>>) src(%dma_wait3A_301 : memref<10000x128xf32, #tpu.memory_space<hbm>>) dst(%arg12 : memref<64x128xf32, #tpu.memory_space<vmem>>)
      %sub3A_302 = arith.constant 1 : i32
      %sub3A_303 = arith.subi %scan3A_246, %sub3A_302 : i32
      %mul3A_304 = arith.constant 4 : i32
      %mul3A_305 = arith.muli %sub3A_303, %mul3A_304 : i32
      %add3A_306 = arith.constant 3 : i32
      %add3A_307 = arith.addi %mul3A_305, %add3A_306 : i32
      %dma_start3A_308 = arith.constant 0 : i32
      %dma_start3A_309 = tpu.memref_slice %arg7[%add3A_307, %dma_start3A_308] : memref<80x64xi32, #tpu.memory_space<vmem>> -> memref<1x64xi32, #tpu.memory_space<vmem>>
      %dma_start3A_310 = tpu.memref_squeeze %dma_start3A_309 : memref<1x64xi32, #tpu.memory_space<vmem>> -> memref<64xi32, #tpu.memory_space<vmem>>
      %dma_start3A_311 = arith.constant 0 : i32
      %dma_start3A_312 = arith.constant 0 : i32
      %dma_start3A_313 = tpu.memref_slice %arg8[%dma_start3A_311, %dma_start3A_312] : memref<10240x128xf32, #tpu.memory_space<vmem_shared>> -> memref<10240x128xf32, #tpu.memory_space<vmem_shared>>
      tpu.enqueue_indirect_dma source(%arg12 : memref<64x128xf32, #tpu.memory_space<vmem>>) target(%dma_start3A_313 : memref<10240x128xf32, #tpu.memory_space<vmem_shared>>) offsets(%dma_start3A_310 : memref<64xi32, #tpu.memory_space<vmem>>) semaphore(%arg20 : memref<!tpu.dma_semaphore, #tpu.memory_space<semaphore_mem>>) {add = true}
      %dma_wait3A_314 = arith.constant 0 : i32
      %dma_wait3A_315 = arith.constant 0 : i32
      %dma_wait3A_316 = tpu.memref_slice %arg7[%dma_wait3A_314, %dma_wait3A_315] : memref<80x64xi32, #tpu.memory_space<vmem>> -> memref<1x64xi32, #tpu.memory_space<vmem>>
      %dma_wait3A_317 = tpu.memref_squeeze %dma_wait3A_316 : memref<1x64xi32, #tpu.memory_space<vmem>> -> memref<64xi32, #tpu.memory_space<vmem>>
      %dma_wait3A_318 = arith.constant 0 : i32
      %dma_wait3A_319 = arith.constant 0 : i32
      %dma_wait3A_320 = tpu.memref_slice %arg8[%dma_wait3A_318, %dma_wait3A_319] : memref<10240x128xf32, #tpu.memory_space<vmem_shared>> -> memref<10240x128xf32, #tpu.memory_space<vmem_shared>>
      tpu.wait_indirect_dma semaphore(%arg17 : memref<!tpu.dma_semaphore, #tpu.memory_space<semaphore_mem>>) src(%arg9 : memref<64x128xf32, #tpu.memory_space<vmem>>) dst(%dma_wait3A_320 : memref<10240x128xf32, #tpu.memory_space<vmem_shared>>)
      %mul3A_321 = arith.constant 4 : i32
      %mul3A_322 = arith.muli %scan3A_246, %mul3A_321 : i32
      %add3A_323 = arith.constant 0 : i32
      %add3A_324 = arith.addi %mul3A_322, %add3A_323 : i32
      %mul3A_325 = arith.constant 64 : i32
      %mul3A_326 = arith.muli %add3A_324, %mul3A_325 : i32
      %dma_start3A_327 = tpu.memref_slice %arg6[%mul3A_326] : memref<5120xi32, #tpu.memory_space<vmem>> -> memref<64xi32, #tpu.memory_space<vmem>>
      %dma_start3A_328 = arith.constant 0 : i32
      %dma_start3A_329 = arith.constant 0 : i32
      %dma_start3A_330 = tpu.memref_slice %arg2[%dma_start3A_328, %dma_start3A_329] : memref<10000x128xf32, #tpu.memory_space<hbm>> -> memref<10000x128xf32, #tpu.memory_space<hbm>>
      tpu.enqueue_indirect_dma source(%dma_start3A_330 : memref<10000x128xf32, #tpu.memory_space<hbm>>) target(%arg9 : memref<64x128xf32, #tpu.memory_space<vmem>>) offsets(%dma_start3A_327 : memref<64xi32, #tpu.memory_space<vmem>>) semaphore(%arg13 : memref<!tpu.dma_semaphore, #tpu.memory_space<semaphore_mem>>)
      %dma_wait3A_331 = arith.constant 0 : i32
      %dma_wait3A_332 = arith.constant 0 : i32
      %dma_wait3A_333 = tpu.memref_slice %arg7[%dma_wait3A_331, %dma_wait3A_332] : memref<80x64xi32, #tpu.memory_space<vmem>> -> memref<1x64xi32, #tpu.memory_space<vmem>>
      %dma_wait3A_334 = tpu.memref_squeeze %dma_wait3A_333 : memref<1x64xi32, #tpu.memory_space<vmem>> -> memref<64xi32, #tpu.memory_space<vmem>>
      %dma_wait3A_335 = arith.constant 0 : i32
      %dma_wait3A_336 = arith.constant 0 : i32
      %dma_wait3A_337 = tpu.memref_slice %arg8[%dma_wait3A_335, %dma_wait3A_336] : memref<10240x128xf32, #tpu.memory_space<vmem_shared>> -> memref<10240x128xf32, #tpu.memory_space<vmem_shared>>
      tpu.wait_indirect_dma semaphore(%arg18 : memref<!tpu.dma_semaphore, #tpu.memory_space<semaphore_mem>>) src(%arg10 : memref<64x128xf32, #tpu.memory_space<vmem>>) dst(%dma_wait3A_337 : memref<10240x128xf32, #tpu.memory_space<vmem_shared>>)
      %mul3A_338 = arith.constant 4 : i32
      %mul3A_339 = arith.muli %scan3A_246, %mul3A_338 : i32
      %add3A_340 = arith.constant 1 : i32
      %add3A_341 = arith.addi %mul3A_339, %add3A_340 : i32
      %mul3A_342 = arith.constant 64 : i32
      %mul3A_343 = arith.muli %add3A_341, %mul3A_342 : i32
      %dma_start3A_344 = tpu.memref_slice %arg6[%mul3A_343] : memref<5120xi32, #tpu.memory_space<vmem>> -> memref<64xi32, #tpu.memory_space<vmem>>
      %dma_start3A_345 = arith.constant 0 : i32
      %dma_start3A_346 = arith.constant 0 : i32
      %dma_start3A_347 = tpu.memref_slice %arg2[%dma_start3A_345, %dma_start3A_346] : memref<10000x128xf32, #tpu.memory_space<hbm>> -> memref<10000x128xf32, #tpu.memory_space<hbm>>
      tpu.enqueue_indirect_dma source(%dma_start3A_347 : memref<10000x128xf32, #tpu.memory_space<hbm>>) target(%arg10 : memref<64x128xf32, #tpu.memory_space<vmem>>) offsets(%dma_start3A_344 : memref<64xi32, #tpu.memory_space<vmem>>) semaphore(%arg14 : memref<!tpu.dma_semaphore, #tpu.memory_space<semaphore_mem>>)
      %dma_wait3A_348 = arith.constant 0 : i32
      %dma_wait3A_349 = arith.constant 0 : i32
      %dma_wait3A_350 = tpu.memref_slice %arg7[%dma_wait3A_348, %dma_wait3A_349] : memref<80x64xi32, #tpu.memory_space<vmem>> -> memref<1x64xi32, #tpu.memory_space<vmem>>
      %dma_wait3A_351 = tpu.memref_squeeze %dma_wait3A_350 : memref<1x64xi32, #tpu.memory_space<vmem>> -> memref<64xi32, #tpu.memory_space<vmem>>
      %dma_wait3A_352 = arith.constant 0 : i32
      %dma_wait3A_353 = arith.constant 0 : i32
      %dma_wait3A_354 = tpu.memref_slice %arg8[%dma_wait3A_352, %dma_wait3A_353] : memref<10240x128xf32, #tpu.memory_space<vmem_shared>> -> memref<10240x128xf32, #tpu.memory_space<vmem_shared>>
      tpu.wait_indirect_dma semaphore(%arg19 : memref<!tpu.dma_semaphore, #tpu.memory_space<semaphore_mem>>) src(%arg11 : memref<64x128xf32, #tpu.memory_space<vmem>>) dst(%dma_wait3A_354 : memref<10240x128xf32, #tpu.memory_space<vmem_shared>>)
      %mul3A_355 = arith.constant 4 : i32
      %mul3A_356 = arith.muli %scan3A_246, %mul3A_355 : i32
      %add3A_357 = arith.constant 2 : i32
      %add3A_358 = arith.addi %mul3A_356, %add3A_357 : i32
      %mul3A_359 = arith.constant 64 : i32
      %mul3A_360 = arith.muli %add3A_358, %mul3A_359 : i32
      %dma_start3A_361 = tpu.memref_slice %arg6[%mul3A_360] : memref<5120xi32, #tpu.memory_space<vmem>> -> memref<64xi32, #tpu.memory_space<vmem>>
      %dma_start3A_362 = arith.constant 0 : i32
      %dma_start3A_363 = arith.constant 0 : i32
      %dma_start3A_364 = tpu.memref_slice %arg2[%dma_start3A_362, %dma_start3A_363] : memref<10000x128xf32, #tpu.memory_space<hbm>> -> memref<10000x128xf32, #tpu.memory_space<hbm>>
      tpu.enqueue_indirect_dma source(%dma_start3A_364 : memref<10000x128xf32, #tpu.memory_space<hbm>>) target(%arg11 : memref<64x128xf32, #tpu.memory_space<vmem>>) offsets(%dma_start3A_361 : memref<64xi32, #tpu.memory_space<vmem>>) semaphore(%arg15 : memref<!tpu.dma_semaphore, #tpu.memory_space<semaphore_mem>>)
      %dma_wait3A_365 = arith.constant 0 : i32
      %dma_wait3A_366 = arith.constant 0 : i32
      %dma_wait3A_367 = tpu.memref_slice %arg7[%dma_wait3A_365, %dma_wait3A_366] : memref<80x64xi32, #tpu.memory_space<vmem>> -> memref<1x64xi32, #tpu.memory_space<vmem>>
      %dma_wait3A_368 = tpu.memref_squeeze %dma_wait3A_367 : memref<1x64xi32, #tpu.memory_space<vmem>> -> memref<64xi32, #tpu.memory_space<vmem>>
      %dma_wait3A_369 = arith.constant 0 : i32
      %dma_wait3A_370 = arith.constant 0 : i32
      %dma_wait3A_371 = tpu.memref_slice %arg8[%dma_wait3A_369, %dma_wait3A_370] : memref<10240x128xf32, #tpu.memory_space<vmem_shared>> -> memref<10240x128xf32, #tpu.memory_space<vmem_shared>>
      tpu.wait_indirect_dma semaphore(%arg20 : memref<!tpu.dma_semaphore, #tpu.memory_space<semaphore_mem>>) src(%arg12 : memref<64x128xf32, #tpu.memory_space<vmem>>) dst(%dma_wait3A_371 : memref<10240x128xf32, #tpu.memory_space<vmem_shared>>)
      %mul3A_372 = arith.constant 4 : i32
      %mul3A_373 = arith.muli %scan3A_246, %mul3A_372 : i32
      %add3A_374 = arith.constant 3 : i32
      %add3A_375 = arith.addi %mul3A_373, %add3A_374 : i32
      %mul3A_376 = arith.constant 64 : i32
      %mul3A_377 = arith.muli %add3A_375, %mul3A_376 : i32
      %dma_start3A_378 = tpu.memref_slice %arg6[%mul3A_377] : memref<5120xi32, #tpu.memory_space<vmem>> -> memref<64xi32, #tpu.memory_space<vmem>>
      %dma_start3A_379 = arith.constant 0 : i32
      %dma_start3A_380 = arith.constant 0 : i32
      %dma_start3A_381 = tpu.memref_slice %arg2[%dma_start3A_379, %dma_start3A_380] : memref<10000x128xf32, #tpu.memory_space<hbm>> -> memref<10000x128xf32, #tpu.memory_space<hbm>>
      tpu.enqueue_indirect_dma source(%dma_start3A_381 : memref<10000x128xf32, #tpu.memory_space<hbm>>) target(%arg12 : memref<64x128xf32, #tpu.memory_space<vmem>>) offsets(%dma_start3A_378 : memref<64xi32, #tpu.memory_space<vmem>>) semaphore(%arg16 : memref<!tpu.dma_semaphore, #tpu.memory_space<semaphore_mem>>)
    }
    %scan3A_164 = arith.constant 19 : i32
    %dma_wait3A_165 = arith.constant 0 : i32
    %dma_wait3A_166 = tpu.memref_slice %arg6[%dma_wait3A_165] : memref<5120xi32, #tpu.memory_space<vmem>> -> memref<64xi32, #tpu.memory_space<vmem>>
    %dma_wait3A_167 = arith.constant 0 : i32
    %dma_wait3A_168 = arith.constant 0 : i32
    %dma_wait3A_169 = tpu.memref_slice %arg2[%dma_wait3A_167, %dma_wait3A_168] : memref<10000x128xf32, #tpu.memory_space<hbm>> -> memref<10000x128xf32, #tpu.memory_space<hbm>>
    tpu.wait_indirect_dma semaphore(%arg13 : memref<!tpu.dma_semaphore, #tpu.memory_space<semaphore_mem>>) src(%dma_wait3A_169 : memref<10000x128xf32, #tpu.memory_space<hbm>>) dst(%arg9 : memref<64x128xf32, #tpu.memory_space<vmem>>)
    %dma_start3A_170 = arith.constant 76 : i32
    %dma_start3A_171 = arith.constant 0 : i32
    %dma_start3A_172 = tpu.memref_slice %arg7[%dma_start3A_170, %dma_start3A_171] : memref<80x64xi32, #tpu.memory_space<vmem>> -> memref<1x64xi32, #tpu.memory_space<vmem>>
    %dma_start3A_173 = tpu.memref_squeeze %dma_start3A_172 : memref<1x64xi32, #tpu.memory_space<vmem>> -> memref<64xi32, #tpu.memory_space<vmem>>
    %dma_start3A_174 = arith.constant 0 : i32
    %dma_start3A_175 = arith.constant 0 : i32
    %dma_start3A_176 = tpu.memref_slice %arg8[%dma_start3A_174, %dma_start3A_175] : memref<10240x128xf32, #tpu.memory_space<vmem_shared>> -> memref<10240x128xf32, #tpu.memory_space<vmem_shared>>
    tpu.enqueue_indirect_dma source(%arg9 : memref<64x128xf32, #tpu.memory_space<vmem>>) target(%dma_start3A_176 : memref<10240x128xf32, #tpu.memory_space<vmem_shared>>) offsets(%dma_start3A_173 : memref<64xi32, #tpu.memory_space<vmem>>) semaphore(%arg17 : memref<!tpu.dma_semaphore, #tpu.memory_space<semaphore_mem>>) {add = true}
    %dma_wait3A_177 = arith.constant 0 : i32
    %dma_wait3A_178 = tpu.memref_slice %arg6[%dma_wait3A_177] : memref<5120xi32, #tpu.memory_space<vmem>> -> memref<64xi32, #tpu.memory_space<vmem>>
    %dma_wait3A_179 = arith.constant 0 : i32
    %dma_wait3A_180 = arith.constant 0 : i32
    %dma_wait3A_181 = tpu.memref_slice %arg2[%dma_wait3A_179, %dma_wait3A_180] : memref<10000x128xf32, #tpu.memory_space<hbm>> -> memref<10000x128xf32, #tpu.memory_space<hbm>>
    tpu.wait_indirect_dma semaphore(%arg14 : memref<!tpu.dma_semaphore, #tpu.memory_space<semaphore_mem>>) src(%dma_wait3A_181 : memref<10000x128xf32, #tpu.memory_space<hbm>>) dst(%arg10 : memref<64x128xf32, #tpu.memory_space<vmem>>)
    %dma_start3A_182 = arith.constant 77 : i32
    %dma_start3A_183 = arith.constant 0 : i32
    %dma_start3A_184 = tpu.memref_slice %arg7[%dma_start3A_182, %dma_start3A_183] : memref<80x64xi32, #tpu.memory_space<vmem>> -> memref<1x64xi32, #tpu.memory_space<vmem>>
    %dma_start3A_185 = tpu.memref_squeeze %dma_start3A_184 : memref<1x64xi32, #tpu.memory_space<vmem>> -> memref<64xi32, #tpu.memory_space<vmem>>
    %dma_start3A_186 = arith.constant 0 : i32
    %dma_start3A_187 = arith.constant 0 : i32
    %dma_start3A_188 = tpu.memref_slice %arg8[%dma_start3A_186, %dma_start3A_187] : memref<10240x128xf32, #tpu.memory_space<vmem_shared>> -> memref<10240x128xf32, #tpu.memory_space<vmem_shared>>
    tpu.enqueue_indirect_dma source(%arg10 : memref<64x128xf32, #tpu.memory_space<vmem>>) target(%dma_start3A_188 : memref<10240x128xf32, #tpu.memory_space<vmem_shared>>) offsets(%dma_start3A_185 : memref<64xi32, #tpu.memory_space<vmem>>) semaphore(%arg18 : memref<!tpu.dma_semaphore, #tpu.memory_space<semaphore_mem>>) {add = true}
    %dma_wait3A_189 = arith.constant 0 : i32
    %dma_wait3A_190 = tpu.memref_slice %arg6[%dma_wait3A_189] : memref<5120xi32, #tpu.memory_space<vmem>> -> memref<64xi32, #tpu.memory_space<vmem>>
    %dma_wait3A_191 = arith.constant 0 : i32
    %dma_wait3A_192 = arith.constant 0 : i32
    %dma_wait3A_193 = tpu.memref_slice %arg2[%dma_wait3A_191, %dma_wait3A_192] : memref<10000x128xf32, #tpu.memory_space<hbm>> -> memref<10000x128xf32, #tpu.memory_space<hbm>>
    tpu.wait_indirect_dma semaphore(%arg15 : memref<!tpu.dma_semaphore, #tpu.memory_space<semaphore_mem>>) src(%dma_wait3A_193 : memref<10000x128xf32, #tpu.memory_space<hbm>>) dst(%arg11 : memref<64x128xf32, #tpu.memory_space<vmem>>)
    %dma_start3A_194 = arith.constant 78 : i32
    %dma_start3A_195 = arith.constant 0 : i32
    %dma_start3A_196 = tpu.memref_slice %arg7[%dma_start3A_194, %dma_start3A_195] : memref<80x64xi32, #tpu.memory_space<vmem>> -> memref<1x64xi32, #tpu.memory_space<vmem>>
    %dma_start3A_197 = tpu.memref_squeeze %dma_start3A_196 : memref<1x64xi32, #tpu.memory_space<vmem>> -> memref<64xi32, #tpu.memory_space<vmem>>
    %dma_start3A_198 = arith.constant 0 : i32
    %dma_start3A_199 = arith.constant 0 : i32
    %dma_start3A_200 = tpu.memref_slice %arg8[%dma_start3A_198, %dma_start3A_199] : memref<10240x128xf32, #tpu.memory_space<vmem_shared>> -> memref<10240x128xf32, #tpu.memory_space<vmem_shared>>
    tpu.enqueue_indirect_dma source(%arg11 : memref<64x128xf32, #tpu.memory_space<vmem>>) target(%dma_start3A_200 : memref<10240x128xf32, #tpu.memory_space<vmem_shared>>) offsets(%dma_start3A_197 : memref<64xi32, #tpu.memory_space<vmem>>) semaphore(%arg19 : memref<!tpu.dma_semaphore, #tpu.memory_space<semaphore_mem>>) {add = true}
    %dma_wait3A_201 = arith.constant 0 : i32
    %dma_wait3A_202 = tpu.memref_slice %arg6[%dma_wait3A_201] : memref<5120xi32, #tpu.memory_space<vmem>> -> memref<64xi32, #tpu.memory_space<vmem>>
    %dma_wait3A_203 = arith.constant 0 : i32
    %dma_wait3A_204 = arith.constant 0 : i32
    %dma_wait3A_205 = tpu.memref_slice %arg2[%dma_wait3A_203, %dma_wait3A_204] : memref<10000x128xf32, #tpu.memory_space<hbm>> -> memref<10000x128xf32, #tpu.memory_space<hbm>>
    tpu.wait_indirect_dma semaphore(%arg16 : memref<!tpu.dma_semaphore, #tpu.memory_space<semaphore_mem>>) src(%dma_wait3A_205 : memref<10000x128xf32, #tpu.memory_space<hbm>>) dst(%arg12 : memref<64x128xf32, #tpu.memory_space<vmem>>)
    %dma_start3A_206 = arith.constant 79 : i32
    %dma_start3A_207 = arith.constant 0 : i32
    %dma_start3A_208 = tpu.memref_slice %arg7[%dma_start3A_206, %dma_start3A_207] : memref<80x64xi32, #tpu.memory_space<vmem>> -> memref<1x64xi32, #tpu.memory_space<vmem>>
    %dma_start3A_209 = tpu.memref_squeeze %dma_start3A_208 : memref<1x64xi32, #tpu.memory_space<vmem>> -> memref<64xi32, #tpu.memory_space<vmem>>
    %dma_start3A_210 = arith.constant 0 : i32
    %dma_start3A_211 = arith.constant 0 : i32
    %dma_start3A_212 = tpu.memref_slice %arg8[%dma_start3A_210, %dma_start3A_211] : memref<10240x128xf32, #tpu.memory_space<vmem_shared>> -> memref<10240x128xf32, #tpu.memory_space<vmem_shared>>
    tpu.enqueue_indirect_dma source(%arg12 : memref<64x128xf32, #tpu.memory_space<vmem>>) target(%dma_start3A_212 : memref<10240x128xf32, #tpu.memory_space<vmem_shared>>) offsets(%dma_start3A_209 : memref<64xi32, #tpu.memory_space<vmem>>) semaphore(%arg20 : memref<!tpu.dma_semaphore, #tpu.memory_space<semaphore_mem>>) {add = true}
    %dma_wait3A_213 = arith.constant 0 : i32
    %dma_wait3A_214 = arith.constant 0 : i32
    %dma_wait3A_215 = tpu.memref_slice %arg7[%dma_wait3A_213, %dma_wait3A_214] : memref<80x64xi32, #tpu.memory_space<vmem>> -> memref<1x64xi32, #tpu.memory_space<vmem>>
    %dma_wait3A_216 = tpu.memref_squeeze %dma_wait3A_215 : memref<1x64xi32, #tpu.memory_space<vmem>> -> memref<64xi32, #tpu.memory_space<vmem>>
    %dma_wait3A_217 = arith.constant 0 : i32
    %dma_wait3A_218 = arith.constant 0 : i32
    %dma_wait3A_219 = tpu.memref_slice %arg8[%dma_wait3A_217, %dma_wait3A_218] : memref<10240x128xf32, #tpu.memory_space<vmem_shared>> -> memref<10240x128xf32, #tpu.memory_space<vmem_shared>>
    tpu.wait_indirect_dma semaphore(%arg17 : memref<!tpu.dma_semaphore, #tpu.memory_space<semaphore_mem>>) src(%arg9 : memref<64x128xf32, #tpu.memory_space<vmem>>) dst(%dma_wait3A_219 : memref<10240x128xf32, #tpu.memory_space<vmem_shared>>)
    %dma_wait3A_220 = arith.constant 0 : i32
    %dma_wait3A_221 = arith.constant 0 : i32
    %dma_wait3A_222 = tpu.memref_slice %arg7[%dma_wait3A_220, %dma_wait3A_221] : memref<80x64xi32, #tpu.memory_space<vmem>> -> memref<1x64xi32, #tpu.memory_space<vmem>>
    %dma_wait3A_223 = tpu.memref_squeeze %dma_wait3A_222 : memref<1x64xi32, #tpu.memory_space<vmem>> -> memref<64xi32, #tpu.memory_space<vmem>>
    %dma_wait3A_224 = arith.constant 0 : i32
    %dma_wait3A_225 = arith.constant 0 : i32
    %dma_wait3A_226 = tpu.memref_slice %arg8[%dma_wait3A_224, %dma_wait3A_225] : memref<10240x128xf32, #tpu.memory_space<vmem_shared>> -> memref<10240x128xf32, #tpu.memory_space<vmem_shared>>
    tpu.wait_indirect_dma semaphore(%arg18 : memref<!tpu.dma_semaphore, #tpu.memory_space<semaphore_mem>>) src(%arg10 : memref<64x128xf32, #tpu.memory_space<vmem>>) dst(%dma_wait3A_226 : memref<10240x128xf32, #tpu.memory_space<vmem_shared>>)
    %dma_wait3A_227 = arith.constant 0 : i32
    %dma_wait3A_228 = arith.constant 0 : i32
    %dma_wait3A_229 = tpu.memref_slice %arg7[%dma_wait3A_227, %dma_wait3A_228] : memref<80x64xi32, #tpu.memory_space<vmem>> -> memref<1x64xi32, #tpu.memory_space<vmem>>
    %dma_wait3A_230 = tpu.memref_squeeze %dma_wait3A_229 : memref<1x64xi32, #tpu.memory_space<vmem>> -> memref<64xi32, #tpu.memory_space<vmem>>
    %dma_wait3A_231 = arith.constant 0 : i32
    %dma_wait3A_232 = arith.constant 0 : i32
    %dma_wait3A_233 = tpu.memref_slice %arg8[%dma_wait3A_231, %dma_wait3A_232] : memref<10240x128xf32, #tpu.memory_space<vmem_shared>> -> memref<10240x128xf32, #tpu.memory_space<vmem_shared>>
    tpu.wait_indirect_dma semaphore(%arg19 : memref<!tpu.dma_semaphore, #tpu.memory_space<semaphore_mem>>) src(%arg11 : memref<64x128xf32, #tpu.memory_space<vmem>>) dst(%dma_wait3A_233 : memref<10240x128xf32, #tpu.memory_space<vmem_shared>>)
    %dma_wait3A_234 = arith.constant 0 : i32
    %dma_wait3A_235 = arith.constant 0 : i32
    %dma_wait3A_236 = tpu.memref_slice %arg7[%dma_wait3A_234, %dma_wait3A_235] : memref<80x64xi32, #tpu.memory_space<vmem>> -> memref<1x64xi32, #tpu.memory_space<vmem>>
    %dma_wait3A_237 = tpu.memref_squeeze %dma_wait3A_236 : memref<1x64xi32, #tpu.memory_space<vmem>> -> memref<64xi32, #tpu.memory_space<vmem>>
    %dma_wait3A_238 = arith.constant 0 : i32
    %dma_wait3A_239 = arith.constant 0 : i32
    %dma_wait3A_240 = tpu.memref_slice %arg8[%dma_wait3A_238, %dma_wait3A_239] : memref<10240x128xf32, #tpu.memory_space<vmem_shared>> -> memref<10240x128xf32, #tpu.memory_space<vmem_shared>>
    tpu.wait_indirect_dma semaphore(%arg20 : memref<!tpu.dma_semaphore, #tpu.memory_space<semaphore_mem>>) src(%arg12 : memref<64x128xf32, #tpu.memory_space<vmem>>) dst(%dma_wait3A_240 : memref<10240x128xf32, #tpu.memory_space<vmem_shared>>)
    %barrier3A_241 = arith.constant 0 : index
    tpu.barrier barrier_id(%barrier3A_241)
    %mul3A_242 = arith.constant 640 : i32
    %mul3A_243 = arith.muli %arg1, %mul3A_242 : i32
    %mul3A_244 = arith.constant 640 : i32
    %mul3A_245 = arith.muli %arg1, %mul3A_244 : i32
    "tpu.region"() ({
      %run_scoped3A = tpu.sem_alloc : memref<!tpu.dma_semaphore, #tpu.memory_space<semaphore_mem>>
      %dma_start3A_246 = arith.constant 0 : i32
      %dma_start3A_247 = tpu.memref_slice %arg5[%arg0, %mul3A_245, %dma_start3A_246] : memref<2x10240x128xf32, #tpu.memory_space<hbm>> -> memref<1x640x128xf32, #tpu.memory_space<hbm>>
      %dma_start3A_248 = tpu.memref_squeeze %dma_start3A_247 : memref<1x640x128xf32, #tpu.memory_space<hbm>> -> memref<640x128xf32, #tpu.memory_space<hbm>>
      %dma_start3A_249 = arith.constant 0 : i32
      %dma_start3A_250 = tpu.memref_slice %arg8[%mul3A_243, %dma_start3A_249] : memref<10240x128xf32, #tpu.memory_space<vmem_shared>> -> memref<640x128xf32, #tpu.memory_space<vmem_shared>>
      tpu.enqueue_dma source(%dma_start3A_250 : memref<640x128xf32, #tpu.memory_space<vmem_shared>>) target(%dma_start3A_248 : memref<640x128xf32, #tpu.memory_space<hbm>>) target_semaphore(%run_scoped3A : memref<!tpu.dma_semaphore, #tpu.memory_space<semaphore_mem>>)
      %dma_wait3A_251 = arith.constant 0 : i32
      %dma_wait3A_252 = tpu.memref_slice %arg5[%arg0, %mul3A_245, %dma_wait3A_251] : memref<2x10240x128xf32, #tpu.memory_space<hbm>> -> memref<1x640x128xf32, #tpu.memory_space<hbm>>
      %dma_wait3A_253 = tpu.memref_squeeze %dma_wait3A_252 : memref<1x640x128xf32, #tpu.memory_space<hbm>> -> memref<640x128xf32, #tpu.memory_space<hbm>>
      %dma_wait3A_254 = arith.constant 0 : i32
      %dma_wait3A_255 = tpu.memref_slice %arg8[%mul3A_243, %dma_wait3A_254] : memref<10240x128xf32, #tpu.memory_space<vmem_shared>> -> memref<640x128xf32, #tpu.memory_space<vmem_shared>>
      tpu.wait_dma2 semaphore(%run_scoped3A : memref<!tpu.dma_semaphore, #tpu.memory_space<semaphore_mem>>) src(%dma_wait3A_255 : memref<640x128xf32, #tpu.memory_space<vmem_shared>>) dst(%dma_wait3A_253 : memref<640x128xf32, #tpu.memory_space<hbm>>)
      tpu.yield
    }) : () -> ()
    return
  }
}

#map = affine_map<(d0, d1) -> (0)>
#map1 = affine_map<(d0, d1) -> (0, 0)>
module attributes {stable_mosaic.version = 14 : i64} {
  func.func @_deg_kernel(%arg0: i32, %arg1: i32, %arg2: memref<327680xi32, #tpu.memory_space<hbm>>, %arg3: memref<32x10240xf32, #tpu.memory_space<hbm>>, %arg4: memref<10240xi32, #tpu.memory_space<vmem>>, %arg5: memref<10240xf32, #tpu.memory_space<vmem>>) attributes {dimension_semantics = [#tpu.dimension_semantics<core_parallel>, #tpu.dimension_semantics<subcore_parallel>], iteration_bounds = array<i64: 2, 16>, scalar_prefetch = 0 : i64, scratch_operands = 2 : i64, tpu.core_type = #tpu.core_type<sc_vector_subcore>, window_params = [{transform_indices = #map}, {transform_indices = #map1}]} {
    %mul3A = arith.constant 2 : i32
    %mul3A_0 = arith.muli %arg1, %mul3A : i32
    %add3A = arith.addi %mul3A_0, %arg0 : i32
    %mul3A_1 = arith.constant 10240 : i32
    %mul3A_2 = arith.muli %add3A, %mul3A_1 : i32
    "tpu.region"() ({
      %run_scoped3A = tpu.sem_alloc : memref<!tpu.dma_semaphore, #tpu.memory_space<semaphore_mem>>
      %dma_start3A = tpu.memref_slice %arg2[%mul3A_2] : memref<327680xi32, #tpu.memory_space<hbm>> -> memref<10240xi32, #tpu.memory_space<hbm>>
      %dma_start3A_17 = tpu.memref_slice %arg2[%mul3A_2] : memref<327680xi32, #tpu.memory_space<hbm>> -> memref<10240xi32, #tpu.memory_space<hbm>>
      tpu.enqueue_dma source(%dma_start3A_17 : memref<10240xi32, #tpu.memory_space<hbm>>) target(%arg4 : memref<10240xi32, #tpu.memory_space<vmem>>) target_semaphore(%run_scoped3A : memref<!tpu.dma_semaphore, #tpu.memory_space<semaphore_mem>>)
      %dma_wait3A = tpu.memref_slice %arg2[%mul3A_2] : memref<327680xi32, #tpu.memory_space<hbm>> -> memref<10240xi32, #tpu.memory_space<hbm>>
      %dma_wait3A_18 = tpu.memref_slice %arg2[%mul3A_2] : memref<327680xi32, #tpu.memory_space<hbm>> -> memref<10240xi32, #tpu.memory_space<hbm>>
      tpu.wait_dma2 semaphore(%run_scoped3A : memref<!tpu.dma_semaphore, #tpu.memory_space<semaphore_mem>>) src(%dma_wait3A_18 : memref<10240xi32, #tpu.memory_space<hbm>>) dst(%arg4 : memref<10240xi32, #tpu.memory_space<vmem>>)
      tpu.yield
    }) : () -> ()
    %broadcast_in_dim3A = arith.constant 0.000000e+00 : f32
    %broadcast_in_dim3A_3 = vector.broadcast %broadcast_in_dim3A : f32 to vector<16xf32>
    %scan3A = arith.constant 0 : i32
    %scan3A_4 = arith.constant 0 : i32
    %scan3A_5 = arith.constant 640 : i32
    %scan3A_6 = arith.addi %scan3A_4, %scan3A_5 : i32
    %scan3A_7 = arith.constant 1 : i32
    scf.for %scan3A_17 = %scan3A_4 to %scan3A_6 step %scan3A_7  : i32 {
      %mul3A_18 = arith.constant 16 : i32
      %mul3A_19 = arith.muli %scan3A_17, %mul3A_18 : i32
      %swap3A = arith.index_cast %mul3A_19 : i32 to index
      %swap3A_20 = tpu.vector_load %arg5[%swap3A] {strides = array<i32>} : memref<10240xf32, #tpu.memory_space<vmem>>, vector<16xf32>,
      tpu.vector_store %arg5[%swap3A], %broadcast_in_dim3A_3 {strides = array<i32>} : memref<10240xf32, #tpu.memory_space<vmem>>, vector<16xf32>,
    }
    %scan3A_8 = arith.constant 640 : i32
    %broadcast_in_dim3A_9 = arith.constant 1.000000e+00 : f32
    %broadcast_in_dim3A_10 = vector.broadcast %broadcast_in_dim3A_9 : f32 to vector<16xf32>
    %scan3A_11 = arith.constant 0 : i32
    %scan3A_12 = arith.constant 0 : i32
    %scan3A_13 = arith.constant 160 : i32
    %scan3A_14 = arith.addi %scan3A_12, %scan3A_13 : i32
    %scan3A_15 = arith.constant 1 : i32
    scf.for %scan3A_17 = %scan3A_12 to %scan3A_14 step %scan3A_15  : i32 {
      %mul3A_18 = arith.constant 4 : i32
      %mul3A_19 = arith.muli %scan3A_17, %mul3A_18 : i32
      %add3A_20 = arith.constant 0 : i32
      %add3A_21 = arith.addi %mul3A_19, %add3A_20 : i32
      %mul3A_22 = arith.constant 16 : i32
      %mul3A_23 = arith.muli %add3A_21, %mul3A_22 : i32
      %get3A = arith.index_cast %mul3A_23 : i32 to index
      %get3A_24 = tpu.vector_load %arg4[%get3A] {strides = array<i32>} : memref<10240xi32, #tpu.memory_space<vmem>>, vector<16xi32>,
      tpu.vector_store_idx %arg5[%get3A_24], %broadcast_in_dim3A_10 {add = true} : memref<10240xf32, #tpu.memory_space<vmem>>[vector<16xi32>], vector<16xf32>,
      %mul3A_25 = arith.constant 4 : i32
      %mul3A_26 = arith.muli %scan3A_17, %mul3A_25 : i32
      %add3A_27 = arith.constant 1 : i32
      %add3A_28 = arith.addi %mul3A_26, %add3A_27 : i32
      %mul3A_29 = arith.constant 16 : i32
      %mul3A_30 = arith.muli %add3A_28, %mul3A_29 : i32
      %get3A_31 = arith.index_cast %mul3A_30 : i32 to index
      %get3A_32 = tpu.vector_load %arg4[%get3A_31] {strides = array<i32>} : memref<10240xi32, #tpu.memory_space<vmem>>, vector<16xi32>,
      tpu.vector_store_idx %arg5[%get3A_32], %broadcast_in_dim3A_10 {add = true} : memref<10240xf32, #tpu.memory_space<vmem>>[vector<16xi32>], vector<16xf32>,
      %mul3A_33 = arith.constant 4 : i32
      %mul3A_34 = arith.muli %scan3A_17, %mul3A_33 : i32
      %add3A_35 = arith.constant 2 : i32
      %add3A_36 = arith.addi %mul3A_34, %add3A_35 : i32
      %mul3A_37 = arith.constant 16 : i32
      %mul3A_38 = arith.muli %add3A_36, %mul3A_37 : i32
      %get3A_39 = arith.index_cast %mul3A_38 : i32 to index
      %get3A_40 = tpu.vector_load %arg4[%get3A_39] {strides = array<i32>} : memref<10240xi32, #tpu.memory_space<vmem>>, vector<16xi32>,
      tpu.vector_store_idx %arg5[%get3A_40], %broadcast_in_dim3A_10 {add = true} : memref<10240xf32, #tpu.memory_space<vmem>>[vector<16xi32>], vector<16xf32>,
      %mul3A_41 = arith.constant 4 : i32
      %mul3A_42 = arith.muli %scan3A_17, %mul3A_41 : i32
      %add3A_43 = arith.constant 3 : i32
      %add3A_44 = arith.addi %mul3A_42, %add3A_43 : i32
      %mul3A_45 = arith.constant 16 : i32
      %mul3A_46 = arith.muli %add3A_44, %mul3A_45 : i32
      %get3A_47 = arith.index_cast %mul3A_46 : i32 to index
      %get3A_48 = tpu.vector_load %arg4[%get3A_47] {strides = array<i32>} : memref<10240xi32, #tpu.memory_space<vmem>>, vector<16xi32>,
      tpu.vector_store_idx %arg5[%get3A_48], %broadcast_in_dim3A_10 {add = true} : memref<10240xf32, #tpu.memory_space<vmem>>[vector<16xi32>], vector<16xf32>,
    }
    %scan3A_16 = arith.constant 160 : i32
    "tpu.region"() ({
      %run_scoped3A = tpu.sem_alloc : memref<!tpu.dma_semaphore, #tpu.memory_space<semaphore_mem>>
      %dma_start3A = arith.constant 0 : i32
      %dma_start3A_17 = tpu.memref_slice %arg3[%add3A, %dma_start3A] : memref<32x10240xf32, #tpu.memory_space<hbm>> -> memref<1x10240xf32, #tpu.memory_space<hbm>>
      %dma_start3A_18 = tpu.memref_squeeze %dma_start3A_17 : memref<1x10240xf32, #tpu.memory_space<hbm>> -> memref<10240xf32, #tpu.memory_space<hbm>>
      %dma_start3A_19 = arith.constant 0 : i32
      %dma_start3A_20 = tpu.memref_slice %arg3[%add3A, %dma_start3A_19] : memref<32x10240xf32, #tpu.memory_space<hbm>> -> memref<1x10240xf32, #tpu.memory_space<hbm>>
      %dma_start3A_21 = tpu.memref_squeeze %dma_start3A_20 : memref<1x10240xf32, #tpu.memory_space<hbm>> -> memref<10240xf32, #tpu.memory_space<hbm>>
      tpu.enqueue_dma source(%arg5 : memref<10240xf32, #tpu.memory_space<vmem>>) target(%dma_start3A_21 : memref<10240xf32, #tpu.memory_space<hbm>>) target_semaphore(%run_scoped3A : memref<!tpu.dma_semaphore, #tpu.memory_space<semaphore_mem>>)
      %dma_wait3A = arith.constant 0 : i32
      %dma_wait3A_22 = tpu.memref_slice %arg3[%add3A, %dma_wait3A] : memref<32x10240xf32, #tpu.memory_space<hbm>> -> memref<1x10240xf32, #tpu.memory_space<hbm>>
      %dma_wait3A_23 = tpu.memref_squeeze %dma_wait3A_22 : memref<1x10240xf32, #tpu.memory_space<hbm>> -> memref<10240xf32, #tpu.memory_space<hbm>>
      %dma_wait3A_24 = arith.constant 0 : i32
      %dma_wait3A_25 = tpu.memref_slice %arg3[%add3A, %dma_wait3A_24] : memref<32x10240xf32, #tpu.memory_space<hbm>> -> memref<1x10240xf32, #tpu.memory_space<hbm>>
      %dma_wait3A_26 = tpu.memref_squeeze %dma_wait3A_25 : memref<1x10240xf32, #tpu.memory_space<hbm>> -> memref<10240xf32, #tpu.memory_space<hbm>>
      tpu.wait_dma2 semaphore(%run_scoped3A : memref<!tpu.dma_semaphore, #tpu.memory_space<semaphore_mem>>) src(%arg5 : memref<10240xf32, #tpu.memory_space<vmem>>) dst(%dma_wait3A_26 : memref<10240xf32, #tpu.memory_space<hbm>>)
      tpu.yield
    }) : () -> ()
    return
  }
}

#map = affine_map<(d0, d1) -> (0, 0)>
#map1 = affine_map<(d0, d1) -> (0)>
#map2 = affine_map<(d0, d1) -> (0, 0, 0)>
module attributes {stable_mosaic.version = 14 : i64} {
  func.func @_scatter_kernel(%arg0: i32, %arg1: i32, %arg2: memref<10000x128xf32, #tpu.memory_space<hbm>>, %arg3: memref<327680xi32, #tpu.memory_space<hbm>>, %arg4: memref<32x160x64xi32, #tpu.memory_space<hbm>>, %arg5: memref<2x10240x128xf32, #tpu.memory_space<hbm>>, %arg6: memref<5120xi32, #tpu.memory_space<vmem>>, %arg7: memref<80x64xi32, #tpu.memory_space<vmem>>, %arg8: memref<10240x128xf32, #tpu.memory_space<vmem_shared>>, %arg9: memref<64x128xf32, #tpu.memory_space<vmem>>, %arg10: memref<64x128xf32, #tpu.memory_space<vmem>>, %arg11: memref<64x128xf32, #tpu.memory_space<vmem>>, %arg12: memref<64x128xf32, #tpu.memory_space<vmem>>, %arg13: memref<!tpu.dma_semaphore, #tpu.memory_space<semaphore_mem>>, %arg14: memref<!tpu.dma_semaphore, #tpu.memory_space<semaphore_mem>>, %arg15: memref<!tpu.dma_semaphore, #tpu.memory_space<semaphore_mem>>, %arg16: memref<!tpu.dma_semaphore, #tpu.memory_space<semaphore_mem>>, %arg17: memref<!tpu.dma_semaphore, #tpu.memory_space<semaphore_mem>>, %arg18: memref<!tpu.dma_semaphore, #tpu.memory_space<semaphore_mem>>, %arg19: memref<!tpu.dma_semaphore, #tpu.memory_space<semaphore_mem>>, %arg20: memref<!tpu.dma_semaphore, #tpu.memory_space<semaphore_mem>>, %arg21: memref<!tpu.dma_semaphore, #tpu.memory_space<semaphore_mem>>) attributes {dimension_semantics = [#tpu.dimension_semantics<core_parallel>, #tpu.dimension_semantics<subcore_parallel>], iteration_bounds = array<i64: 2, 16>, scalar_prefetch = 0 : i64, scratch_operands = 16 : i64, tpu.core_type = #tpu.core_type<sc_vector_subcore>, window_params = [{transform_indices = #map}, {transform_indices = #map1}, {transform_indices = #map2}, {transform_indices = #map2}]} {
    %mul3A = arith.constant 2 : i32
    %mul3A_0 = arith.muli %arg1, %mul3A : i32
    %add3A = arith.addi %mul3A_0, %arg0 : i32
    %mul3A_1 = arith.constant 10240 : i32
    %mul3A_2 = arith.muli %add3A, %mul3A_1 : i32
    %dma_start3A = tpu.memref_slice %arg3[%mul3A_2] : memref<327680xi32, #tpu.memory_space<hbm>> -> memref<5120xi32, #tpu.memory_space<hbm>>
    %dma_start3A_3 = tpu.memref_slice %arg3[%mul3A_2] : memref<327680xi32, #tpu.memory_space<hbm>> -> memref<5120xi32, #tpu.memory_space<hbm>>
    tpu.enqueue_dma source(%dma_start3A_3 : memref<5120xi32, #tpu.memory_space<hbm>>) target(%arg6 : memref<5120xi32, #tpu.memory_space<vmem>>) target_semaphore(%arg21 : memref<!tpu.dma_semaphore, #tpu.memory_space<semaphore_mem>>)
    %dma_start3A_4 = arith.constant 0 : i32
    %dma_start3A_5 = arith.constant 0 : i32
    %dma_start3A_6 = tpu.memref_slice %arg4[%add3A, %dma_start3A_4, %dma_start3A_5] : memref<32x160x64xi32, #tpu.memory_space<hbm>> -> memref<1x80x64xi32, #tpu.memory_space<hbm>>
    %dma_start3A_7 = tpu.memref_squeeze %dma_start3A_6 : memref<1x80x64xi32, #tpu.memory_space<hbm>> -> memref<80x64xi32, #tpu.memory_space<hbm>>
    %dma_start3A_8 = arith.constant 0 : i32
    %dma_start3A_9 = arith.constant 0 : i32
    %dma_start3A_10 = tpu.memref_slice %arg4[%add3A, %dma_start3A_8, %dma_start3A_9] : memref<32x160x64xi32, #tpu.memory_space<hbm>> -> memref<1x80x64xi32, #tpu.memory_space<hbm>>
    %dma_start3A_11 = tpu.memref_squeeze %dma_start3A_10 : memref<1x80x64xi32, #tpu.memory_space<hbm>> -> memref<80x64xi32, #tpu.memory_space<hbm>>
    tpu.enqueue_dma source(%dma_start3A_11 : memref<80x64xi32, #tpu.memory_space<hbm>>) target(%arg7 : memref<80x64xi32, #tpu.memory_space<vmem>>) target_semaphore(%arg21 : memref<!tpu.dma_semaphore, #tpu.memory_space<semaphore_mem>>)
    %broadcast_in_dim3A = arith.constant 0.000000e+00 : f32
    %broadcast_in_dim3A_12 = vector.broadcast %broadcast_in_dim3A : f32 to vector<16xf32>
    %scan3A = arith.constant 0 : i32
    %scan3A_13 = arith.constant 0 : i32
    %scan3A_14 = arith.constant 512 : i32
    %scan3A_15 = arith.addi %scan3A_13, %scan3A_14 : i32
    %scan3A_16 = arith.constant 1 : i32
    scf.for %scan3A_246 = %scan3A_13 to %scan3A_15 step %scan3A_16  : i32 {
      %jit3A = arith.constant 8 : i32
      %div3A = arith.divsi %scan3A_246, %jit3A : i32
      %sign3A = arith.constant 0 : i32
      %sign3A_247 = arith.cmpi sgt, %scan3A_246, %sign3A : i32
      %sign3A_248 = arith.extui %sign3A_247 : i1 to i32
      %sign3A_249 = arith.constant 0 : i32
      %sign3A_250 = arith.cmpi slt, %scan3A_246, %sign3A_249 : i32
      %sign3A_251 = arith.extui %sign3A_250 : i1 to i32
      %sign3A_252 = arith.subi %sign3A_248, %sign3A_251 : i32
      %sign3A_253 = arith.constant 0 : i32
      %sign3A_254 = arith.cmpi sgt, %jit3A, %sign3A_253 : i32
      %sign3A_255 = arith.extui %sign3A_254 : i1 to i32
      %sign3A_256 = arith.constant 0 : i32
      %sign3A_257 = arith.cmpi slt, %jit3A, %sign3A_256 : i32
      %sign3A_258 = arith.extui %sign3A_257 : i1 to i32
      %sign3A_259 = arith.subi %sign3A_255, %sign3A_258 : i32
      %ne3A = arith.cmpi ne, %sign3A_252, %sign3A_259 : i32
      %rem3A = arith.remsi %scan3A_246, %jit3A : i32
      %ne3A_260 = arith.constant 0 : i32
      %ne3A_261 = arith.cmpi ne, %rem3A, %ne3A_260 : i32
      %and3A = arith.andi %ne3A, %ne3A_261 : i1
      %sub3A = arith.constant 1 : i32
      %sub3A_262 = arith.subi %div3A, %sub3A : i32
      %select_n3A = arith.select %and3A, %sub3A_262, %div3A : i32
      %jit3A_263 = arith.constant 8 : i32
      %eq3A = arith.constant 0 : i32
      %eq3A_264 = arith.cmpi eq, %jit3A_263, %eq3A : i32
      %jit3A_265 = arith.constant 1 : i32
      %select_n3A_266 = arith.select %eq3A_264, %jit3A_265, %jit3A_263 : i32
      %rem3A_267 = arith.remsi %scan3A_246, %select_n3A_266 : i32
      %ne3A_268 = arith.constant 0 : i32
      %ne3A_269 = arith.cmpi ne, %rem3A_267, %ne3A_268 : i32
      %lt3A = arith.constant 0 : i32
      %lt3A_270 = arith.cmpi slt, %rem3A_267, %lt3A : i32
      %lt3A_271 = arith.constant 0 : i32
      %lt3A_272 = arith.cmpi slt, %select_n3A_266, %lt3A_271 : i32
      %ne3A_273 = arith.xori %lt3A_270, %lt3A_272 : i1
      %and3A_274 = arith.andi %ne3A_273, %ne3A_269 : i1
      %add3A_275 = arith.addi %rem3A_267, %select_n3A_266 : i32
      %select_n3A_276 = arith.select %and3A_274, %add3A_275, %rem3A_267 : i32
      %mul3A_277 = arith.constant 16 : i32
      %mul3A_278 = arith.muli %select_n3A_276, %mul3A_277 : i32
      %swap3A = arith.index_cast %select_n3A : i32 to index
      %swap3A_279 = arith.index_cast %mul3A_278 : i32 to index
      %swap3A_280 = tpu.vector_load %arg9[%swap3A, %swap3A_279] {strides = array<i32>} : memref<64x128xf32, #tpu.memory_space<vmem>>, vector<16xf32>,
      tpu.vector_store %arg9[%swap3A, %swap3A_279], %broadcast_in_dim3A_12 {strides = array<i32>} : memref<64x128xf32, #tpu.memory_space<vmem>>, vector<16xf32>,
    }
    %scan3A_17 = arith.constant 512 : i32
    %scan3A_18 = arith.constant 0 : i32
    %scan3A_19 = arith.constant 0 : i32
    %scan3A_20 = arith.constant 10 : i32
    %scan3A_21 = arith.addi %scan3A_19, %scan3A_20 : i32
    %scan3A_22 = arith.constant 1 : i32
    scf.for %scan3A_246 = %scan3A_19 to %scan3A_21 step %scan3A_22  : i32 {
      %mul3A_247 = arith.constant 640 : i32
      %mul3A_248 = arith.muli %arg1, %mul3A_247 : i32
      %mul3A_249 = arith.constant 64 : i32
      %mul3A_250 = arith.muli %scan3A_246, %mul3A_249 : i32
      %add3A_251 = arith.addi %mul3A_248, %mul3A_250 : i32
      "tpu.region"() ({
        %run_scoped3A = tpu.sem_alloc : memref<!tpu.dma_semaphore, #tpu.memory_space<semaphore_mem>>
        %dma_start3A_252 = arith.constant 0 : i32
        %dma_start3A_253 = tpu.memref_slice %arg8[%add3A_251, %dma_start3A_252] : memref<10240x128xf32, #tpu.memory_space<vmem_shared>> -> memref<64x128xf32, #tpu.memory_space<vmem_shared>>
        %dma_start3A_254 = arith.constant 0 : i32
        %dma_start3A_255 = tpu.memref_slice %arg8[%add3A_251, %dma_start3A_254] : memref<10240x128xf32, #tpu.memory_space<vmem_shared>> -> memref<64x128xf32, #tpu.memory_space<vmem_shared>>
        tpu.enqueue_dma source(%arg9 : memref<64x128xf32, #tpu.memory_space<vmem>>) target(%dma_start3A_255 : memref<64x128xf32, #tpu.memory_space<vmem_shared>>) target_semaphore(%run_scoped3A : memref<!tpu.dma_semaphore, #tpu.memory_space<semaphore_mem>>)
        %dma_wait3A_256 = arith.constant 0 : i32
        %dma_wait3A_257 = tpu.memref_slice %arg8[%add3A_251, %dma_wait3A_256] : memref<10240x128xf32, #tpu.memory_space<vmem_shared>> -> memref<64x128xf32, #tpu.memory_space<vmem_shared>>
        %dma_wait3A_258 = arith.constant 0 : i32
        %dma_wait3A_259 = tpu.memref_slice %arg8[%add3A_251, %dma_wait3A_258] : memref<10240x128xf32, #tpu.memory_space<vmem_shared>> -> memref<64x128xf32, #tpu.memory_space<vmem_shared>>
        tpu.wait_dma2 semaphore(%run_scoped3A : memref<!tpu.dma_semaphore, #tpu.memory_space<semaphore_mem>>) src(%arg9 : memref<64x128xf32, #tpu.memory_space<vmem>>) dst(%dma_wait3A_259 : memref<64x128xf32, #tpu.memory_space<vmem_shared>>)
        tpu.yield
      }) : () -> ()
    }
    %scan3A_23 = arith.constant 10 : i32
    %dma_wait3A = tpu.memref_slice %arg3[%mul3A_2] : memref<327680xi32, #tpu.memory_space<hbm>> -> memref<5120xi32, #tpu.memory_space<hbm>>
    %dma_wait3A_24 = tpu.memref_slice %arg3[%mul3A_2] : memref<327680xi32, #tpu.memory_space<hbm>> -> memref<5120xi32, #tpu.memory_space<hbm>>
    tpu.wait_dma2 semaphore(%arg21 : memref<!tpu.dma_semaphore, #tpu.memory_space<semaphore_mem>>) src(%dma_wait3A_24 : memref<5120xi32, #tpu.memory_space<hbm>>) dst(%arg6 : memref<5120xi32, #tpu.memory_space<vmem>>)
    %dma_wait3A_25 = arith.constant 0 : i32
    %dma_wait3A_26 = arith.constant 0 : i32
    %dma_wait3A_27 = tpu.memref_slice %arg4[%add3A, %dma_wait3A_25, %dma_wait3A_26] : memref<32x160x64xi32, #tpu.memory_space<hbm>> -> memref<1x80x64xi32, #tpu.memory_space<hbm>>
    %dma_wait3A_28 = tpu.memref_squeeze %dma_wait3A_27 : memref<1x80x64xi32, #tpu.memory_space<hbm>> -> memref<80x64xi32, #tpu.memory_space<hbm>>
    %dma_wait3A_29 = arith.constant 0 : i32
    %dma_wait3A_30 = arith.constant 0 : i32
    %dma_wait3A_31 = tpu.memref_slice %arg4[%add3A, %dma_wait3A_29, %dma_wait3A_30] : memref<32x160x64xi32, #tpu.memory_space<hbm>> -> memref<1x80x64xi32, #tpu.memory_space<hbm>>
    %dma_wait3A_32 = tpu.memref_squeeze %dma_wait3A_31 : memref<1x80x64xi32, #tpu.memory_space<hbm>> -> memref<80x64xi32, #tpu.memory_space<hbm>>
    tpu.wait_dma2 semaphore(%arg21 : memref<!tpu.dma_semaphore, #tpu.memory_space<semaphore_mem>>) src(%dma_wait3A_32 : memref<80x64xi32, #tpu.memory_space<hbm>>) dst(%arg7 : memref<80x64xi32, #tpu.memory_space<vmem>>)
    %barrier3A = arith.constant 0 : index
    tpu.barrier barrier_id(%barrier3A)
    %dma_start3A_33 = arith.constant 0 : i32
    %dma_start3A_34 = tpu.memref_slice %arg6[%dma_start3A_33] : memref<5120xi32, #tpu.memory_space<vmem>> -> memref<64xi32, #tpu.memory_space<vmem>>
    %dma_start3A_35 = arith.constant 0 : i32
    %dma_start3A_36 = arith.constant 0 : i32
    %dma_start3A_37 = tpu.memref_slice %arg2[%dma_start3A_35, %dma_start3A_36] : memref<10000x128xf32, #tpu.memory_space<hbm>> -> memref<10000x128xf32, #tpu.memory_space<hbm>>
    tpu.enqueue_indirect_dma source(%dma_start3A_37 : memref<10000x128xf32, #tpu.memory_space<hbm>>) target(%arg9 : memref<64x128xf32, #tpu.memory_space<vmem>>) offsets(%dma_start3A_34 : memref<64xi32, #tpu.memory_space<vmem>>) semaphore(%arg13 : memref<!tpu.dma_semaphore, #tpu.memory_space<semaphore_mem>>)
    %dma_start3A_38 = arith.constant 64 : i32
    %dma_start3A_39 = tpu.memref_slice %arg6[%dma_start3A_38] : memref<5120xi32, #tpu.memory_space<vmem>> -> memref<64xi32, #tpu.memory_space<vmem>>
    %dma_start3A_40 = arith.constant 0 : i32
    %dma_start3A_41 = arith.constant 0 : i32
    %dma_start3A_42 = tpu.memref_slice %arg2[%dma_start3A_40, %dma_start3A_41] : memref<10000x128xf32, #tpu.memory_space<hbm>> -> memref<10000x128xf32, #tpu.memory_space<hbm>>
    tpu.enqueue_indirect_dma source(%dma_start3A_42 : memref<10000x128xf32, #tpu.memory_space<hbm>>) target(%arg10 : memref<64x128xf32, #tpu.memory_space<vmem>>) offsets(%dma_start3A_39 : memref<64xi32, #tpu.memory_space<vmem>>) semaphore(%arg14 : memref<!tpu.dma_semaphore, #tpu.memory_space<semaphore_mem>>)
    %dma_start3A_43 = arith.constant 128 : i32
    %dma_start3A_44 = tpu.memref_slice %arg6[%dma_start3A_43] : memref<5120xi32, #tpu.memory_space<vmem>> -> memref<64xi32, #tpu.memory_space<vmem>>
    %dma_start3A_45 = arith.constant 0 : i32
    %dma_start3A_46 = arith.constant 0 : i32
    %dma_start3A_47 = tpu.memref_slice %arg2[%dma_start3A_45, %dma_start3A_46] : memref<10000x128xf32, #tpu.memory_space<hbm>> -> memref<10000x128xf32, #tpu.memory_space<hbm>>
    tpu.enqueue_indirect_dma source(%dma_start3A_47 : memref<10000x128xf32, #tpu.memory_space<hbm>>) target(%arg11 : memref<64x128xf32, #tpu.memory_space<vmem>>) offsets(%dma_start3A_44 : memref<64xi32, #tpu.memory_space<vmem>>) semaphore(%arg15 : memref<!tpu.dma_semaphore, #tpu.memory_space<semaphore_mem>>)
    %dma_start3A_48 = arith.constant 192 : i32
    %dma_start3A_49 = tpu.memref_slice %arg6[%dma_start3A_48] : memref<5120xi32, #tpu.memory_space<vmem>> -> memref<64xi32, #tpu.memory_space<vmem>>
    %dma_start3A_50 = arith.constant 0 : i32
    %dma_start3A_51 = arith.constant 0 : i32
    %dma_start3A_52 = tpu.memref_slice %arg2[%dma_start3A_50, %dma_start3A_51] : memref<10000x128xf32, #tpu.memory_space<hbm>> -> memref<10000x128xf32, #tpu.memory_space<hbm>>
    tpu.enqueue_indirect_dma source(%dma_start3A_52 : memref<10000x128xf32, #tpu.memory_space<hbm>>) target(%arg12 : memref<64x128xf32, #tpu.memory_space<vmem>>) offsets(%dma_start3A_49 : memref<64xi32, #tpu.memory_space<vmem>>) semaphore(%arg16 : memref<!tpu.dma_semaphore, #tpu.memory_space<semaphore_mem>>)
    %scan3A_53 = arith.constant 0 : i32
    %scan3A_54 = arith.constant 1 : i32
    %scan3A_55 = arith.constant 19 : i32
    %scan3A_56 = arith.addi %scan3A_54, %scan3A_55 : i32
    %scan3A_57 = arith.constant 1 : i32
    scf.for %scan3A_246 = %scan3A_54 to %scan3A_56 step %scan3A_57  : i32 {
      %dma_wait3A_247 = arith.constant 0 : i32
      %dma_wait3A_248 = tpu.memref_slice %arg6[%dma_wait3A_247] : memref<5120xi32, #tpu.memory_space<vmem>> -> memref<64xi32, #tpu.memory_space<vmem>>
      %dma_wait3A_249 = arith.constant 0 : i32
      %dma_wait3A_250 = arith.constant 0 : i32
      %dma_wait3A_251 = tpu.memref_slice %arg2[%dma_wait3A_249, %dma_wait3A_250] : memref<10000x128xf32, #tpu.memory_space<hbm>> -> memref<10000x128xf32, #tpu.memory_space<hbm>>
      tpu.wait_indirect_dma semaphore(%arg13 : memref<!tpu.dma_semaphore, #tpu.memory_space<semaphore_mem>>) src(%dma_wait3A_251 : memref<10000x128xf32, #tpu.memory_space<hbm>>) dst(%arg9 : memref<64x128xf32, #tpu.memory_space<vmem>>)
      %sub3A = arith.constant 1 : i32
      %sub3A_252 = arith.subi %scan3A_246, %sub3A : i32
      %mul3A_253 = arith.constant 4 : i32
      %mul3A_254 = arith.muli %sub3A_252, %mul3A_253 : i32
      %add3A_255 = arith.constant 0 : i32
      %add3A_256 = arith.addi %mul3A_254, %add3A_255 : i32
      %dma_start3A_257 = arith.constant 0 : i32
      %dma_start3A_258 = tpu.memref_slice %arg7[%add3A_256, %dma_start3A_257] : memref<80x64xi32, #tpu.memory_space<vmem>> -> memref<1x64xi32, #tpu.memory_space<vmem>>
      %dma_start3A_259 = tpu.memref_squeeze %dma_start3A_258 : memref<1x64xi32, #tpu.memory_space<vmem>> -> memref<64xi32, #tpu.memory_space<vmem>>
      %dma_start3A_260 = arith.constant 0 : i32
      %dma_start3A_261 = arith.constant 0 : i32
      %dma_start3A_262 = tpu.memref_slice %arg8[%dma_start3A_260, %dma_start3A_261] : memref<10240x128xf32, #tpu.memory_space<vmem_shared>> -> memref<10240x128xf32, #tpu.memory_space<vmem_shared>>
      tpu.enqueue_indirect_dma source(%arg9 : memref<64x128xf32, #tpu.memory_space<vmem>>) target(%dma_start3A_262 : memref<10240x128xf32, #tpu.memory_space<vmem_shared>>) offsets(%dma_start3A_259 : memref<64xi32, #tpu.memory_space<vmem>>) semaphore(%arg17 : memref<!tpu.dma_semaphore, #tpu.memory_space<semaphore_mem>>) {add = true}
      %dma_wait3A_263 = arith.constant 0 : i32
      %dma_wait3A_264 = tpu.memref_slice %arg6[%dma_wait3A_263] : memref<5120xi32, #tpu.memory_space<vmem>> -> memref<64xi32, #tpu.memory_space<vmem>>
      %dma_wait3A_265 = arith.constant 0 : i32
      %dma_wait3A_266 = arith.constant 0 : i32
      %dma_wait3A_267 = tpu.memref_slice %arg2[%dma_wait3A_265, %dma_wait3A_266] : memref<10000x128xf32, #tpu.memory_space<hbm>> -> memref<10000x128xf32, #tpu.memory_space<hbm>>
      tpu.wait_indirect_dma semaphore(%arg14 : memref<!tpu.dma_semaphore, #tpu.memory_space<semaphore_mem>>) src(%dma_wait3A_267 : memref<10000x128xf32, #tpu.memory_space<hbm>>) dst(%arg10 : memref<64x128xf32, #tpu.memory_space<vmem>>)
      %sub3A_268 = arith.constant 1 : i32
      %sub3A_269 = arith.subi %scan3A_246, %sub3A_268 : i32
      %mul3A_270 = arith.constant 4 : i32
      %mul3A_271 = arith.muli %sub3A_269, %mul3A_270 : i32
      %add3A_272 = arith.constant 1 : i32
      %add3A_273 = arith.addi %mul3A_271, %add3A_272 : i32
      %dma_start3A_274 = arith.constant 0 : i32
      %dma_start3A_275 = tpu.memref_slice %arg7[%add3A_273, %dma_start3A_274] : memref<80x64xi32, #tpu.memory_space<vmem>> -> memref<1x64xi32, #tpu.memory_space<vmem>>
      %dma_start3A_276 = tpu.memref_squeeze %dma_start3A_275 : memref<1x64xi32, #tpu.memory_space<vmem>> -> memref<64xi32, #tpu.memory_space<vmem>>
      %dma_start3A_277 = arith.constant 0 : i32
      %dma_start3A_278 = arith.constant 0 : i32
      %dma_start3A_279 = tpu.memref_slice %arg8[%dma_start3A_277, %dma_start3A_278] : memref<10240x128xf32, #tpu.memory_space<vmem_shared>> -> memref<10240x128xf32, #tpu.memory_space<vmem_shared>>
      tpu.enqueue_indirect_dma source(%arg10 : memref<64x128xf32, #tpu.memory_space<vmem>>) target(%dma_start3A_279 : memref<10240x128xf32, #tpu.memory_space<vmem_shared>>) offsets(%dma_start3A_276 : memref<64xi32, #tpu.memory_space<vmem>>) semaphore(%arg18 : memref<!tpu.dma_semaphore, #tpu.memory_space<semaphore_mem>>) {add = true}
      %dma_wait3A_280 = arith.constant 0 : i32
      %dma_wait3A_281 = tpu.memref_slice %arg6[%dma_wait3A_280] : memref<5120xi32, #tpu.memory_space<vmem>> -> memref<64xi32, #tpu.memory_space<vmem>>
      %dma_wait3A_282 = arith.constant 0 : i32
      %dma_wait3A_283 = arith.constant 0 : i32
      %dma_wait3A_284 = tpu.memref_slice %arg2[%dma_wait3A_282, %dma_wait3A_283] : memref<10000x128xf32, #tpu.memory_space<hbm>> -> memref<10000x128xf32, #tpu.memory_space<hbm>>
      tpu.wait_indirect_dma semaphore(%arg15 : memref<!tpu.dma_semaphore, #tpu.memory_space<semaphore_mem>>) src(%dma_wait3A_284 : memref<10000x128xf32, #tpu.memory_space<hbm>>) dst(%arg11 : memref<64x128xf32, #tpu.memory_space<vmem>>)
      %sub3A_285 = arith.constant 1 : i32
      %sub3A_286 = arith.subi %scan3A_246, %sub3A_285 : i32
      %mul3A_287 = arith.constant 4 : i32
      %mul3A_288 = arith.muli %sub3A_286, %mul3A_287 : i32
      %add3A_289 = arith.constant 2 : i32
      %add3A_290 = arith.addi %mul3A_288, %add3A_289 : i32
      %dma_start3A_291 = arith.constant 0 : i32
      %dma_start3A_292 = tpu.memref_slice %arg7[%add3A_290, %dma_start3A_291] : memref<80x64xi32, #tpu.memory_space<vmem>> -> memref<1x64xi32, #tpu.memory_space<vmem>>
      %dma_start3A_293 = tpu.memref_squeeze %dma_start3A_292 : memref<1x64xi32, #tpu.memory_space<vmem>> -> memref<64xi32, #tpu.memory_space<vmem>>
      %dma_start3A_294 = arith.constant 0 : i32
      %dma_start3A_295 = arith.constant 0 : i32
      %dma_start3A_296 = tpu.memref_slice %arg8[%dma_start3A_294, %dma_start3A_295] : memref<10240x128xf32, #tpu.memory_space<vmem_shared>> -> memref<10240x128xf32, #tpu.memory_space<vmem_shared>>
      tpu.enqueue_indirect_dma source(%arg11 : memref<64x128xf32, #tpu.memory_space<vmem>>) target(%dma_start3A_296 : memref<10240x128xf32, #tpu.memory_space<vmem_shared>>) offsets(%dma_start3A_293 : memref<64xi32, #tpu.memory_space<vmem>>) semaphore(%arg19 : memref<!tpu.dma_semaphore, #tpu.memory_space<semaphore_mem>>) {add = true}
      %dma_wait3A_297 = arith.constant 0 : i32
      %dma_wait3A_298 = tpu.memref_slice %arg6[%dma_wait3A_297] : memref<5120xi32, #tpu.memory_space<vmem>> -> memref<64xi32, #tpu.memory_space<vmem>>
      %dma_wait3A_299 = arith.constant 0 : i32
      %dma_wait3A_300 = arith.constant 0 : i32
      %dma_wait3A_301 = tpu.memref_slice %arg2[%dma_wait3A_299, %dma_wait3A_300] : memref<10000x128xf32, #tpu.memory_space<hbm>> -> memref<10000x128xf32, #tpu.memory_space<hbm>>
      tpu.wait_indirect_dma semaphore(%arg16 : memref<!tpu.dma_semaphore, #tpu.memory_space<semaphore_mem>>) src(%dma_wait3A_301 : memref<10000x128xf32, #tpu.memory_space<hbm>>) dst(%arg12 : memref<64x128xf32, #tpu.memory_space<vmem>>)
      %sub3A_302 = arith.constant 1 : i32
      %sub3A_303 = arith.subi %scan3A_246, %sub3A_302 : i32
      %mul3A_304 = arith.constant 4 : i32
      %mul3A_305 = arith.muli %sub3A_303, %mul3A_304 : i32
      %add3A_306 = arith.constant 3 : i32
      %add3A_307 = arith.addi %mul3A_305, %add3A_306 : i32
      %dma_start3A_308 = arith.constant 0 : i32
      %dma_start3A_309 = tpu.memref_slice %arg7[%add3A_307, %dma_start3A_308] : memref<80x64xi32, #tpu.memory_space<vmem>> -> memref<1x64xi32, #tpu.memory_space<vmem>>
      %dma_start3A_310 = tpu.memref_squeeze %dma_start3A_309 : memref<1x64xi32, #tpu.memory_space<vmem>> -> memref<64xi32, #tpu.memory_space<vmem>>
      %dma_start3A_311 = arith.constant 0 : i32
      %dma_start3A_312 = arith.constant 0 : i32
      %dma_start3A_313 = tpu.memref_slice %arg8[%dma_start3A_311, %dma_start3A_312] : memref<10240x128xf32, #tpu.memory_space<vmem_shared>> -> memref<10240x128xf32, #tpu.memory_space<vmem_shared>>
      tpu.enqueue_indirect_dma source(%arg12 : memref<64x128xf32, #tpu.memory_space<vmem>>) target(%dma_start3A_313 : memref<10240x128xf32, #tpu.memory_space<vmem_shared>>) offsets(%dma_start3A_310 : memref<64xi32, #tpu.memory_space<vmem>>) semaphore(%arg20 : memref<!tpu.dma_semaphore, #tpu.memory_space<semaphore_mem>>) {add = true}
      %dma_wait3A_314 = arith.constant 0 : i32
      %dma_wait3A_315 = arith.constant 0 : i32
      %dma_wait3A_316 = tpu.memref_slice %arg7[%dma_wait3A_314, %dma_wait3A_315] : memref<80x64xi32, #tpu.memory_space<vmem>> -> memref<1x64xi32, #tpu.memory_space<vmem>>
      %dma_wait3A_317 = tpu.memref_squeeze %dma_wait3A_316 : memref<1x64xi32, #tpu.memory_space<vmem>> -> memref<64xi32, #tpu.memory_space<vmem>>
      %dma_wait3A_318 = arith.constant 0 : i32
      %dma_wait3A_319 = arith.constant 0 : i32
      %dma_wait3A_320 = tpu.memref_slice %arg8[%dma_wait3A_318, %dma_wait3A_319] : memref<10240x128xf32, #tpu.memory_space<vmem_shared>> -> memref<10240x128xf32, #tpu.memory_space<vmem_shared>>
      tpu.wait_indirect_dma semaphore(%arg17 : memref<!tpu.dma_semaphore, #tpu.memory_space<semaphore_mem>>) src(%arg9 : memref<64x128xf32, #tpu.memory_space<vmem>>) dst(%dma_wait3A_320 : memref<10240x128xf32, #tpu.memory_space<vmem_shared>>)
      %mul3A_321 = arith.constant 4 : i32
      %mul3A_322 = arith.muli %scan3A_246, %mul3A_321 : i32
      %add3A_323 = arith.constant 0 : i32
      %add3A_324 = arith.addi %mul3A_322, %add3A_323 : i32
      %mul3A_325 = arith.constant 64 : i32
      %mul3A_326 = arith.muli %add3A_324, %mul3A_325 : i32
      %dma_start3A_327 = tpu.memref_slice %arg6[%mul3A_326] : memref<5120xi32, #tpu.memory_space<vmem>> -> memref<64xi32, #tpu.memory_space<vmem>>
      %dma_start3A_328 = arith.constant 0 : i32
      %dma_start3A_329 = arith.constant 0 : i32
      %dma_start3A_330 = tpu.memref_slice %arg2[%dma_start3A_328, %dma_start3A_329] : memref<10000x128xf32, #tpu.memory_space<hbm>> -> memref<10000x128xf32, #tpu.memory_space<hbm>>
      tpu.enqueue_indirect_dma source(%dma_start3A_330 : memref<10000x128xf32, #tpu.memory_space<hbm>>) target(%arg9 : memref<64x128xf32, #tpu.memory_space<vmem>>) offsets(%dma_start3A_327 : memref<64xi32, #tpu.memory_space<vmem>>) semaphore(%arg13 : memref<!tpu.dma_semaphore, #tpu.memory_space<semaphore_mem>>)
      %dma_wait3A_331 = arith.constant 0 : i32
      %dma_wait3A_332 = arith.constant 0 : i32
      %dma_wait3A_333 = tpu.memref_slice %arg7[%dma_wait3A_331, %dma_wait3A_332] : memref<80x64xi32, #tpu.memory_space<vmem>> -> memref<1x64xi32, #tpu.memory_space<vmem>>
      %dma_wait3A_334 = tpu.memref_squeeze %dma_wait3A_333 : memref<1x64xi32, #tpu.memory_space<vmem>> -> memref<64xi32, #tpu.memory_space<vmem>>
      %dma_wait3A_335 = arith.constant 0 : i32
      %dma_wait3A_336 = arith.constant 0 : i32
      %dma_wait3A_337 = tpu.memref_slice %arg8[%dma_wait3A_335, %dma_wait3A_336] : memref<10240x128xf32, #tpu.memory_space<vmem_shared>> -> memref<10240x128xf32, #tpu.memory_space<vmem_shared>>
      tpu.wait_indirect_dma semaphore(%arg18 : memref<!tpu.dma_semaphore, #tpu.memory_space<semaphore_mem>>) src(%arg10 : memref<64x128xf32, #tpu.memory_space<vmem>>) dst(%dma_wait3A_337 : memref<10240x128xf32, #tpu.memory_space<vmem_shared>>)
      %mul3A_338 = arith.constant 4 : i32
      %mul3A_339 = arith.muli %scan3A_246, %mul3A_338 : i32
      %add3A_340 = arith.constant 1 : i32
      %add3A_341 = arith.addi %mul3A_339, %add3A_340 : i32
      %mul3A_342 = arith.constant 64 : i32
      %mul3A_343 = arith.muli %add3A_341, %mul3A_342 : i32
      %dma_start3A_344 = tpu.memref_slice %arg6[%mul3A_343] : memref<5120xi32, #tpu.memory_space<vmem>> -> memref<64xi32, #tpu.memory_space<vmem>>
      %dma_start3A_345 = arith.constant 0 : i32
      %dma_start3A_346 = arith.constant 0 : i32
      %dma_start3A_347 = tpu.memref_slice %arg2[%dma_start3A_345, %dma_start3A_346] : memref<10000x128xf32, #tpu.memory_space<hbm>> -> memref<10000x128xf32, #tpu.memory_space<hbm>>
      tpu.enqueue_indirect_dma source(%dma_start3A_347 : memref<10000x128xf32, #tpu.memory_space<hbm>>) target(%arg10 : memref<64x128xf32, #tpu.memory_space<vmem>>) offsets(%dma_start3A_344 : memref<64xi32, #tpu.memory_space<vmem>>) semaphore(%arg14 : memref<!tpu.dma_semaphore, #tpu.memory_space<semaphore_mem>>)
      %dma_wait3A_348 = arith.constant 0 : i32
      %dma_wait3A_349 = arith.constant 0 : i32
      %dma_wait3A_350 = tpu.memref_slice %arg7[%dma_wait3A_348, %dma_wait3A_349] : memref<80x64xi32, #tpu.memory_space<vmem>> -> memref<1x64xi32, #tpu.memory_space<vmem>>
      %dma_wait3A_351 = tpu.memref_squeeze %dma_wait3A_350 : memref<1x64xi32, #tpu.memory_space<vmem>> -> memref<64xi32, #tpu.memory_space<vmem>>
      %dma_wait3A_352 = arith.constant 0 : i32
      %dma_wait3A_353 = arith.constant 0 : i32
      %dma_wait3A_354 = tpu.memref_slice %arg8[%dma_wait3A_352, %dma_wait3A_353] : memref<10240x128xf32, #tpu.memory_space<vmem_shared>> -> memref<10240x128xf32, #tpu.memory_space<vmem_shared>>
      tpu.wait_indirect_dma semaphore(%arg19 : memref<!tpu.dma_semaphore, #tpu.memory_space<semaphore_mem>>) src(%arg11 : memref<64x128xf32, #tpu.memory_space<vmem>>) dst(%dma_wait3A_354 : memref<10240x128xf32, #tpu.memory_space<vmem_shared>>)
      %mul3A_355 = arith.constant 4 : i32
      %mul3A_356 = arith.muli %scan3A_246, %mul3A_355 : i32
      %add3A_357 = arith.constant 2 : i32
      %add3A_358 = arith.addi %mul3A_356, %add3A_357 : i32
      %mul3A_359 = arith.constant 64 : i32
      %mul3A_360 = arith.muli %add3A_358, %mul3A_359 : i32
      %dma_start3A_361 = tpu.memref_slice %arg6[%mul3A_360] : memref<5120xi32, #tpu.memory_space<vmem>> -> memref<64xi32, #tpu.memory_space<vmem>>
      %dma_start3A_362 = arith.constant 0 : i32
      %dma_start3A_363 = arith.constant 0 : i32
      %dma_start3A_364 = tpu.memref_slice %arg2[%dma_start3A_362, %dma_start3A_363] : memref<10000x128xf32, #tpu.memory_space<hbm>> -> memref<10000x128xf32, #tpu.memory_space<hbm>>
      tpu.enqueue_indirect_dma source(%dma_start3A_364 : memref<10000x128xf32, #tpu.memory_space<hbm>>) target(%arg11 : memref<64x128xf32, #tpu.memory_space<vmem>>) offsets(%dma_start3A_361 : memref<64xi32, #tpu.memory_space<vmem>>) semaphore(%arg15 : memref<!tpu.dma_semaphore, #tpu.memory_space<semaphore_mem>>)
      %dma_wait3A_365 = arith.constant 0 : i32
      %dma_wait3A_366 = arith.constant 0 : i32
      %dma_wait3A_367 = tpu.memref_slice %arg7[%dma_wait3A_365, %dma_wait3A_366] : memref<80x64xi32, #tpu.memory_space<vmem>> -> memref<1x64xi32, #tpu.memory_space<vmem>>
      %dma_wait3A_368 = tpu.memref_squeeze %dma_wait3A_367 : memref<1x64xi32, #tpu.memory_space<vmem>> -> memref<64xi32, #tpu.memory_space<vmem>>
      %dma_wait3A_369 = arith.constant 0 : i32
      %dma_wait3A_370 = arith.constant 0 : i32
      %dma_wait3A_371 = tpu.memref_slice %arg8[%dma_wait3A_369, %dma_wait3A_370] : memref<10240x128xf32, #tpu.memory_space<vmem_shared>> -> memref<10240x128xf32, #tpu.memory_space<vmem_shared>>
      tpu.wait_indirect_dma semaphore(%arg20 : memref<!tpu.dma_semaphore, #tpu.memory_space<semaphore_mem>>) src(%arg12 : memref<64x128xf32, #tpu.memory_space<vmem>>) dst(%dma_wait3A_371 : memref<10240x128xf32, #tpu.memory_space<vmem_shared>>)
      %mul3A_372 = arith.constant 4 : i32
      %mul3A_373 = arith.muli %scan3A_246, %mul3A_372 : i32
      %add3A_374 = arith.constant 3 : i32
      %add3A_375 = arith.addi %mul3A_373, %add3A_374 : i32
      %mul3A_376 = arith.constant 64 : i32
      %mul3A_377 = arith.muli %add3A_375, %mul3A_376 : i32
      %dma_start3A_378 = tpu.memref_slice %arg6[%mul3A_377] : memref<5120xi32, #tpu.memory_space<vmem>> -> memref<64xi32, #tpu.memory_space<vmem>>
      %dma_start3A_379 = arith.constant 0 : i32
      %dma_start3A_380 = arith.constant 0 : i32
      %dma_start3A_381 = tpu.memref_slice %arg2[%dma_start3A_379, %dma_start3A_380] : memref<10000x128xf32, #tpu.memory_space<hbm>> -> memref<10000x128xf32, #tpu.memory_space<hbm>>
      tpu.enqueue_indirect_dma source(%dma_start3A_381 : memref<10000x128xf32, #tpu.memory_space<hbm>>) target(%arg12 : memref<64x128xf32, #tpu.memory_space<vmem>>) offsets(%dma_start3A_378 : memref<64xi32, #tpu.memory_space<vmem>>) semaphore(%arg16 : memref<!tpu.dma_semaphore, #tpu.memory_space<semaphore_mem>>)
    }
    %scan3A_58 = arith.constant 19 : i32
    %dma_wait3A_59 = arith.constant 0 : i32
    %dma_wait3A_60 = tpu.memref_slice %arg6[%dma_wait3A_59] : memref<5120xi32, #tpu.memory_space<vmem>> -> memref<64xi32, #tpu.memory_space<vmem>>
    %dma_wait3A_61 = arith.constant 0 : i32
    %dma_wait3A_62 = arith.constant 0 : i32
    %dma_wait3A_63 = tpu.memref_slice %arg2[%dma_wait3A_61, %dma_wait3A_62] : memref<10000x128xf32, #tpu.memory_space<hbm>> -> memref<10000x128xf32, #tpu.memory_space<hbm>>
    tpu.wait_indirect_dma semaphore(%arg13 : memref<!tpu.dma_semaphore, #tpu.memory_space<semaphore_mem>>) src(%dma_wait3A_63 : memref<10000x128xf32, #tpu.memory_space<hbm>>) dst(%arg9 : memref<64x128xf32, #tpu.memory_space<vmem>>)
    %dma_start3A_64 = arith.constant 76 : i32
    %dma_start3A_65 = arith.constant 0 : i32
    %dma_start3A_66 = tpu.memref_slice %arg7[%dma_start3A_64, %dma_start3A_65] : memref<80x64xi32, #tpu.memory_space<vmem>> -> memref<1x64xi32, #tpu.memory_space<vmem>>
    %dma_start3A_67 = tpu.memref_squeeze %dma_start3A_66 : memref<1x64xi32, #tpu.memory_space<vmem>> -> memref<64xi32, #tpu.memory_space<vmem>>
    %dma_start3A_68 = arith.constant 0 : i32
    %dma_start3A_69 = arith.constant 0 : i32
    %dma_start3A_70 = tpu.memref_slice %arg8[%dma_start3A_68, %dma_start3A_69] : memref<10240x128xf32, #tpu.memory_space<vmem_shared>> -> memref<10240x128xf32, #tpu.memory_space<vmem_shared>>
    tpu.enqueue_indirect_dma source(%arg9 : memref<64x128xf32, #tpu.memory_space<vmem>>) target(%dma_start3A_70 : memref<10240x128xf32, #tpu.memory_space<vmem_shared>>) offsets(%dma_start3A_67 : memref<64xi32, #tpu.memory_space<vmem>>) semaphore(%arg17 : memref<!tpu.dma_semaphore, #tpu.memory_space<semaphore_mem>>) {add = true}
    %dma_wait3A_71 = arith.constant 0 : i32
    %dma_wait3A_72 = tpu.memref_slice %arg6[%dma_wait3A_71] : memref<5120xi32, #tpu.memory_space<vmem>> -> memref<64xi32, #tpu.memory_space<vmem>>
    %dma_wait3A_73 = arith.constant 0 : i32
    %dma_wait3A_74 = arith.constant 0 : i32
    %dma_wait3A_75 = tpu.memref_slice %arg2[%dma_wait3A_73, %dma_wait3A_74] : memref<10000x128xf32, #tpu.memory_space<hbm>> -> memref<10000x128xf32, #tpu.memory_space<hbm>>
    tpu.wait_indirect_dma semaphore(%arg14 : memref<!tpu.dma_semaphore, #tpu.memory_space<semaphore_mem>>) src(%dma_wait3A_75 : memref<10000x128xf32, #tpu.memory_space<hbm>>) dst(%arg10 : memref<64x128xf32, #tpu.memory_space<vmem>>)
    %dma_start3A_76 = arith.constant 77 : i32
    %dma_start3A_77 = arith.constant 0 : i32
    %dma_start3A_78 = tpu.memref_slice %arg7[%dma_start3A_76, %dma_start3A_77] : memref<80x64xi32, #tpu.memory_space<vmem>> -> memref<1x64xi32, #tpu.memory_space<vmem>>
    %dma_start3A_79 = tpu.memref_squeeze %dma_start3A_78 : memref<1x64xi32, #tpu.memory_space<vmem>> -> memref<64xi32, #tpu.memory_space<vmem>>
    %dma_start3A_80 = arith.constant 0 : i32
    %dma_start3A_81 = arith.constant 0 : i32
    %dma_start3A_82 = tpu.memref_slice %arg8[%dma_start3A_80, %dma_start3A_81] : memref<10240x128xf32, #tpu.memory_space<vmem_shared>> -> memref<10240x128xf32, #tpu.memory_space<vmem_shared>>
    tpu.enqueue_indirect_dma source(%arg10 : memref<64x128xf32, #tpu.memory_space<vmem>>) target(%dma_start3A_82 : memref<10240x128xf32, #tpu.memory_space<vmem_shared>>) offsets(%dma_start3A_79 : memref<64xi32, #tpu.memory_space<vmem>>) semaphore(%arg18 : memref<!tpu.dma_semaphore, #tpu.memory_space<semaphore_mem>>) {add = true}
    %dma_wait3A_83 = arith.constant 0 : i32
    %dma_wait3A_84 = tpu.memref_slice %arg6[%dma_wait3A_83] : memref<5120xi32, #tpu.memory_space<vmem>> -> memref<64xi32, #tpu.memory_space<vmem>>
    %dma_wait3A_85 = arith.constant 0 : i32
    %dma_wait3A_86 = arith.constant 0 : i32
    %dma_wait3A_87 = tpu.memref_slice %arg2[%dma_wait3A_85, %dma_wait3A_86] : memref<10000x128xf32, #tpu.memory_space<hbm>> -> memref<10000x128xf32, #tpu.memory_space<hbm>>
    tpu.wait_indirect_dma semaphore(%arg15 : memref<!tpu.dma_semaphore, #tpu.memory_space<semaphore_mem>>) src(%dma_wait3A_87 : memref<10000x128xf32, #tpu.memory_space<hbm>>) dst(%arg11 : memref<64x128xf32, #tpu.memory_space<vmem>>)
    %dma_start3A_88 = arith.constant 78 : i32
    %dma_start3A_89 = arith.constant 0 : i32
    %dma_start3A_90 = tpu.memref_slice %arg7[%dma_start3A_88, %dma_start3A_89] : memref<80x64xi32, #tpu.memory_space<vmem>> -> memref<1x64xi32, #tpu.memory_space<vmem>>
    %dma_start3A_91 = tpu.memref_squeeze %dma_start3A_90 : memref<1x64xi32, #tpu.memory_space<vmem>> -> memref<64xi32, #tpu.memory_space<vmem>>
    %dma_start3A_92 = arith.constant 0 : i32
    %dma_start3A_93 = arith.constant 0 : i32
    %dma_start3A_94 = tpu.memref_slice %arg8[%dma_start3A_92, %dma_start3A_93] : memref<10240x128xf32, #tpu.memory_space<vmem_shared>> -> memref<10240x128xf32, #tpu.memory_space<vmem_shared>>
    tpu.enqueue_indirect_dma source(%arg11 : memref<64x128xf32, #tpu.memory_space<vmem>>) target(%dma_start3A_94 : memref<10240x128xf32, #tpu.memory_space<vmem_shared>>) offsets(%dma_start3A_91 : memref<64xi32, #tpu.memory_space<vmem>>) semaphore(%arg19 : memref<!tpu.dma_semaphore, #tpu.memory_space<semaphore_mem>>) {add = true}
    %dma_wait3A_95 = arith.constant 0 : i32
    %dma_wait3A_96 = tpu.memref_slice %arg6[%dma_wait3A_95] : memref<5120xi32, #tpu.memory_space<vmem>> -> memref<64xi32, #tpu.memory_space<vmem>>
    %dma_wait3A_97 = arith.constant 0 : i32
    %dma_wait3A_98 = arith.constant 0 : i32
    %dma_wait3A_99 = tpu.memref_slice %arg2[%dma_wait3A_97, %dma_wait3A_98] : memref<10000x128xf32, #tpu.memory_space<hbm>> -> memref<10000x128xf32, #tpu.memory_space<hbm>>
    tpu.wait_indirect_dma semaphore(%arg16 : memref<!tpu.dma_semaphore, #tpu.memory_space<semaphore_mem>>) src(%dma_wait3A_99 : memref<10000x128xf32, #tpu.memory_space<hbm>>) dst(%arg12 : memref<64x128xf32, #tpu.memory_space<vmem>>)
    %dma_start3A_100 = arith.constant 79 : i32
    %dma_start3A_101 = arith.constant 0 : i32
    %dma_start3A_102 = tpu.memref_slice %arg7[%dma_start3A_100, %dma_start3A_101] : memref<80x64xi32, #tpu.memory_space<vmem>> -> memref<1x64xi32, #tpu.memory_space<vmem>>
    %dma_start3A_103 = tpu.memref_squeeze %dma_start3A_102 : memref<1x64xi32, #tpu.memory_space<vmem>> -> memref<64xi32, #tpu.memory_space<vmem>>
    %dma_start3A_104 = arith.constant 0 : i32
    %dma_start3A_105 = arith.constant 0 : i32
    %dma_start3A_106 = tpu.memref_slice %arg8[%dma_start3A_104, %dma_start3A_105] : memref<10240x128xf32, #tpu.memory_space<vmem_shared>> -> memref<10240x128xf32, #tpu.memory_space<vmem_shared>>
    tpu.enqueue_indirect_dma source(%arg12 : memref<64x128xf32, #tpu.memory_space<vmem>>) target(%dma_start3A_106 : memref<10240x128xf32, #tpu.memory_space<vmem_shared>>) offsets(%dma_start3A_103 : memref<64xi32, #tpu.memory_space<vmem>>) semaphore(%arg20 : memref<!tpu.dma_semaphore, #tpu.memory_space<semaphore_mem>>) {add = true}
    %dma_wait3A_107 = arith.constant 0 : i32
    %dma_wait3A_108 = arith.constant 0 : i32
    %dma_wait3A_109 = tpu.memref_slice %arg7[%dma_wait3A_107, %dma_wait3A_108] : memref<80x64xi32, #tpu.memory_space<vmem>> -> memref<1x64xi32, #tpu.memory_space<vmem>>
    %dma_wait3A_110 = tpu.memref_squeeze %dma_wait3A_109 : memref<1x64xi32, #tpu.memory_space<vmem>> -> memref<64xi32, #tpu.memory_space<vmem>>
    %dma_wait3A_111 = arith.constant 0 : i32
    %dma_wait3A_112 = arith.constant 0 : i32
    %dma_wait3A_113 = tpu.memref_slice %arg8[%dma_wait3A_111, %dma_wait3A_112] : memref<10240x128xf32, #tpu.memory_space<vmem_shared>> -> memref<10240x128xf32, #tpu.memory_space<vmem_shared>>
    tpu.wait_indirect_dma semaphore(%arg17 : memref<!tpu.dma_semaphore, #tpu.memory_space<semaphore_mem>>) src(%arg9 : memref<64x128xf32, #tpu.memory_space<vmem>>) dst(%dma_wait3A_113 : memref<10240x128xf32, #tpu.memory_space<vmem_shared>>)
    %dma_wait3A_114 = arith.constant 0 : i32
    %dma_wait3A_115 = arith.constant 0 : i32
    %dma_wait3A_116 = tpu.memref_slice %arg7[%dma_wait3A_114, %dma_wait3A_115] : memref<80x64xi32, #tpu.memory_space<vmem>> -> memref<1x64xi32, #tpu.memory_space<vmem>>
    %dma_wait3A_117 = tpu.memref_squeeze %dma_wait3A_116 : memref<1x64xi32, #tpu.memory_space<vmem>> -> memref<64xi32, #tpu.memory_space<vmem>>
    %dma_wait3A_118 = arith.constant 0 : i32
    %dma_wait3A_119 = arith.constant 0 : i32
    %dma_wait3A_120 = tpu.memref_slice %arg8[%dma_wait3A_118, %dma_wait3A_119] : memref<10240x128xf32, #tpu.memory_space<vmem_shared>> -> memref<10240x128xf32, #tpu.memory_space<vmem_shared>>
    tpu.wait_indirect_dma semaphore(%arg18 : memref<!tpu.dma_semaphore, #tpu.memory_space<semaphore_mem>>) src(%arg10 : memref<64x128xf32, #tpu.memory_space<vmem>>) dst(%dma_wait3A_120 : memref<10240x128xf32, #tpu.memory_space<vmem_shared>>)
    %dma_wait3A_121 = arith.constant 0 : i32
    %dma_wait3A_122 = arith.constant 0 : i32
    %dma_wait3A_123 = tpu.memref_slice %arg7[%dma_wait3A_121, %dma_wait3A_122] : memref<80x64xi32, #tpu.memory_space<vmem>> -> memref<1x64xi32, #tpu.memory_space<vmem>>
    %dma_wait3A_124 = tpu.memref_squeeze %dma_wait3A_123 : memref<1x64xi32, #tpu.memory_space<vmem>> -> memref<64xi32, #tpu.memory_space<vmem>>
    %dma_wait3A_125 = arith.constant 0 : i32
    %dma_wait3A_126 = arith.constant 0 : i32
    %dma_wait3A_127 = tpu.memref_slice %arg8[%dma_wait3A_125, %dma_wait3A_126] : memref<10240x128xf32, #tpu.memory_space<vmem_shared>> -> memref<10240x128xf32, #tpu.memory_space<vmem_shared>>
    tpu.wait_indirect_dma semaphore(%arg19 : memref<!tpu.dma_semaphore, #tpu.memory_space<semaphore_mem>>) src(%arg11 : memref<64x128xf32, #tpu.memory_space<vmem>>) dst(%dma_wait3A_127 : memref<10240x128xf32, #tpu.memory_space<vmem_shared>>)
    %dma_wait3A_128 = arith.constant 0 : i32
    %dma_wait3A_129 = arith.constant 0 : i32
    %dma_wait3A_130 = tpu.memref_slice %arg7[%dma_wait3A_128, %dma_wait3A_129] : memref<80x64xi32, #tpu.memory_space<vmem>> -> memref<1x64xi32, #tpu.memory_space<vmem>>
    %dma_wait3A_131 = tpu.memref_squeeze %dma_wait3A_130 : memref<1x64xi32, #tpu.memory_space<vmem>> -> memref<64xi32, #tpu.memory_space<vmem>>
    %dma_wait3A_132 = arith.constant 0 : i32
    %dma_wait3A_133 = arith.constant 0 : i32
    %dma_wait3A_134 = tpu.memref_slice %arg8[%dma_wait3A_132, %dma_wait3A_133] : memref<10240x128xf32, #tpu.memory_space<vmem_shared>> -> memref<10240x128xf32, #tpu.memory_space<vmem_shared>>
    tpu.wait_indirect_dma semaphore(%arg20 : memref<!tpu.dma_semaphore, #tpu.memory_space<semaphore_mem>>) src(%arg12 : memref<64x128xf32, #tpu.memory_space<vmem>>) dst(%dma_wait3A_134 : memref<10240x128xf32, #tpu.memory_space<vmem_shared>>)
    %mul3A_135 = arith.constant 10240 : i32
    %mul3A_136 = arith.muli %add3A, %mul3A_135 : i32
    %add3A_137 = arith.constant 5120 : i32
    %add3A_138 = arith.addi %mul3A_136, %add3A_137 : i32
    "tpu.region"() ({
      %run_scoped3A = tpu.sem_alloc : memref<!tpu.dma_semaphore, #tpu.memory_space<semaphore_mem>>
      %dma_start3A_246 = tpu.memref_slice %arg3[%add3A_138] : memref<327680xi32, #tpu.memory_space<hbm>> -> memref<5120xi32, #tpu.memory_space<hbm>>
      %dma_start3A_247 = tpu.memref_slice %arg3[%add3A_138] : memref<327680xi32, #tpu.memory_space<hbm>> -> memref<5120xi32, #tpu.memory_space<hbm>>
      tpu.enqueue_dma source(%dma_start3A_247 : memref<5120xi32, #tpu.memory_space<hbm>>) target(%arg6 : memref<5120xi32, #tpu.memory_space<vmem>>) target_semaphore(%run_scoped3A : memref<!tpu.dma_semaphore, #tpu.memory_space<semaphore_mem>>)
      %dma_wait3A_248 = tpu.memref_slice %arg3[%add3A_138] : memref<327680xi32, #tpu.memory_space<hbm>> -> memref<5120xi32, #tpu.memory_space<hbm>>
      %dma_wait3A_249 = tpu.memref_slice %arg3[%add3A_138] : memref<327680xi32, #tpu.memory_space<hbm>> -> memref<5120xi32, #tpu.memory_space<hbm>>
      tpu.wait_dma2 semaphore(%run_scoped3A : memref<!tpu.dma_semaphore, #tpu.memory_space<semaphore_mem>>) src(%dma_wait3A_249 : memref<5120xi32, #tpu.memory_space<hbm>>) dst(%arg6 : memref<5120xi32, #tpu.memory_space<vmem>>)
      tpu.yield
    }) : () -> ()
    "tpu.region"() ({
      %run_scoped3A = tpu.sem_alloc : memref<!tpu.dma_semaphore, #tpu.memory_space<semaphore_mem>>
      %dma_start3A_246 = arith.constant 80 : i32
      %dma_start3A_247 = arith.constant 0 : i32
      %dma_start3A_248 = tpu.memref_slice %arg4[%add3A, %dma_start3A_246, %dma_start3A_247] : memref<32x160x64xi32, #tpu.memory_space<hbm>> -> memref<1x80x64xi32, #tpu.memory_space<hbm>>
      %dma_start3A_249 = tpu.memref_squeeze %dma_start3A_248 : memref<1x80x64xi32, #tpu.memory_space<hbm>> -> memref<80x64xi32, #tpu.memory_space<hbm>>
      %dma_start3A_250 = arith.constant 80 : i32
      %dma_start3A_251 = arith.constant 0 : i32
      %dma_start3A_252 = tpu.memref_slice %arg4[%add3A, %dma_start3A_250, %dma_start3A_251] : memref<32x160x64xi32, #tpu.memory_space<hbm>> -> memref<1x80x64xi32, #tpu.memory_space<hbm>>
      %dma_start3A_253 = tpu.memref_squeeze %dma_start3A_252 : memref<1x80x64xi32, #tpu.memory_space<hbm>> -> memref<80x64xi32, #tpu.memory_space<hbm>>
      tpu.enqueue_dma source(%dma_start3A_253 : memref<80x64xi32, #tpu.memory_space<hbm>>) target(%arg7 : memref<80x64xi32, #tpu.memory_space<vmem>>) target_semaphore(%run_scoped3A : memref<!tpu.dma_semaphore, #tpu.memory_space<semaphore_mem>>)
      %dma_wait3A_254 = arith.constant 80 : i32
      %dma_wait3A_255 = arith.constant 0 : i32
      %dma_wait3A_256 = tpu.memref_slice %arg4[%add3A, %dma_wait3A_254, %dma_wait3A_255] : memref<32x160x64xi32, #tpu.memory_space<hbm>> -> memref<1x80x64xi32, #tpu.memory_space<hbm>>
      %dma_wait3A_257 = tpu.memref_squeeze %dma_wait3A_256 : memref<1x80x64xi32, #tpu.memory_space<hbm>> -> memref<80x64xi32, #tpu.memory_space<hbm>>
      %dma_wait3A_258 = arith.constant 80 : i32
      %dma_wait3A_259 = arith.constant 0 : i32
      %dma_wait3A_260 = tpu.memref_slice %arg4[%add3A, %dma_wait3A_258, %dma_wait3A_259] : memref<32x160x64xi32, #tpu.memory_space<hbm>> -> memref<1x80x64xi32, #tpu.memory_space<hbm>>
      %dma_wait3A_261 = tpu.memref_squeeze %dma_wait3A_260 : memref<1x80x64xi32, #tpu.memory_space<hbm>> -> memref<80x64xi32, #tpu.memory_space<hbm>>
      tpu.wait_dma2 semaphore(%run_scoped3A : memref<!tpu.dma_semaphore, #tpu.memory_space<semaphore_mem>>) src(%dma_wait3A_261 : memref<80x64xi32, #tpu.memory_space<hbm>>) dst(%arg7 : memref<80x64xi32, #tpu.memory_space<vmem>>)
      tpu.yield
    }) : () -> ()
    %dma_start3A_139 = arith.constant 0 : i32
    %dma_start3A_140 = tpu.memref_slice %arg6[%dma_start3A_139] : memref<5120xi32, #tpu.memory_space<vmem>> -> memref<64xi32, #tpu.memory_space<vmem>>
    %dma_start3A_141 = arith.constant 0 : i32
    %dma_start3A_142 = arith.constant 0 : i32
    %dma_start3A_143 = tpu.memref_slice %arg2[%dma_start3A_141, %dma_start3A_142] : memref<10000x128xf32, #tpu.memory_space<hbm>> -> memref<10000x128xf32, #tpu.memory_space<hbm>>
    tpu.enqueue_indirect_dma source(%dma_start3A_143 : memref<10000x128xf32, #tpu.memory_space<hbm>>) target(%arg9 : memref<64x128xf32, #tpu.memory_space<vmem>>) offsets(%dma_start3A_140 : memref<64xi32, #tpu.memory_space<vmem>>) semaphore(%arg13 : memref<!tpu.dma_semaphore, #tpu.memory_space<semaphore_mem>>)
    %dma_start3A_144 = arith.constant 64 : i32
    %dma_start3A_145 = tpu.memref_slice %arg6[%dma_start3A_144] : memref<5120xi32, #tpu.memory_space<vmem>> -> memref<64xi32, #tpu.memory_space<vmem>>
    %dma_start3A_146 = arith.constant 0 : i32
    %dma_start3A_147 = arith.constant 0 : i32
    %dma_start3A_148 = tpu.memref_slice %arg2[%dma_start3A_146, %dma_start3A_147] : memref<10000x128xf32, #tpu.memory_space<hbm>> -> memref<10000x128xf32, #tpu.memory_space<hbm>>
    tpu.enqueue_indirect_dma source(%dma_start3A_148 : memref<10000x128xf32, #tpu.memory_space<hbm>>) target(%arg10 : memref<64x128xf32, #tpu.memory_space<vmem>>) offsets(%dma_start3A_145 : memref<64xi32, #tpu.memory_space<vmem>>) semaphore(%arg14 : memref<!tpu.dma_semaphore, #tpu.memory_space<semaphore_mem>>)
    %dma_start3A_149 = arith.constant 128 : i32
    %dma_start3A_150 = tpu.memref_slice %arg6[%dma_start3A_149] : memref<5120xi32, #tpu.memory_space<vmem>> -> memref<64xi32, #tpu.memory_space<vmem>>
    %dma_start3A_151 = arith.constant 0 : i32
    %dma_start3A_152 = arith.constant 0 : i32
    %dma_start3A_153 = tpu.memref_slice %arg2[%dma_start3A_151, %dma_start3A_152] : memref<10000x128xf32, #tpu.memory_space<hbm>> -> memref<10000x128xf32, #tpu.memory_space<hbm>>
    tpu.enqueue_indirect_dma source(%dma_start3A_153 : memref<10000x128xf32, #tpu.memory_space<hbm>>) target(%arg11 : memref<64x128xf32, #tpu.memory_space<vmem>>) offsets(%dma_start3A_150 : memref<64xi32, #tpu.memory_space<vmem>>) semaphore(%arg15 : memref<!tpu.dma_semaphore, #tpu.memory_space<semaphore_mem>>)
    %dma_start3A_154 = arith.constant 192 : i32
    %dma_start3A_155 = tpu.memref_slice %arg6[%dma_start3A_154] : memref<5120xi32, #tpu.memory_space<vmem>> -> memref<64xi32, #tpu.memory_space<vmem>>
    %dma_start3A_156 = arith.constant 0 : i32
    %dma_start3A_157 = arith.constant 0 : i32
    %dma_start3A_158 = tpu.memref_slice %arg2[%dma_start3A_156, %dma_start3A_157] : memref<10000x128xf32, #tpu.memory_space<hbm>> -> memref<10000x128xf32, #tpu.memory_space<hbm>>
    tpu.enqueue_indirect_dma source(%dma_start3A_158 : memref<10000x128xf32, #tpu.memory_space<hbm>>) target(%arg12 : memref<64x128xf32, #tpu.memory_space<vmem>>) offsets(%dma_start3A_155 : memref<64xi32, #tpu.memory_space<vmem>>) semaphore(%arg16 : memref<!tpu.dma_semaphore, #tpu.memory_space<semaphore_mem>>)
    %scan3A_159 = arith.constant 0 : i32
    %scan3A_160 = arith.constant 1 : i32
    %scan3A_161 = arith.constant 19 : i32
    %scan3A_162 = arith.addi %scan3A_160, %scan3A_161 : i32
    %scan3A_163 = arith.constant 1 : i32
    scf.for %scan3A_246 = %scan3A_160 to %scan3A_162 step %scan3A_163  : i32 {
      %dma_wait3A_247 = arith.constant 0 : i32
      %dma_wait3A_248 = tpu.memref_slice %arg6[%dma_wait3A_247] : memref<5120xi32, #tpu.memory_space<vmem>> -> memref<64xi32, #tpu.memory_space<vmem>>
      %dma_wait3A_249 = arith.constant 0 : i32
      %dma_wait3A_250 = arith.constant 0 : i32
      %dma_wait3A_251 = tpu.memref_slice %arg2[%dma_wait3A_249, %dma_wait3A_250] : memref<10000x128xf32, #tpu.memory_space<hbm>> -> memref<10000x128xf32, #tpu.memory_space<hbm>>
      tpu.wait_indirect_dma semaphore(%arg13 : memref<!tpu.dma_semaphore, #tpu.memory_space<semaphore_mem>>) src(%dma_wait3A_251 : memref<10000x128xf32, #tpu.memory_space<hbm>>) dst(%arg9 : memref<64x128xf32, #tpu.memory_space<vmem>>)
      %sub3A = arith.constant 1 : i32
      %sub3A_252 = arith.subi %scan3A_246, %sub3A : i32
      %mul3A_253 = arith.constant 4 : i32
      %mul3A_254 = arith.muli %sub3A_252, %mul3A_253 : i32
      %add3A_255 = arith.constant 0 : i32
      %add3A_256 = arith.addi %mul3A_254, %add3A_255 : i32
      %dma_start3A_257 = arith.constant 0 : i32
      %dma_start3A_258 = tpu.memref_slice %arg7[%add3A_256, %dma_start3A_257] : memref<80x64xi32, #tpu.memory_space<vmem>> -> memref<1x64xi32, #tpu.memory_space<vmem>>
      %dma_start3A_259 = tpu.memref_squeeze %dma_start3A_258 : memref<1x64xi32, #tpu.memory_space<vmem>> -> memref<64xi32, #tpu.memory_space<vmem>>
      %dma_start3A_260 = arith.constant 0 : i32
      %dma_start3A_261 = arith.constant 0 : i32
      %dma_start3A_262 = tpu.memref_slice %arg8[%dma_start3A_260, %dma_start3A_261] : memref<10240x128xf32, #tpu.memory_space<vmem_shared>> -> memref<10240x128xf32, #tpu.memory_space<vmem_shared>>
      tpu.enqueue_indirect_dma source(%arg9 : memref<64x128xf32, #tpu.memory_space<vmem>>) target(%dma_start3A_262 : memref<10240x128xf32, #tpu.memory_space<vmem_shared>>) offsets(%dma_start3A_259 : memref<64xi32, #tpu.memory_space<vmem>>) semaphore(%arg17 : memref<!tpu.dma_semaphore, #tpu.memory_space<semaphore_mem>>) {add = true}
      %dma_wait3A_263 = arith.constant 0 : i32
      %dma_wait3A_264 = tpu.memref_slice %arg6[%dma_wait3A_263] : memref<5120xi32, #tpu.memory_space<vmem>> -> memref<64xi32, #tpu.memory_space<vmem>>
      %dma_wait3A_265 = arith.constant 0 : i32
      %dma_wait3A_266 = arith.constant 0 : i32
      %dma_wait3A_267 = tpu.memref_slice %arg2[%dma_wait3A_265, %dma_wait3A_266] : memref<10000x128xf32, #tpu.memory_space<hbm>> -> memref<10000x128xf32, #tpu.memory_space<hbm>>
      tpu.wait_indirect_dma semaphore(%arg14 : memref<!tpu.dma_semaphore, #tpu.memory_space<semaphore_mem>>) src(%dma_wait3A_267 : memref<10000x128xf32, #tpu.memory_space<hbm>>) dst(%arg10 : memref<64x128xf32, #tpu.memory_space<vmem>>)
      %sub3A_268 = arith.constant 1 : i32
      %sub3A_269 = arith.subi %scan3A_246, %sub3A_268 : i32
      %mul3A_270 = arith.constant 4 : i32
      %mul3A_271 = arith.muli %sub3A_269, %mul3A_270 : i32
      %add3A_272 = arith.constant 1 : i32
      %add3A_273 = arith.addi %mul3A_271, %add3A_272 : i32
      %dma_start3A_274 = arith.constant 0 : i32
      %dma_start3A_275 = tpu.memref_slice %arg7[%add3A_273, %dma_start3A_274] : memref<80x64xi32, #tpu.memory_space<vmem>> -> memref<1x64xi32, #tpu.memory_space<vmem>>
      %dma_start3A_276 = tpu.memref_squeeze %dma_start3A_275 : memref<1x64xi32, #tpu.memory_space<vmem>> -> memref<64xi32, #tpu.memory_space<vmem>>
      %dma_start3A_277 = arith.constant 0 : i32
      %dma_start3A_278 = arith.constant 0 : i32
      %dma_start3A_279 = tpu.memref_slice %arg8[%dma_start3A_277, %dma_start3A_278] : memref<10240x128xf32, #tpu.memory_space<vmem_shared>> -> memref<10240x128xf32, #tpu.memory_space<vmem_shared>>
      tpu.enqueue_indirect_dma source(%arg10 : memref<64x128xf32, #tpu.memory_space<vmem>>) target(%dma_start3A_279 : memref<10240x128xf32, #tpu.memory_space<vmem_shared>>) offsets(%dma_start3A_276 : memref<64xi32, #tpu.memory_space<vmem>>) semaphore(%arg18 : memref<!tpu.dma_semaphore, #tpu.memory_space<semaphore_mem>>) {add = true}
      %dma_wait3A_280 = arith.constant 0 : i32
      %dma_wait3A_281 = tpu.memref_slice %arg6[%dma_wait3A_280] : memref<5120xi32, #tpu.memory_space<vmem>> -> memref<64xi32, #tpu.memory_space<vmem>>
      %dma_wait3A_282 = arith.constant 0 : i32
      %dma_wait3A_283 = arith.constant 0 : i32
      %dma_wait3A_284 = tpu.memref_slice %arg2[%dma_wait3A_282, %dma_wait3A_283] : memref<10000x128xf32, #tpu.memory_space<hbm>> -> memref<10000x128xf32, #tpu.memory_space<hbm>>
      tpu.wait_indirect_dma semaphore(%arg15 : memref<!tpu.dma_semaphore, #tpu.memory_space<semaphore_mem>>) src(%dma_wait3A_284 : memref<10000x128xf32, #tpu.memory_space<hbm>>) dst(%arg11 : memref<64x128xf32, #tpu.memory_space<vmem>>)
      %sub3A_285 = arith.constant 1 : i32
      %sub3A_286 = arith.subi %scan3A_246, %sub3A_285 : i32
      %mul3A_287 = arith.constant 4 : i32
      %mul3A_288 = arith.muli %sub3A_286, %mul3A_287 : i32
      %add3A_289 = arith.constant 2 : i32
      %add3A_290 = arith.addi %mul3A_288, %add3A_289 : i32
      %dma_start3A_291 = arith.constant 0 : i32
      %dma_start3A_292 = tpu.memref_slice %arg7[%add3A_290, %dma_start3A_291] : memref<80x64xi32, #tpu.memory_space<vmem>> -> memref<1x64xi32, #tpu.memory_space<vmem>>
      %dma_start3A_293 = tpu.memref_squeeze %dma_start3A_292 : memref<1x64xi32, #tpu.memory_space<vmem>> -> memref<64xi32, #tpu.memory_space<vmem>>
      %dma_start3A_294 = arith.constant 0 : i32
      %dma_start3A_295 = arith.constant 0 : i32
      %dma_start3A_296 = tpu.memref_slice %arg8[%dma_start3A_294, %dma_start3A_295] : memref<10240x128xf32, #tpu.memory_space<vmem_shared>> -> memref<10240x128xf32, #tpu.memory_space<vmem_shared>>
      tpu.enqueue_indirect_dma source(%arg11 : memref<64x128xf32, #tpu.memory_space<vmem>>) target(%dma_start3A_296 : memref<10240x128xf32, #tpu.memory_space<vmem_shared>>) offsets(%dma_start3A_293 : memref<64xi32, #tpu.memory_space<vmem>>) semaphore(%arg19 : memref<!tpu.dma_semaphore, #tpu.memory_space<semaphore_mem>>) {add = true}
      %dma_wait3A_297 = arith.constant 0 : i32
      %dma_wait3A_298 = tpu.memref_slice %arg6[%dma_wait3A_297] : memref<5120xi32, #tpu.memory_space<vmem>> -> memref<64xi32, #tpu.memory_space<vmem>>
      %dma_wait3A_299 = arith.constant 0 : i32
      %dma_wait3A_300 = arith.constant 0 : i32
      %dma_wait3A_301 = tpu.memref_slice %arg2[%dma_wait3A_299, %dma_wait3A_300] : memref<10000x128xf32, #tpu.memory_space<hbm>> -> memref<10000x128xf32, #tpu.memory_space<hbm>>
      tpu.wait_indirect_dma semaphore(%arg16 : memref<!tpu.dma_semaphore, #tpu.memory_space<semaphore_mem>>) src(%dma_wait3A_301 : memref<10000x128xf32, #tpu.memory_space<hbm>>) dst(%arg12 : memref<64x128xf32, #tpu.memory_space<vmem>>)
      %sub3A_302 = arith.constant 1 : i32
      %sub3A_303 = arith.subi %scan3A_246, %sub3A_302 : i32
      %mul3A_304 = arith.constant 4 : i32
      %mul3A_305 = arith.muli %sub3A_303, %mul3A_304 : i32
      %add3A_306 = arith.constant 3 : i32
      %add3A_307 = arith.addi %mul3A_305, %add3A_306 : i32
      %dma_start3A_308 = arith.constant 0 : i32
      %dma_start3A_309 = tpu.memref_slice %arg7[%add3A_307, %dma_start3A_308] : memref<80x64xi32, #tpu.memory_space<vmem>> -> memref<1x64xi32, #tpu.memory_space<vmem>>
      %dma_start3A_310 = tpu.memref_squeeze %dma_start3A_309 : memref<1x64xi32, #tpu.memory_space<vmem>> -> memref<64xi32, #tpu.memory_space<vmem>>
      %dma_start3A_311 = arith.constant 0 : i32
      %dma_start3A_312 = arith.constant 0 : i32
      %dma_start3A_313 = tpu.memref_slice %arg8[%dma_start3A_311, %dma_start3A_312] : memref<10240x128xf32, #tpu.memory_space<vmem_shared>> -> memref<10240x128xf32, #tpu.memory_space<vmem_shared>>
      tpu.enqueue_indirect_dma source(%arg12 : memref<64x128xf32, #tpu.memory_space<vmem>>) target(%dma_start3A_313 : memref<10240x128xf32, #tpu.memory_space<vmem_shared>>) offsets(%dma_start3A_310 : memref<64xi32, #tpu.memory_space<vmem>>) semaphore(%arg20 : memref<!tpu.dma_semaphore, #tpu.memory_space<semaphore_mem>>) {add = true}
      %dma_wait3A_314 = arith.constant 0 : i32
      %dma_wait3A_315 = arith.constant 0 : i32
      %dma_wait3A_316 = tpu.memref_slice %arg7[%dma_wait3A_314, %dma_wait3A_315] : memref<80x64xi32, #tpu.memory_space<vmem>> -> memref<1x64xi32, #tpu.memory_space<vmem>>
      %dma_wait3A_317 = tpu.memref_squeeze %dma_wait3A_316 : memref<1x64xi32, #tpu.memory_space<vmem>> -> memref<64xi32, #tpu.memory_space<vmem>>
      %dma_wait3A_318 = arith.constant 0 : i32
      %dma_wait3A_319 = arith.constant 0 : i32
      %dma_wait3A_320 = tpu.memref_slice %arg8[%dma_wait3A_318, %dma_wait3A_319] : memref<10240x128xf32, #tpu.memory_space<vmem_shared>> -> memref<10240x128xf32, #tpu.memory_space<vmem_shared>>
      tpu.wait_indirect_dma semaphore(%arg17 : memref<!tpu.dma_semaphore, #tpu.memory_space<semaphore_mem>>) src(%arg9 : memref<64x128xf32, #tpu.memory_space<vmem>>) dst(%dma_wait3A_320 : memref<10240x128xf32, #tpu.memory_space<vmem_shared>>)
      %mul3A_321 = arith.constant 4 : i32
      %mul3A_322 = arith.muli %scan3A_246, %mul3A_321 : i32
      %add3A_323 = arith.constant 0 : i32
      %add3A_324 = arith.addi %mul3A_322, %add3A_323 : i32
      %mul3A_325 = arith.constant 64 : i32
      %mul3A_326 = arith.muli %add3A_324, %mul3A_325 : i32
      %dma_start3A_327 = tpu.memref_slice %arg6[%mul3A_326] : memref<5120xi32, #tpu.memory_space<vmem>> -> memref<64xi32, #tpu.memory_space<vmem>>
      %dma_start3A_328 = arith.constant 0 : i32
      %dma_start3A_329 = arith.constant 0 : i32
      %dma_start3A_330 = tpu.memref_slice %arg2[%dma_start3A_328, %dma_start3A_329] : memref<10000x128xf32, #tpu.memory_space<hbm>> -> memref<10000x128xf32, #tpu.memory_space<hbm>>
      tpu.enqueue_indirect_dma source(%dma_start3A_330 : memref<10000x128xf32, #tpu.memory_space<hbm>>) target(%arg9 : memref<64x128xf32, #tpu.memory_space<vmem>>) offsets(%dma_start3A_327 : memref<64xi32, #tpu.memory_space<vmem>>) semaphore(%arg13 : memref<!tpu.dma_semaphore, #tpu.memory_space<semaphore_mem>>)
      %dma_wait3A_331 = arith.constant 0 : i32
      %dma_wait3A_332 = arith.constant 0 : i32
      %dma_wait3A_333 = tpu.memref_slice %arg7[%dma_wait3A_331, %dma_wait3A_332] : memref<80x64xi32, #tpu.memory_space<vmem>> -> memref<1x64xi32, #tpu.memory_space<vmem>>
      %dma_wait3A_334 = tpu.memref_squeeze %dma_wait3A_333 : memref<1x64xi32, #tpu.memory_space<vmem>> -> memref<64xi32, #tpu.memory_space<vmem>>
      %dma_wait3A_335 = arith.constant 0 : i32
      %dma_wait3A_336 = arith.constant 0 : i32
      %dma_wait3A_337 = tpu.memref_slice %arg8[%dma_wait3A_335, %dma_wait3A_336] : memref<10240x128xf32, #tpu.memory_space<vmem_shared>> -> memref<10240x128xf32, #tpu.memory_space<vmem_shared>>
      tpu.wait_indirect_dma semaphore(%arg18 : memref<!tpu.dma_semaphore, #tpu.memory_space<semaphore_mem>>) src(%arg10 : memref<64x128xf32, #tpu.memory_space<vmem>>) dst(%dma_wait3A_337 : memref<10240x128xf32, #tpu.memory_space<vmem_shared>>)
      %mul3A_338 = arith.constant 4 : i32
      %mul3A_339 = arith.muli %scan3A_246, %mul3A_338 : i32
      %add3A_340 = arith.constant 1 : i32
      %add3A_341 = arith.addi %mul3A_339, %add3A_340 : i32
      %mul3A_342 = arith.constant 64 : i32
      %mul3A_343 = arith.muli %add3A_341, %mul3A_342 : i32
      %dma_start3A_344 = tpu.memref_slice %arg6[%mul3A_343] : memref<5120xi32, #tpu.memory_space<vmem>> -> memref<64xi32, #tpu.memory_space<vmem>>
      %dma_start3A_345 = arith.constant 0 : i32
      %dma_start3A_346 = arith.constant 0 : i32
      %dma_start3A_347 = tpu.memref_slice %arg2[%dma_start3A_345, %dma_start3A_346] : memref<10000x128xf32, #tpu.memory_space<hbm>> -> memref<10000x128xf32, #tpu.memory_space<hbm>>
      tpu.enqueue_indirect_dma source(%dma_start3A_347 : memref<10000x128xf32, #tpu.memory_space<hbm>>) target(%arg10 : memref<64x128xf32, #tpu.memory_space<vmem>>) offsets(%dma_start3A_344 : memref<64xi32, #tpu.memory_space<vmem>>) semaphore(%arg14 : memref<!tpu.dma_semaphore, #tpu.memory_space<semaphore_mem>>)
      %dma_wait3A_348 = arith.constant 0 : i32
      %dma_wait3A_349 = arith.constant 0 : i32
      %dma_wait3A_350 = tpu.memref_slice %arg7[%dma_wait3A_348, %dma_wait3A_349] : memref<80x64xi32, #tpu.memory_space<vmem>> -> memref<1x64xi32, #tpu.memory_space<vmem>>
      %dma_wait3A_351 = tpu.memref_squeeze %dma_wait3A_350 : memref<1x64xi32, #tpu.memory_space<vmem>> -> memref<64xi32, #tpu.memory_space<vmem>>
      %dma_wait3A_352 = arith.constant 0 : i32
      %dma_wait3A_353 = arith.constant 0 : i32
      %dma_wait3A_354 = tpu.memref_slice %arg8[%dma_wait3A_352, %dma_wait3A_353] : memref<10240x128xf32, #tpu.memory_space<vmem_shared>> -> memref<10240x128xf32, #tpu.memory_space<vmem_shared>>
      tpu.wait_indirect_dma semaphore(%arg19 : memref<!tpu.dma_semaphore, #tpu.memory_space<semaphore_mem>>) src(%arg11 : memref<64x128xf32, #tpu.memory_space<vmem>>) dst(%dma_wait3A_354 : memref<10240x128xf32, #tpu.memory_space<vmem_shared>>)
      %mul3A_355 = arith.constant 4 : i32
      %mul3A_356 = arith.muli %scan3A_246, %mul3A_355 : i32
      %add3A_357 = arith.constant 2 : i32
      %add3A_358 = arith.addi %mul3A_356, %add3A_357 : i32
      %mul3A_359 = arith.constant 64 : i32
      %mul3A_360 = arith.muli %add3A_358, %mul3A_359 : i32
      %dma_start3A_361 = tpu.memref_slice %arg6[%mul3A_360] : memref<5120xi32, #tpu.memory_space<vmem>> -> memref<64xi32, #tpu.memory_space<vmem>>
      %dma_start3A_362 = arith.constant 0 : i32
      %dma_start3A_363 = arith.constant 0 : i32
      %dma_start3A_364 = tpu.memref_slice %arg2[%dma_start3A_362, %dma_start3A_363] : memref<10000x128xf32, #tpu.memory_space<hbm>> -> memref<10000x128xf32, #tpu.memory_space<hbm>>
      tpu.enqueue_indirect_dma source(%dma_start3A_364 : memref<10000x128xf32, #tpu.memory_space<hbm>>) target(%arg11 : memref<64x128xf32, #tpu.memory_space<vmem>>) offsets(%dma_start3A_361 : memref<64xi32, #tpu.memory_space<vmem>>) semaphore(%arg15 : memref<!tpu.dma_semaphore, #tpu.memory_space<semaphore_mem>>)
      %dma_wait3A_365 = arith.constant 0 : i32
      %dma_wait3A_366 = arith.constant 0 : i32
      %dma_wait3A_367 = tpu.memref_slice %arg7[%dma_wait3A_365, %dma_wait3A_366] : memref<80x64xi32, #tpu.memory_space<vmem>> -> memref<1x64xi32, #tpu.memory_space<vmem>>
      %dma_wait3A_368 = tpu.memref_squeeze %dma_wait3A_367 : memref<1x64xi32, #tpu.memory_space<vmem>> -> memref<64xi32, #tpu.memory_space<vmem>>
      %dma_wait3A_369 = arith.constant 0 : i32
      %dma_wait3A_370 = arith.constant 0 : i32
      %dma_wait3A_371 = tpu.memref_slice %arg8[%dma_wait3A_369, %dma_wait3A_370] : memref<10240x128xf32, #tpu.memory_space<vmem_shared>> -> memref<10240x128xf32, #tpu.memory_space<vmem_shared>>
      tpu.wait_indirect_dma semaphore(%arg20 : memref<!tpu.dma_semaphore, #tpu.memory_space<semaphore_mem>>) src(%arg12 : memref<64x128xf32, #tpu.memory_space<vmem>>) dst(%dma_wait3A_371 : memref<10240x128xf32, #tpu.memory_space<vmem_shared>>)
      %mul3A_372 = arith.constant 4 : i32
      %mul3A_373 = arith.muli %scan3A_246, %mul3A_372 : i32
      %add3A_374 = arith.constant 3 : i32
      %add3A_375 = arith.addi %mul3A_373, %add3A_374 : i32
      %mul3A_376 = arith.constant 64 : i32
      %mul3A_377 = arith.muli %add3A_375, %mul3A_376 : i32
      %dma_start3A_378 = tpu.memref_slice %arg6[%mul3A_377] : memref<5120xi32, #tpu.memory_space<vmem>> -> memref<64xi32, #tpu.memory_space<vmem>>
      %dma_start3A_379 = arith.constant 0 : i32
      %dma_start3A_380 = arith.constant 0 : i32
      %dma_start3A_381 = tpu.memref_slice %arg2[%dma_start3A_379, %dma_start3A_380] : memref<10000x128xf32, #tpu.memory_space<hbm>> -> memref<10000x128xf32, #tpu.memory_space<hbm>>
      tpu.enqueue_indirect_dma source(%dma_start3A_381 : memref<10000x128xf32, #tpu.memory_space<hbm>>) target(%arg12 : memref<64x128xf32, #tpu.memory_space<vmem>>) offsets(%dma_start3A_378 : memref<64xi32, #tpu.memory_space<vmem>>) semaphore(%arg16 : memref<!tpu.dma_semaphore, #tpu.memory_space<semaphore_mem>>)
    }
    %scan3A_164 = arith.constant 19 : i32
    %dma_wait3A_165 = arith.constant 0 : i32
    %dma_wait3A_166 = tpu.memref_slice %arg6[%dma_wait3A_165] : memref<5120xi32, #tpu.memory_space<vmem>> -> memref<64xi32, #tpu.memory_space<vmem>>
    %dma_wait3A_167 = arith.constant 0 : i32
    %dma_wait3A_168 = arith.constant 0 : i32
    %dma_wait3A_169 = tpu.memref_slice %arg2[%dma_wait3A_167, %dma_wait3A_168] : memref<10000x128xf32, #tpu.memory_space<hbm>> -> memref<10000x128xf32, #tpu.memory_space<hbm>>
    tpu.wait_indirect_dma semaphore(%arg13 : memref<!tpu.dma_semaphore, #tpu.memory_space<semaphore_mem>>) src(%dma_wait3A_169 : memref<10000x128xf32, #tpu.memory_space<hbm>>) dst(%arg9 : memref<64x128xf32, #tpu.memory_space<vmem>>)
    %dma_start3A_170 = arith.constant 76 : i32
    %dma_start3A_171 = arith.constant 0 : i32
    %dma_start3A_172 = tpu.memref_slice %arg7[%dma_start3A_170, %dma_start3A_171] : memref<80x64xi32, #tpu.memory_space<vmem>> -> memref<1x64xi32, #tpu.memory_space<vmem>>
    %dma_start3A_173 = tpu.memref_squeeze %dma_start3A_172 : memref<1x64xi32, #tpu.memory_space<vmem>> -> memref<64xi32, #tpu.memory_space<vmem>>
    %dma_start3A_174 = arith.constant 0 : i32
    %dma_start3A_175 = arith.constant 0 : i32
    %dma_start3A_176 = tpu.memref_slice %arg8[%dma_start3A_174, %dma_start3A_175] : memref<10240x128xf32, #tpu.memory_space<vmem_shared>> -> memref<10240x128xf32, #tpu.memory_space<vmem_shared>>
    tpu.enqueue_indirect_dma source(%arg9 : memref<64x128xf32, #tpu.memory_space<vmem>>) target(%dma_start3A_176 : memref<10240x128xf32, #tpu.memory_space<vmem_shared>>) offsets(%dma_start3A_173 : memref<64xi32, #tpu.memory_space<vmem>>) semaphore(%arg17 : memref<!tpu.dma_semaphore, #tpu.memory_space<semaphore_mem>>) {add = true}
    %dma_wait3A_177 = arith.constant 0 : i32
    %dma_wait3A_178 = tpu.memref_slice %arg6[%dma_wait3A_177] : memref<5120xi32, #tpu.memory_space<vmem>> -> memref<64xi32, #tpu.memory_space<vmem>>
    %dma_wait3A_179 = arith.constant 0 : i32
    %dma_wait3A_180 = arith.constant 0 : i32
    %dma_wait3A_181 = tpu.memref_slice %arg2[%dma_wait3A_179, %dma_wait3A_180] : memref<10000x128xf32, #tpu.memory_space<hbm>> -> memref<10000x128xf32, #tpu.memory_space<hbm>>
    tpu.wait_indirect_dma semaphore(%arg14 : memref<!tpu.dma_semaphore, #tpu.memory_space<semaphore_mem>>) src(%dma_wait3A_181 : memref<10000x128xf32, #tpu.memory_space<hbm>>) dst(%arg10 : memref<64x128xf32, #tpu.memory_space<vmem>>)
    %dma_start3A_182 = arith.constant 77 : i32
    %dma_start3A_183 = arith.constant 0 : i32
    %dma_start3A_184 = tpu.memref_slice %arg7[%dma_start3A_182, %dma_start3A_183] : memref<80x64xi32, #tpu.memory_space<vmem>> -> memref<1x64xi32, #tpu.memory_space<vmem>>
    %dma_start3A_185 = tpu.memref_squeeze %dma_start3A_184 : memref<1x64xi32, #tpu.memory_space<vmem>> -> memref<64xi32, #tpu.memory_space<vmem>>
    %dma_start3A_186 = arith.constant 0 : i32
    %dma_start3A_187 = arith.constant 0 : i32
    %dma_start3A_188 = tpu.memref_slice %arg8[%dma_start3A_186, %dma_start3A_187] : memref<10240x128xf32, #tpu.memory_space<vmem_shared>> -> memref<10240x128xf32, #tpu.memory_space<vmem_shared>>
    tpu.enqueue_indirect_dma source(%arg10 : memref<64x128xf32, #tpu.memory_space<vmem>>) target(%dma_start3A_188 : memref<10240x128xf32, #tpu.memory_space<vmem_shared>>) offsets(%dma_start3A_185 : memref<64xi32, #tpu.memory_space<vmem>>) semaphore(%arg18 : memref<!tpu.dma_semaphore, #tpu.memory_space<semaphore_mem>>) {add = true}
    %dma_wait3A_189 = arith.constant 0 : i32
    %dma_wait3A_190 = tpu.memref_slice %arg6[%dma_wait3A_189] : memref<5120xi32, #tpu.memory_space<vmem>> -> memref<64xi32, #tpu.memory_space<vmem>>
    %dma_wait3A_191 = arith.constant 0 : i32
    %dma_wait3A_192 = arith.constant 0 : i32
    %dma_wait3A_193 = tpu.memref_slice %arg2[%dma_wait3A_191, %dma_wait3A_192] : memref<10000x128xf32, #tpu.memory_space<hbm>> -> memref<10000x128xf32, #tpu.memory_space<hbm>>
    tpu.wait_indirect_dma semaphore(%arg15 : memref<!tpu.dma_semaphore, #tpu.memory_space<semaphore_mem>>) src(%dma_wait3A_193 : memref<10000x128xf32, #tpu.memory_space<hbm>>) dst(%arg11 : memref<64x128xf32, #tpu.memory_space<vmem>>)
    %dma_start3A_194 = arith.constant 78 : i32
    %dma_start3A_195 = arith.constant 0 : i32
    %dma_start3A_196 = tpu.memref_slice %arg7[%dma_start3A_194, %dma_start3A_195] : memref<80x64xi32, #tpu.memory_space<vmem>> -> memref<1x64xi32, #tpu.memory_space<vmem>>
    %dma_start3A_197 = tpu.memref_squeeze %dma_start3A_196 : memref<1x64xi32, #tpu.memory_space<vmem>> -> memref<64xi32, #tpu.memory_space<vmem>>
    %dma_start3A_198 = arith.constant 0 : i32
    %dma_start3A_199 = arith.constant 0 : i32
    %dma_start3A_200 = tpu.memref_slice %arg8[%dma_start3A_198, %dma_start3A_199] : memref<10240x128xf32, #tpu.memory_space<vmem_shared>> -> memref<10240x128xf32, #tpu.memory_space<vmem_shared>>
    tpu.enqueue_indirect_dma source(%arg11 : memref<64x128xf32, #tpu.memory_space<vmem>>) target(%dma_start3A_200 : memref<10240x128xf32, #tpu.memory_space<vmem_shared>>) offsets(%dma_start3A_197 : memref<64xi32, #tpu.memory_space<vmem>>) semaphore(%arg19 : memref<!tpu.dma_semaphore, #tpu.memory_space<semaphore_mem>>) {add = true}
    %dma_wait3A_201 = arith.constant 0 : i32
    %dma_wait3A_202 = tpu.memref_slice %arg6[%dma_wait3A_201] : memref<5120xi32, #tpu.memory_space<vmem>> -> memref<64xi32, #tpu.memory_space<vmem>>
    %dma_wait3A_203 = arith.constant 0 : i32
    %dma_wait3A_204 = arith.constant 0 : i32
    %dma_wait3A_205 = tpu.memref_slice %arg2[%dma_wait3A_203, %dma_wait3A_204] : memref<10000x128xf32, #tpu.memory_space<hbm>> -> memref<10000x128xf32, #tpu.memory_space<hbm>>
    tpu.wait_indirect_dma semaphore(%arg16 : memref<!tpu.dma_semaphore, #tpu.memory_space<semaphore_mem>>) src(%dma_wait3A_205 : memref<10000x128xf32, #tpu.memory_space<hbm>>) dst(%arg12 : memref<64x128xf32, #tpu.memory_space<vmem>>)
    %dma_start3A_206 = arith.constant 79 : i32
    %dma_start3A_207 = arith.constant 0 : i32
    %dma_start3A_208 = tpu.memref_slice %arg7[%dma_start3A_206, %dma_start3A_207] : memref<80x64xi32, #tpu.memory_space<vmem>> -> memref<1x64xi32, #tpu.memory_space<vmem>>
    %dma_start3A_209 = tpu.memref_squeeze %dma_start3A_208 : memref<1x64xi32, #tpu.memory_space<vmem>> -> memref<64xi32, #tpu.memory_space<vmem>>
    %dma_start3A_210 = arith.constant 0 : i32
    %dma_start3A_211 = arith.constant 0 : i32
    %dma_start3A_212 = tpu.memref_slice %arg8[%dma_start3A_210, %dma_start3A_211] : memref<10240x128xf32, #tpu.memory_space<vmem_shared>> -> memref<10240x128xf32, #tpu.memory_space<vmem_shared>>
    tpu.enqueue_indirect_dma source(%arg12 : memref<64x128xf32, #tpu.memory_space<vmem>>) target(%dma_start3A_212 : memref<10240x128xf32, #tpu.memory_space<vmem_shared>>) offsets(%dma_start3A_209 : memref<64xi32, #tpu.memory_space<vmem>>) semaphore(%arg20 : memref<!tpu.dma_semaphore, #tpu.memory_space<semaphore_mem>>) {add = true}
    %dma_wait3A_213 = arith.constant 0 : i32
    %dma_wait3A_214 = arith.constant 0 : i32
    %dma_wait3A_215 = tpu.memref_slice %arg7[%dma_wait3A_213, %dma_wait3A_214] : memref<80x64xi32, #tpu.memory_space<vmem>> -> memref<1x64xi32, #tpu.memory_space<vmem>>
    %dma_wait3A_216 = tpu.memref_squeeze %dma_wait3A_215 : memref<1x64xi32, #tpu.memory_space<vmem>> -> memref<64xi32, #tpu.memory_space<vmem>>
    %dma_wait3A_217 = arith.constant 0 : i32
    %dma_wait3A_218 = arith.constant 0 : i32
    %dma_wait3A_219 = tpu.memref_slice %arg8[%dma_wait3A_217, %dma_wait3A_218] : memref<10240x128xf32, #tpu.memory_space<vmem_shared>> -> memref<10240x128xf32, #tpu.memory_space<vmem_shared>>
    tpu.wait_indirect_dma semaphore(%arg17 : memref<!tpu.dma_semaphore, #tpu.memory_space<semaphore_mem>>) src(%arg9 : memref<64x128xf32, #tpu.memory_space<vmem>>) dst(%dma_wait3A_219 : memref<10240x128xf32, #tpu.memory_space<vmem_shared>>)
    %dma_wait3A_220 = arith.constant 0 : i32
    %dma_wait3A_221 = arith.constant 0 : i32
    %dma_wait3A_222 = tpu.memref_slice %arg7[%dma_wait3A_220, %dma_wait3A_221] : memref<80x64xi32, #tpu.memory_space<vmem>> -> memref<1x64xi32, #tpu.memory_space<vmem>>
    %dma_wait3A_223 = tpu.memref_squeeze %dma_wait3A_222 : memref<1x64xi32, #tpu.memory_space<vmem>> -> memref<64xi32, #tpu.memory_space<vmem>>
    %dma_wait3A_224 = arith.constant 0 : i32
    %dma_wait3A_225 = arith.constant 0 : i32
    %dma_wait3A_226 = tpu.memref_slice %arg8[%dma_wait3A_224, %dma_wait3A_225] : memref<10240x128xf32, #tpu.memory_space<vmem_shared>> -> memref<10240x128xf32, #tpu.memory_space<vmem_shared>>
    tpu.wait_indirect_dma semaphore(%arg18 : memref<!tpu.dma_semaphore, #tpu.memory_space<semaphore_mem>>) src(%arg10 : memref<64x128xf32, #tpu.memory_space<vmem>>) dst(%dma_wait3A_226 : memref<10240x128xf32, #tpu.memory_space<vmem_shared>>)
    %dma_wait3A_227 = arith.constant 0 : i32
    %dma_wait3A_228 = arith.constant 0 : i32
    %dma_wait3A_229 = tpu.memref_slice %arg7[%dma_wait3A_227, %dma_wait3A_228] : memref<80x64xi32, #tpu.memory_space<vmem>> -> memref<1x64xi32, #tpu.memory_space<vmem>>
    %dma_wait3A_230 = tpu.memref_squeeze %dma_wait3A_229 : memref<1x64xi32, #tpu.memory_space<vmem>> -> memref<64xi32, #tpu.memory_space<vmem>>
    %dma_wait3A_231 = arith.constant 0 : i32
    %dma_wait3A_232 = arith.constant 0 : i32
    %dma_wait3A_233 = tpu.memref_slice %arg8[%dma_wait3A_231, %dma_wait3A_232] : memref<10240x128xf32, #tpu.memory_space<vmem_shared>> -> memref<10240x128xf32, #tpu.memory_space<vmem_shared>>
    tpu.wait_indirect_dma semaphore(%arg19 : memref<!tpu.dma_semaphore, #tpu.memory_space<semaphore_mem>>) src(%arg11 : memref<64x128xf32, #tpu.memory_space<vmem>>) dst(%dma_wait3A_233 : memref<10240x128xf32, #tpu.memory_space<vmem_shared>>)
    %dma_wait3A_234 = arith.constant 0 : i32
    %dma_wait3A_235 = arith.constant 0 : i32
    %dma_wait3A_236 = tpu.memref_slice %arg7[%dma_wait3A_234, %dma_wait3A_235] : memref<80x64xi32, #tpu.memory_space<vmem>> -> memref<1x64xi32, #tpu.memory_space<vmem>>
    %dma_wait3A_237 = tpu.memref_squeeze %dma_wait3A_236 : memref<1x64xi32, #tpu.memory_space<vmem>> -> memref<64xi32, #tpu.memory_space<vmem>>
    %dma_wait3A_238 = arith.constant 0 : i32
    %dma_wait3A_239 = arith.constant 0 : i32
    %dma_wait3A_240 = tpu.memref_slice %arg8[%dma_wait3A_238, %dma_wait3A_239] : memref<10240x128xf32, #tpu.memory_space<vmem_shared>> -> memref<10240x128xf32, #tpu.memory_space<vmem_shared>>
    tpu.wait_indirect_dma semaphore(%arg20 : memref<!tpu.dma_semaphore, #tpu.memory_space<semaphore_mem>>) src(%arg12 : memref<64x128xf32, #tpu.memory_space<vmem>>) dst(%dma_wait3A_240 : memref<10240x128xf32, #tpu.memory_space<vmem_shared>>)
    %barrier3A_241 = arith.constant 0 : index
    tpu.barrier barrier_id(%barrier3A_241)
    %mul3A_242 = arith.constant 640 : i32
    %mul3A_243 = arith.muli %arg1, %mul3A_242 : i32
    %mul3A_244 = arith.constant 640 : i32
    %mul3A_245 = arith.muli %arg1, %mul3A_244 : i32
    "tpu.region"() ({
      %run_scoped3A = tpu.sem_alloc : memref<!tpu.dma_semaphore, #tpu.memory_space<semaphore_mem>>
      %dma_start3A_246 = arith.constant 0 : i32
      %dma_start3A_247 = tpu.memref_slice %arg5[%arg0, %mul3A_245, %dma_start3A_246] : memref<2x10240x128xf32, #tpu.memory_space<hbm>> -> memref<1x640x128xf32, #tpu.memory_space<hbm>>
      %dma_start3A_248 = tpu.memref_squeeze %dma_start3A_247 : memref<1x640x128xf32, #tpu.memory_space<hbm>> -> memref<640x128xf32, #tpu.memory_space<hbm>>
      %dma_start3A_249 = arith.constant 0 : i32
      %dma_start3A_250 = tpu.memref_slice %arg8[%mul3A_243, %dma_start3A_249] : memref<10240x128xf32, #tpu.memory_space<vmem_shared>> -> memref<640x128xf32, #tpu.memory_space<vmem_shared>>
      tpu.enqueue_dma source(%dma_start3A_250 : memref<640x128xf32, #tpu.memory_space<vmem_shared>>) target(%dma_start3A_248 : memref<640x128xf32, #tpu.memory_space<hbm>>) target_semaphore(%run_scoped3A : memref<!tpu.dma_semaphore, #tpu.memory_space<semaphore_mem>>)
      %dma_wait3A_251 = arith.constant 0 : i32
      %dma_wait3A_252 = tpu.memref_slice %arg5[%arg0, %mul3A_245, %dma_wait3A_251] : memref<2x10240x128xf32, #tpu.memory_space<hbm>> -> memref<1x640x128xf32, #tpu.memory_space<hbm>>
      %dma_wait3A_253 = tpu.memref_squeeze %dma_wait3A_252 : memref<1x640x128xf32, #tpu.memory_space<hbm>> -> memref<640x128xf32, #tpu.memory_space<hbm>>
      %dma_wait3A_254 = arith.constant 0 : i32
      %dma_wait3A_255 = tpu.memref_slice %arg8[%mul3A_243, %dma_wait3A_254] : memref<10240x128xf32, #tpu.memory_space<vmem_shared>> -> memref<640x128xf32, #tpu.memory_space<vmem_shared>>
      tpu.wait_dma2 semaphore(%run_scoped3A : memref<!tpu.dma_semaphore, #tpu.memory_space<semaphore_mem>>) src(%dma_wait3A_255 : memref<640x128xf32, #tpu.memory_space<vmem_shared>>) dst(%dma_wait3A_253 : memref<640x128xf32, #tpu.memory_space<hbm>>)
      tpu.yield
    }) : () -> ()
    return
  }
}

module attributes {stable_mosaic.version = 14 : i64} {
  func.func @_dense1_body(%arg0: i32, %arg1: memref<2048x128xf32, #tpu.memory_space<vmem>>, %arg2: memref<128x128xf32, #tpu.memory_space<vmem>>, %arg3: memref<32x2048xf32, #tpu.memory_space<vmem>>, %arg4: memref<2048x128xf32, #tpu.memory_space<vmem>>, %arg5: memref<2048x1xf32, #tpu.memory_space<vmem>>) attributes {dimension_semantics = [#tpu.dimension_semantics<arbitrary>], iteration_bounds = array<i64: 5>, scalar_prefetch = 0 : i64, scratch_operands = 0 : i64, tpu.core_type = #tpu.core_type<tc>, window_params = [{transform_indices = @transform_0, window_bounds = array<i64: 2048, 128>}, {pipeline_mode = #tpu.pipeline_mode<synchronous>, transform_indices = @transform_1, window_bounds = array<i64: 128, 128>}, {transform_indices = @transform_2, window_bounds = array<i64: 32, 2048>}, {transform_indices = @transform_3, window_bounds = array<i64: 2048, 128>}, {transform_indices = @transform_4, window_bounds = array<i64: 2048, 1>}]} {
    %get3A = arith.constant 0 : index
    %get3A_0 = arith.constant 0 : index
    %get3A_1 = vector.load %arg3[%get3A, %get3A_0] : memref<32x2048xf32, #tpu.memory_space<vmem>>, vector<32x2048xf32>
    %reduce_sum3A = arith.constant dense<0.000000e+00> : vector<2048xf32>
    %reduce_sum3A_2 = vector.multi_reduction <add>, %get3A_1, %reduce_sum3A [0] : vector<32x2048xf32> to vector<2048xf32>
    %add3A = arith.constant 1.000000e+00 : f32
    %add3A_3 = vector.broadcast %add3A : f32 to vector<2048xf32>
    %add3A_4 = arith.addf %reduce_sum3A_2, %add3A_3 : vector<2048xf32>
    %rsqrt3A = math.rsqrt %add3A_4 : vector<2048xf32>
    %get3A_5 = arith.constant 0 : index
    %get3A_6 = arith.constant 0 : index
    %get3A_7 = vector.load %arg1[%get3A_5, %get3A_6] : memref<2048x128xf32, #tpu.memory_space<vmem>>, vector<2048x128xf32>
    %get3A_8 = arith.constant 0 : index
    %get3A_9 = arith.constant 0 : index
    %get3A_10 = vector.load %arg2[%get3A_8, %get3A_9] : memref<128x128xf32, #tpu.memory_space<vmem>>, vector<128x128xf32>
    %dot_general3A = arith.constant dense<0.000000e+00> : vector<2048x128xf32>
    %dot_general3A_11 = tpu.matmul %get3A_7, %get3A_10, %dot_general3A {dimension_numbers = #tpu.dot_dimension_numbers<[1], [0], [0], [1], [0, 0, 1, 1], [], []>, transpose_lhs_hint = false} : vector<2048x128xf32>, vector<128x128xf32>, vector<2048x128xf32> -> vector<2048x128xf32>
    %broadcast_in_dim3A = vector.shape_cast %rsqrt3A : vector<2048xf32> to vector<2048x1xf32>
    %mul3A = vector.broadcast %broadcast_in_dim3A : vector<2048x1xf32> to vector<2048x128xf32>
    %mul3A_12 = arith.mulf %dot_general3A_11, %mul3A : vector<2048x128xf32>
    %swap3A = arith.constant 0 : index
    %swap3A_13 = arith.constant 0 : index
    %swap3A_14 = vector.load %arg4[%swap3A, %swap3A_13] : memref<2048x128xf32, #tpu.memory_space<vmem>>, vector<2048x128xf32>
    tpu.vector_store %arg4[%swap3A, %swap3A_13], %mul3A_12 {strides = array<i32>} : memref<2048x128xf32, #tpu.memory_space<vmem>>, vector<2048x128xf32>,
    %broadcast_in_dim3A_15 = vector.shape_cast %rsqrt3A : vector<2048xf32> to vector<2048x1xf32>
    %swap3A_16 = arith.constant 0 : index
    %swap3A_17 = arith.constant 0 : index
    %swap3A_18 = vector.load %arg5[%swap3A_16, %swap3A_17] : memref<2048x1xf32, #tpu.memory_space<vmem>>, vector<2048x1xf32>
    tpu.vector_store %arg5[%swap3A_16, %swap3A_17], %broadcast_in_dim3A_15 {strides = array<i32>} : memref<2048x1xf32, #tpu.memory_space<vmem>>, vector<2048x1xf32>,
    return
  }
  func.func @transform_0(%arg0: i32) -> (i32, i32) {
    %c0_i32 = arith.constant 0 : i32
    %c0_i32_0 = arith.constant 0 : i32
    return %arg0, %c0_i32 : i32, i32
  }
  func.func @transform_1(%arg0: i32) -> (i32, i32) {
    %c0_i32 = arith.constant 0 : i32
    %c0_i32_0 = arith.constant 0 : i32
    %c0_i32_1 = arith.constant 0 : i32
    return %c0_i32, %c0_i32_0 : i32, i32
  }
  func.func @transform_2(%arg0: i32) -> (i32, i32) {
    %c0_i32 = arith.constant 0 : i32
    %c0_i32_0 = arith.constant 0 : i32
    return %c0_i32, %arg0 : i32, i32
  }
  func.func @transform_3(%arg0: i32) -> (i32, i32) {
    %c0_i32 = arith.constant 0 : i32
    %c0_i32_0 = arith.constant 0 : i32
    return %arg0, %c0_i32 : i32, i32
  }
  func.func @transform_4(%arg0: i32) -> (i32, i32) {
    %c0_i32 = arith.constant 0 : i32
    %c0_i32_0 = arith.constant 0 : i32
    return %arg0, %c0_i32 : i32, i32
  }
}

module attributes {stable_mosaic.version = 14 : i64} {
  func.func @_dense2_body(%arg0: i32, %arg1: memref<2x2048x128xf32, #tpu.memory_space<vmem>>, %arg2: memref<2048x128xf32, #tpu.memory_space<vmem>>, %arg3: memref<2048x1xf32, #tpu.memory_space<vmem>>, %arg4: memref<1x128xf32, #tpu.memory_space<vmem>>, %arg5: memref<128x128xf32, #tpu.memory_space<vmem>>, %arg6: memref<2048x128xf32, #tpu.memory_space<vmem>>) attributes {dimension_semantics = [#tpu.dimension_semantics<arbitrary>], iteration_bounds = array<i64: 5>, scalar_prefetch = 0 : i64, scratch_operands = 0 : i64, tpu.core_type = #tpu.core_type<tc>, window_params = [{transform_indices = @transform_0, window_bounds = array<i64: 2, 2048, 128>}, {transform_indices = @transform_1, window_bounds = array<i64: 2048, 128>}, {transform_indices = @transform_2, window_bounds = array<i64: 2048, 1>}, {pipeline_mode = #tpu.pipeline_mode<synchronous>, transform_indices = @transform_3, window_bounds = array<i64: 1, 128>}, {pipeline_mode = #tpu.pipeline_mode<synchronous>, transform_indices = @transform_4, window_bounds = array<i64: 128, 128>}, {transform_indices = @transform_5, window_bounds = array<i64: 2048, 128>}]} {
    %get3A = arith.constant 0 : index
    %get3A_0 = arith.constant 0 : index
    %get3A_1 = arith.constant 0 : index
    %get3A_2 = vector.load %arg1[%get3A, %get3A_0, %get3A_1] : memref<2x2048x128xf32, #tpu.memory_space<vmem>>, vector<1x2048x128xf32>
    %get3A_3 = vector.shape_cast %get3A_2 : vector<1x2048x128xf32> to vector<2048x128xf32>
    %get3A_4 = arith.constant 1 : index
    %get3A_5 = arith.constant 0 : index
    %get3A_6 = arith.constant 0 : index
    %get3A_7 = vector.load %arg1[%get3A_4, %get3A_5, %get3A_6] : memref<2x2048x128xf32, #tpu.memory_space<vmem>>, vector<1x2048x128xf32>
    %get3A_8 = vector.shape_cast %get3A_7 : vector<1x2048x128xf32> to vector<2048x128xf32>
    %add3A = arith.addf %get3A_3, %get3A_8 : vector<2048x128xf32>
    %get3A_9 = arith.constant 0 : index
    %get3A_10 = arith.constant 0 : index
    %get3A_11 = vector.load %arg2[%get3A_9, %get3A_10] : memref<2048x128xf32, #tpu.memory_space<vmem>>, vector<2048x128xf32>
    %add3A_12 = arith.addf %add3A, %get3A_11 : vector<2048x128xf32>
    %get3A_13 = arith.constant 0 : index
    %get3A_14 = arith.constant 0 : index
    %get3A_15 = vector.load %arg3[%get3A_13, %get3A_14] : memref<2048x1xf32, #tpu.memory_space<vmem>>, vector<2048x1xf32>
    %mul3A = vector.broadcast %get3A_15 : vector<2048x1xf32> to vector<2048x128xf32>
    %mul3A_16 = arith.mulf %add3A_12, %mul3A : vector<2048x128xf32>
    %get3A_17 = arith.constant 0 : index
    %get3A_18 = arith.constant 0 : index
    %get3A_19 = vector.load %arg4[%get3A_17, %get3A_18] : memref<1x128xf32, #tpu.memory_space<vmem>>, vector<1x128xf32>
    %add3A_20 = vector.broadcast %get3A_19 : vector<1x128xf32> to vector<2048x128xf32>
    %add3A_21 = arith.addf %mul3A_16, %add3A_20 : vector<2048x128xf32>
    %max3A = arith.constant 0.000000e+00 : f32
    %max3A_22 = vector.broadcast %max3A : f32 to vector<2048x128xf32>
    %max3A_23 = arith.maximumf %add3A_21, %max3A_22 : vector<2048x128xf32>
    %get3A_24 = arith.constant 0 : index
    %get3A_25 = arith.constant 0 : index
    %get3A_26 = vector.load %arg5[%get3A_24, %get3A_25] : memref<128x128xf32, #tpu.memory_space<vmem>>, vector<128x128xf32>
    %dot_general3A = arith.constant dense<0.000000e+00> : vector<2048x128xf32>
    %dot_general3A_27 = tpu.matmul %max3A_23, %get3A_26, %dot_general3A {dimension_numbers = #tpu.dot_dimension_numbers<[1], [0], [0], [1], [0, 0, 1, 1], [], []>, transpose_lhs_hint = false} : vector<2048x128xf32>, vector<128x128xf32>, vector<2048x128xf32> -> vector<2048x128xf32>
    %get3A_28 = arith.constant 0 : index
    %get3A_29 = arith.constant 0 : index
    %get3A_30 = vector.load %arg3[%get3A_28, %get3A_29] : memref<2048x1xf32, #tpu.memory_space<vmem>>, vector<2048x1xf32>
    %mul3A_31 = vector.broadcast %get3A_30 : vector<2048x1xf32> to vector<2048x128xf32>
    %mul3A_32 = arith.mulf %dot_general3A_27, %mul3A_31 : vector<2048x128xf32>
    %swap3A = arith.constant 0 : index
    %swap3A_33 = arith.constant 0 : index
    %swap3A_34 = vector.load %arg6[%swap3A, %swap3A_33] : memref<2048x128xf32, #tpu.memory_space<vmem>>, vector<2048x128xf32>
    tpu.vector_store %arg6[%swap3A, %swap3A_33], %mul3A_32 {strides = array<i32>} : memref<2048x128xf32, #tpu.memory_space<vmem>>, vector<2048x128xf32>,
    return
  }
  func.func @transform_0(%arg0: i32) -> (i32, i32, i32) {
    %c0_i32 = arith.constant 0 : i32
    %c0_i32_0 = arith.constant 0 : i32
    %c0_i32_1 = arith.constant 0 : i32
    return %c0_i32, %arg0, %c0_i32_0 : i32, i32, i32
  }
  func.func @transform_1(%arg0: i32) -> (i32, i32) {
    %c0_i32 = arith.constant 0 : i32
    %c0_i32_0 = arith.constant 0 : i32
    return %arg0, %c0_i32 : i32, i32
  }
  func.func @transform_2(%arg0: i32) -> (i32, i32) {
    %c0_i32 = arith.constant 0 : i32
    %c0_i32_0 = arith.constant 0 : i32
    return %arg0, %c0_i32 : i32, i32
  }
  func.func @transform_3(%arg0: i32) -> (i32, i32) {
    %c0_i32 = arith.constant 0 : i32
    %c0_i32_0 = arith.constant 0 : i32
    %c0_i32_1 = arith.constant 0 : i32
    return %c0_i32, %c0_i32_0 : i32, i32
  }
  func.func @transform_4(%arg0: i32) -> (i32, i32) {
    %c0_i32 = arith.constant 0 : i32
    %c0_i32_0 = arith.constant 0 : i32
    %c0_i32_1 = arith.constant 0 : i32
    return %c0_i32, %c0_i32_0 : i32, i32
  }
  func.func @transform_5(%arg0: i32) -> (i32, i32) {
    %c0_i32 = arith.constant 0 : i32
    %c0_i32_0 = arith.constant 0 : i32
    return %arg0, %c0_i32 : i32, i32
  }
}

module attributes {stable_mosaic.version = 14 : i64} {
  func.func @_dense3_body(%arg0: i32, %arg1: memref<2x2048x128xf32, #tpu.memory_space<vmem>>, %arg2: memref<2048x128xf32, #tpu.memory_space<vmem>>, %arg3: memref<2048x1xf32, #tpu.memory_space<vmem>>, %arg4: memref<1x128xf32, #tpu.memory_space<vmem>>, %arg5: memref<2048x128xf32, #tpu.memory_space<vmem>>) attributes {dimension_semantics = [#tpu.dimension_semantics<arbitrary>], iteration_bounds = array<i64: 5>, scalar_prefetch = 0 : i64, scratch_operands = 0 : i64, tpu.core_type = #tpu.core_type<tc>, window_params = [{transform_indices = @transform_0, window_bounds = array<i64: 2, 2048, 128>}, {transform_indices = @transform_1, window_bounds = array<i64: 2048, 128>}, {transform_indices = @transform_2, window_bounds = array<i64: 2048, 1>}, {pipeline_mode = #tpu.pipeline_mode<synchronous>, transform_indices = @transform_3, window_bounds = array<i64: 1, 128>}, {transform_indices = @transform_4, window_bounds = array<i64: 2048, 128>}]} {
    %get3A = arith.constant 0 : index
    %get3A_0 = arith.constant 0 : index
    %get3A_1 = arith.constant 0 : index
    %get3A_2 = vector.load %arg1[%get3A, %get3A_0, %get3A_1] : memref<2x2048x128xf32, #tpu.memory_space<vmem>>, vector<1x2048x128xf32>
    %get3A_3 = vector.shape_cast %get3A_2 : vector<1x2048x128xf32> to vector<2048x128xf32>
    %get3A_4 = arith.constant 1 : index
    %get3A_5 = arith.constant 0 : index
    %get3A_6 = arith.constant 0 : index
    %get3A_7 = vector.load %arg1[%get3A_4, %get3A_5, %get3A_6] : memref<2x2048x128xf32, #tpu.memory_space<vmem>>, vector<1x2048x128xf32>
    %get3A_8 = vector.shape_cast %get3A_7 : vector<1x2048x128xf32> to vector<2048x128xf32>
    %add3A = arith.addf %get3A_3, %get3A_8 : vector<2048x128xf32>
    %get3A_9 = arith.constant 0 : index
    %get3A_10 = arith.constant 0 : index
    %get3A_11 = vector.load %arg2[%get3A_9, %get3A_10] : memref<2048x128xf32, #tpu.memory_space<vmem>>, vector<2048x128xf32>
    %add3A_12 = arith.addf %add3A, %get3A_11 : vector<2048x128xf32>
    %get3A_13 = arith.constant 0 : index
    %get3A_14 = arith.constant 0 : index
    %get3A_15 = vector.load %arg3[%get3A_13, %get3A_14] : memref<2048x1xf32, #tpu.memory_space<vmem>>, vector<2048x1xf32>
    %mul3A = vector.broadcast %get3A_15 : vector<2048x1xf32> to vector<2048x128xf32>
    %mul3A_16 = arith.mulf %add3A_12, %mul3A : vector<2048x128xf32>
    %get3A_17 = arith.constant 0 : index
    %get3A_18 = arith.constant 0 : index
    %get3A_19 = vector.load %arg4[%get3A_17, %get3A_18] : memref<1x128xf32, #tpu.memory_space<vmem>>, vector<1x128xf32>
    %add3A_20 = vector.broadcast %get3A_19 : vector<1x128xf32> to vector<2048x128xf32>
    %add3A_21 = arith.addf %mul3A_16, %add3A_20 : vector<2048x128xf32>
    %swap3A = arith.constant 0 : index
    %swap3A_22 = arith.constant 0 : index
    %swap3A_23 = vector.load %arg5[%swap3A, %swap3A_22] : memref<2048x128xf32, #tpu.memory_space<vmem>>, vector<2048x128xf32>
    tpu.vector_store %arg5[%swap3A, %swap3A_22], %add3A_21 {strides = array<i32>} : memref<2048x128xf32, #tpu.memory_space<vmem>>, vector<2048x128xf32>,
    return
  }
  func.func @transform_0(%arg0: i32) -> (i32, i32, i32) {
    %c0_i32 = arith.constant 0 : i32
    %c0_i32_0 = arith.constant 0 : i32
    %c0_i32_1 = arith.constant 0 : i32
    return %c0_i32, %arg0, %c0_i32_0 : i32, i32, i32
  }
  func.func @transform_1(%arg0: i32) -> (i32, i32) {
    %c0_i32 = arith.constant 0 : i32
    %c0_i32_0 = arith.constant 0 : i32
    return %arg0, %c0_i32 : i32, i32
  }
  func.func @transform_2(%arg0: i32) -> (i32, i32) {
    %c0_i32 = arith.constant 0 : i32
    %c0_i32_0 = arith.constant 0 : i32
    return %arg0, %c0_i32 : i32, i32
  }
  func.func @transform_3(%arg0: i32) -> (i32, i32) {
    %c0_i32 = arith.constant 0 : i32
    %c0_i32_0 = arith.constant 0 : i32
    %c0_i32_1 = arith.constant 0 : i32
    return %c0_i32, %c0_i32_0 : i32, i32
  }
  func.func @transform_4(%arg0: i32) -> (i32, i32) {
    %c0_i32 = arith.constant 0 : i32
    %c0_i32_0 = arith.constant 0 : i32
    return %arg0, %c0_i32 : i32, i32
  }
}

</mosaic_0001>

<sc_bundles>
// kernel: kernel.11.cloned.1.call-start
scs
__scs_entry_jumppad:
0x0: {  	(pc) =	sbr.rel $0x88, $3  }
0x1: {  	(tag) =	ssettag $0x0;
	lr =	simm.s32 $0x1  }
0x2: {  	[smem:$0x3F9B] =	sst lr;
	_ =	strace $0xD0000000  }
0x3: {  	_ = 	snop  }
0x4: {  	_ = 	snop  }
0x5: {  	_ = 	snop  }
0x6: {  	_ = 	snop  }
0x7: {  	_ = 	snop  }
__scs_overlays_trampoline_lowered:
0x8: {  	[smem:$0x3FAA] =	sst s0  }
0x9: {  	[smem:$0x3FAB] =	sst s1  }
0xa: {  	[smem:$0x3FAC] =	sst s2  }
0xb: {  	[smem:$0x3FAD] =	sst s3  }
0xc: {  	[smem:$0x3FAE] =	sst s4  }
0xd: {  	[smem:$0x3FAF] =	sst s5  }
0xe: {  	[smem:$0x3FB0] =	sst s6  }
0xf: {  	[smem:$0x3FB1] =	sst s7  }
0x10: {  	[smem:$0x3FB2] =	sst s8  }
0x11: {  	[smem:$0x3FB3] =	sst s9;
	s0 =	simm.s32 @!p0 $0x0  }
0x12: {  	s1 =	sld [smem:$0x3F99];
	s0 =	simm.s32 @p0 $0x1  }
0x13: {  	[smem:$0x3FB4] =	sst s0;
	s0 =	simm.s32 @!p1 $0x0  }
0x14: {  	s2 =	sld [smem:$0x3F98];
	s0 =	simm.s32 @p1 $0x1  }
0x15: {  	[smem:$0x3FB5] =	sst s0;
	s0 =	simm.s32 @!p2 $0x0  }
0x16: {  	s3 =	sld [smem:$0x3FDB];
	s0 =	simm.s32 @p2 $0x1  }
0x17: {  	s4 =	simm.s32 $0x1BF5;
	[smem:$0x3FB7] =	sst s0  }
0x18: {  	s0 =	sld [smem:$0x3F9A];
	_ =	swait.ge [sflag:s4], $0x0  }
0x19: {  	s7 =	sld [smem:$0x3F9B]  }
0x1a: {  	s8 =	sadd.s32 $0xFFFFE003, lr  }
0x1b: {  	s9 =	sadd.s32 $0xFFFFFEF7, lr;
	s5 =	simm.s32 $0xFFFFFFFF;
	p2 =	slt.u32 s8, $0xFFFFF086  }
0x1c: {  	p1 =	slt.u32 s9, $0xF7A;
	s5 =	simm.s32 @!p2 $0x0  }
0x1d: {  	s5 =	simm.s32 @p1 $0x1;
	p0 =	seq.s32 s7, s2  }
0x1e: {  	s7 =	smul.u32 @!p0 $0xF7A, s2;
	p2 =	seq.s32 @!p0 s5, $0x0  }
0x1f: {  	s9 =	smul.u32 $0xF7A, s1;
	s8 =	simm.s32 @!p0 $0x1BF5;
	p2 =	por !p2, p0  }
0x20: {  	[sflag:s8] =	ssyncset.s32 @!p0 $0xFFFFF086;
	s6 =	sadd.s32 @!p0 s3, s7;
	s7 =	simm.s32 @!p0 $0x108  }
0x21: {  	s3 =	sadd.s32 s3, s9;
	s6 =	sadd.s32 @!p0 $0x88, s6;
	s7 =	simm.s32 @p2 $0x1082  }
0x22: {  	[simem:s7], [sflag:s8] =	dma.local @!p0 [hbm:s6], $0xF7A  }
0x23: {  	s9 =	sor.u32 $0xD0000000, s2;
	s6 =	simm.s32 $0x108;
	_ =	swait.ge @!p0 [sflag:s8], $0x0  }
0x24: {  	s3 =	sadd.s32 $0x88, s3;
	s6 =	simm.s32 @!p1 $0x1082;
	[sflag:s4] =	ssyncset.s32 $0xFFFFF086  }
0x25: {  	[simem:s6], [sflag:s4] =	dma.local [hbm:s3], $0xF7A  }
0x26: {  	[smem:$0x3F9B] =	sst s1;
	(tag) =	ssettag s2;
	_ =	strace s9  }
0x27: {  	s1 =	sld [smem:$0x3FAB]  }
0x28: {  	s2 =	sld [smem:$0x3FAC]  }
0x29: {  	s4 =	sld [smem:$0x3FAE]  }
0x2a: {  	p0 =	seq.s32 s5, $0x0;
	s5 =	sld [smem:$0x3FAF]  }
0x2b: {  	s6 =	sld [smem:$0x3FB0]  }
0x2c: {  	s7 =	sld [smem:$0x3FB1]  }
0x2d: {  	s3 =	simm.s32 $0x108;
	s8 =	sld [smem:$0x3FB2]  }
0x2e: {  	s3 =	simm.s32 @!p0 $0x1082;
	s9 =	sld [smem:$0x3FB3]  }
0x2f: {  	lr =	sadd.s32 s0, s3;
	s0 =	sld [smem:$0x3FAA]  }
0x30: {  	s3 =	sld [smem:$0x3FAD]  }
0x31: {  	[smem:$0x3FB6] =	sst s10  }
0x32: {  	s10 =	sld [smem:$0x3FB4];
	_ =	sdelay $0x3  }
0x33: {  	p0 =	seq.s32 s10, $0x1;
	s10 =	sld [smem:$0x3FB6];
	_ =	sdelay $0x3  }
0x34: {  	[smem:$0x3FB6] =	sst s10  }
0x35: {  	s10 =	sld [smem:$0x3FB5];
	_ =	sdelay $0x3  }
0x36: {  	p1 =	seq.s32 s10, $0x1;
	s10 =	sld [smem:$0x3FB6];
	_ =	sdelay $0x3  }
0x37: {  	[smem:$0x3FB6] =	sst s10  }
0x38: {  	s10 =	sld [smem:$0x3FB7]  }
0x39: {  	_ = 	snop;
	(pc) =	sbr.ind lr, $3  }
0x3a: {  	_ = 	snop  }
0x3b: {  	_ = 	snop  }
0x3c: {  	p2 =	seq.s32 s10, $0x1;
	s10 =	sld [smem:$0x3FB6]  }
0x3d: {  	_ =	shalt  }
0x3e: {  	_ =	shalt  }
0x3f: {  	_ =	shalt  }
0x40: {  	_ =	shalt  }
0x41: {  	_ =	shalt  }
0x42: {  	_ =	shalt  }
0x43: {  	_ =	shalt  }
0x44: {  	_ =	shalt  }
0x45: {  	_ =	shalt  }
0x46: {  	_ =	shalt  }
0x47: {  	_ =	shalt  }
0x48: {  	_ =	shalt  }
0x49: {  	_ =	shalt  }
0x4a: {  	_ =	shalt  }
0x4b: {  	_ =	shalt  }
0x4c: {  	_ =	shalt  }
0x4d: {  	_ =	shalt  }
0x4e: {  	_ =	shalt  }
0x4f: {  	_ =	shalt  }
0x50: {  	_ =	shalt  }
0x51: {  	_ =	shalt  }
0x52: {  	_ =	shalt  }
0x53: {  	_ =	shalt  }
0x54: {  	_ =	shalt  }
0x55: {  	_ =	shalt  }
0x56: {  	_ =	shalt  }
0x57: {  	_ =	shalt  }
0x58: {  	_ =	shalt  }
0x59: {  	_ =	shalt  }
0x5a: {  	_ =	shalt  }
0x5b: {  	_ =	shalt  }
0x5c: {  	_ =	shalt  }
0x5d: {  	_ =	shalt  }
0x5e: {  	_ =	shalt  }
0x5f: {  	_ =	shalt  }
0x60: {  	_ =	shalt  }
0x61: {  	_ =	shalt  }
0x62: {  	_ =	shalt  }
0x63: {  	_ =	shalt  }
0x64: {  	_ =	shalt  }
0x65: {  	_ =	shalt  }
0x66: {  	_ =	shalt  }
0x67: {  	_ =	shalt  }
0x68: {  	_ =	shalt  }
0x69: {  	_ =	shalt  }
0x6a: {  	_ =	shalt  }
0x6b: {  	_ =	shalt  }
0x6c: {  	_ =	shalt  }
0x6d: {  	_ =	shalt  }
0x6e: {  	_ =	shalt  }
0x6f: {  	_ =	shalt  }
0x70: {  	_ =	shalt  }
0x71: {  	_ =	shalt  }
0x72: {  	_ =	shalt  }
0x73: {  	_ =	shalt  }
0x74: {  	_ =	shalt  }
0x75: {  	_ =	shalt  }
0x76: {  	_ =	shalt  }
0x77: {  	_ =	shalt  }
0x78: {  	_ =	shalt  }
0x79: {  	_ =	shalt  }
0x7a: {  	_ =	shalt  }
0x7b: {  	_ =	shalt  }
0x7c: {  	_ =	shalt  }
0x7d: {  	_ =	shalt  }
0x7e: {  	_ =	shalt  }
0x7f: {  	_ =	shalt  }
0x80: {  	_ =	shalt  }
0x81: {  	_ =	shalt  }
0x82: {  	_ =	shalt  }
0x83: {  	_ =	shalt  }
0x84: {  	_ =	shalt  }
0x85: {  	_ =	shalt  }
0x86: {  	_ =	shalt  }
0x87: {  	_ =	shalt  }
.Lfunc_end0:
.L_simem_size_0:
called_computation.1_lowered:
.L_overlay_start_0:
0x88: {  	s2 =	sld [smem:$0x3FD9]  }
0x89: {  	s3 =	sld [smem:$0x3FFE];
	_ =	sdelay $0x1  }
0x8a: {  	s1 =	srdreg.scid  }
0x8b: {  	s0 =	sand.u32 $0x1, s1  }
0x8c: {  	s17 =	sshll.u32 s0, $0xA;
	s2 =	sadd.s32 s3, s2  }
0x8d: {  	s2 =	sadd.s32 s2, s17  }
0x8e: {  	[smem:$0x3FC2] =	sst s2  }
0x8f: {  	_ = 	snop  }
0x90: {  	s2 =	sld [smem:$0x3FD0];
	(tm) =	ssettm $0x1  }
0x91: {  	s18 =	sld [smem:$0x3FFB];
	_ =	sdelay $0x3  }
0x92: {  	_ =	strace s18  }
0x93: {  	s3 =	sld [smem:$0x3FFC];
	_ =	sdelay $0x3  }
0x94: {  	_ =	strace s3  }
0x95: {  	s3 =	sld [smem:$0x3FFD];
	_ =	sdelay $0x3  }
0x96: {  	_ =	strace s3  }
0x97: {  	_ =	strace $0x8FFFFFFF  }
0x98: {  	s19 =	sld [smem:$0x3FDB];
	_ =	sdelay $0x1  }
0x99: {  	s4 =	simm.s32 $_scs_section_size  }
0x9a: {  	s5 =	simm.s32 $_size__tile_overlayer_lowered;
	s6 =	simm.s32 $_tile_overlayer_lowered  }
0x9b: {  	s22 =	simm.s32 $0x1BFF;
	s21 =	sshll.u32 s6, $0x1;
	s3 =	sadd.s32 s4, s19  }
0x9c: {  	s7 =	simm.s32 $0x0;
	s20 =	sshll.u32 s5, $0x1;
	s5 =	sadd.s32 s21, s3  }
0x9d: {  	[timem:s7], [sflag:s22] =	dma.local [hbm:s5], s20  }
0x9e: {  	_ =	swait.ge [sflag:s22], s20  }
0x9f: {  	s4 =	ssub.s32 $0x0, s20;
	[sflag:s22] =	ssyncset.done $0x0  }
0xa0: {  	[sflag:s22] =	ssyncadd.s32 s4;
	_ =	sdelay $0x1  }
0xa1: {  	s23 =	simm.s32 $0x1B8B  }
0xa2: {  	_ =	swait.ge [sflag:s23], $0x1  }
0xa3: {  	[sflag:s23] =	ssyncset.done $0x0  }
0xa4: {  	s25 =	simm.s32 $0x1B8E;
	s24 =	sld [smem:$0x3FFE];
	[sflag:s23] =	ssyncadd.s32 $0xFFFFFFFF  }
0xa5: {  	s26 =	simm.s32 $execute0_lowered;
	[smem:$0x3FD2] =	sst s25  }
0xa6: {  	s5 =	sshll.u32 s26, $0x1;
	_ =	strace $0x80000049;
	[dreg:$0x1] =	wrdreg $0xFFFFFFFF  }
0xa7: {  	s28 =	simm.s32 $_size_execute0_lowered;
	s3 =	sadd.s32 s3, s5;
	[dreg:$0x0] =	wrdreg $0x0  }
0xa8: {  	s5 =	sshll.u32 s28, $0x1;
	[dreg:$0x2] =	wrdreg s3  }
0xa9: {  	[dreg:$0x3] =	wrdreg s5  }
0xaa: {  	[dreg:$0x4] =	wrdreg $0xC0  }
0xab: {  	_ =	task [dreg:s7], $0x5FFFF  }
0xac: {  	[dreg:$0x1] =	wrdreg $0xFFFFFFFF  }
0xad: {  	[dreg:$0x0] =	wrdreg $0x60  }
0xae: {  	[dreg:$0x2] =	wrdreg s2  }
0xaf: {  	[dreg:$0x3] =	wrdreg s24  }
0xb0: {  	[dreg:$0x4] =	wrdreg $0x3C000  }
0xb1: {  	[dreg:$0x5] =	wrdreg $0x9  }
0xb2: {  	_ =	task.clear_ibuf [dreg:s7], $0x6FFFF;
	_ =	strace $0x90000049  }
0xb3: {  	s29 =	simm.s32 $0x9;
	_ =	strace $0x8000004B  }
0xb4: {  	_ =	swait.ge [sflag:s29], $0x1  }
0xb5: {  	[sflag:s29] =	ssyncadd.s32 $0xFFFFFFFF  }
0xb6: {  	_ =	strace $0x9000004B  }
0xb7: {  	_ =	sfence  }
0xb8: {  	s30 =	sld [smem:$0x0];
	_ =	sdelay $0x2  }
0xb9: {  	s31 =	sshll.u32 s1, $0xD;
	s1 =	sshrl.u32 s1, $0x2  }
0xba: {  	s3 =	sand.u32 $0x4000, s31;
	s1 =	sadd.s32 s1, s30  }
0xbb: {  	s0 =	sor.u32 s3, s0;
	s1 =	sshll.u32 s1, $0x11  }
0xbc: {  	s0 =	sor.u32 s1, s0  }
0xbd: {  	s0 =	sadd.s32 $0x8F2B, s0  }
0xbe: {  	[sflag:s0] =	ssyncadd.remote.s32 $0x1  }
0xbf: {  	_ =	sfence.sel $0xFFFF  }
0xc0: {  	[dreg:$0x0] =	wrdreg $0xFFFFFFFF;
	(pc) =	sbr.abs _section_cstart, $3  }
0xc1: {  	[dreg:$0x1] =	wrdreg $0xFFFFFFFF  }
0xc2: {  	_ =	task.clear_ibuf [dreg:s7], $0x2FFFF;
	_ =	strace $0x9FFFFFFF  }
0xc3: {  	(tm) =	ssettm $0x7FFFFFFF  }
tec
execute0_lowered:
.L_overlay_start_1:
0x0: {  	(tag) =	ssettag $0x1  }
0x1: {  	s0 =	srdreg.scid;
	s2 =	rddreg [dreg:$0x0]  }
0x2: {  	s9 =	stileid.u32;
	s5 =	rddreg [dreg:$0x1]  }
0x3: {  	s3 =	rddreg [dreg:$0x2];
	s4 =	simm.s32 $0x0;
	s28 =	simm.s32 $0x80  }
0x4: {  	s29 =	simm.s32 $0x1BC00;
	s30 =	simm.s32 $0xC0;
	s8 =	smul.u32 $0x14000, s9  }
0x5: {  	s0 =	sand.u32 $0x1, s0;
	s1 =	sshll.u32 s9, $0x1;
	s13 =	smul.u32 $0x50000, s9  }
0x6: {  	s31 =	simm.s32 $0x1DC00;
	s1 =	sor.u32 s0, s1;
	s7 =	smul.u32 $0x140000, s0  }
0x7: {  	[smem:$0x7FF] =	sst s4;
	s0 =	ssub.s32 $0x2, s0;
	s6 =	smul.u32 $0x2800, s1  }
0x8: {  	_ =	strace $0x8000004A;
	s1 =	smul.u32 $0x5000, s1;
	s14 =	sshrl.u32 s0, $0x1  }
0x9: {  	s15 =	sshrl.u32 s13, $0x2;
	s0 =	ssub.s32 s0, s14;
	s6 =	sshrl.u32 s6, $0x3  }
0xa: {  	s1 =	sshrl.u32 s1, $0x3;
	s0 =	smax.u32 s0, $0x1;
	s6 =	sadd.s32 s6, s5  }
0xb: {  	s1 =	sadd.s32 s1, s5;
	[dreg:$0x9] =	wrdreg s0;
	s16 =	sadd.s32 $0x2C00, s6  }
0xc: {  	s7 =	sadd.s32 s8, s7;
	s17 =	sadd.s32 $0x16C00, s1;
	[dreg:$0x4] =	wrdreg s16  }
0xd: {  	s7 =	sshrl.u32 s7, $0x3;
	s6 =	sadd.s32 $0x2E80, s6;
	[dreg:$0x5] =	wrdreg s17  }
0xe: {  	s5 =	sadd.s32 s7, s5;
	s1 =	sadd.s32 $0x17100, s1;
	[dreg:$0x6] =	wrdreg s6  }
0xf: {  	s7 =	sadd.s32 s15, s3;
	s18 =	sadd.s32 $0x2AC00, s5;
	[dreg:$0x7] =	wrdreg s1  }
0x10: {  	s10 =	simm.s32 $0x7;
	s19 =	sadd.s32 $0x2000, s7;
	[dreg:$0x8] =	wrdreg s18  }
0x11: {  	s11 =	simm.s32 $0x8;
	s20 =	sadd.s32 $0x4000, s7;
	[dreg:$0xa] =	wrdreg s19  }
0x12: {  	s12 =	simm.s32 $0x3A00;
	s21 =	sadd.s32 $0x6000, s7;
	[dreg:$0xb] =	wrdreg s20  }
0x13: {  	s9 =	simm.s32 $0x6;
	s22 =	sadd.s32 $0x8000, s7;
	[dreg:$0xc] =	wrdreg s21  }
0x14: {  	s13 =	simm.s32 $0x3A80;
	s23 =	sadd.s32 $0xA000, s7;
	[dreg:$0xd] =	wrdreg s22  }
0x15: {  	s8 =	simm.s32 $0x5;
	s24 =	sadd.s32 $0xC000, s7;
	[dreg:$0xe] =	wrdreg s23  }
0x16: {  	s14 =	simm.s32 $0x3B00;
	s25 =	sadd.s32 $0xE000, s7;
	[dreg:$0xf] =	wrdreg s24  }
0x17: {  	s0 =	simm.s32 $0x2;
	s26 =	sadd.s32 $0x10000, s7;
	[dreg:$0x10] =	wrdreg s25  }
0x18: {  	s15 =	simm.s32 $0x0;
	s5 =	simm.s32 $0x3;
	[dreg:$0x11] =	wrdreg s26  }
0x19: {  	s20 =	sadd.s32 $0x12000, s7;
	s22 =	simm.s32 $0x17C00;
	s23 =	simm.s32 $0xA  }
0x1a: {  	s24 =	simm.s32 $0x9;
	s25 =	simm.s32 $0x40;
	s26 =	simm.s32 $0x19C00  }
0x1b: {  	v0 =	vimm.f32 $0.0e+00;
	s1 =	simm.s32 $0x1;
	s6 =	simm.s32 $0x4;
	s21 =	simm.s32 $0x3B80  }
.LBB2_1:
0x1c: {  	s16 =	rddreg [dreg:$0x4]  }
0x1d: {  	[tilespmem:s4], [sflag:$0x9] =	stream.linear.gather [hbm4b:s16+s4], $0x1400, $0x38;
	[tilespmem:$0x1FC00] =	vst v63  }
0x1e: {  	s19 =	rddreg [dreg:$0x5];
	s17 =	simm.s32 $0x1400;
	s18 =	sand.u32 $0x7E00, s4  }
0x1f: {  	[tilespmem:s17], [sflag:$0x9] =	stream.linear.gather [hbm4b:s19+s4], $0x2800, $0x38;
	[tilespmem:$0x1FC00] =	vst v63  }
0x20: {  	s18 =	sshrl.u32 s18, $0x2;
	s19 =	sand.u32 $0x70, s4  }
0x21: {  	s16 =	simm.s32 $0x40;
	s17 =	simm.s32 $0x0;
	s18 =	sor.u32 s19, s18  }
.LBB2_2:
0x22: {  	p0 =	sne.s32 s16, $0x7FC0  }
0x23: {  	[tilespmem:s18+$0x17C00] =	vst v0;
	s17 =	sadd.s32 $0x10, s17;
	s18 =	smov.u32 s16;
	s16 =	sadd.s32 $0x40, s16  }
.Ltmp0:
0x24: {  	(pc) =	sbr.rel @p0 .LBB2_2-.Ltmp0, $4  }
0x25: {  	_ = 	snop  }
0x26: {  	s18 =	sand.u32 $0x7E00, s18  }
0x27: {  	s19 =	sand.u32 $0x70, s17;
	s18 =	sshrl.u32 s18, $0x2  }
0x28: {  	s18 =	sor.u32 s19, s18  }
0x29: {  	[tilespmem:s18+$0x17C00] =	vst v0  }
0x2a: {  	[spmem:s7] =	stream.linear.scatter [tilespmem:s22], [sflag:$0xA], $0x2000, $0x38;
	[tilespmem:$0x1FC00] =	vst v63  }
0x2b: {  	_ =	swait.ge [sflag:s23], $0x2000  }
0x2c: {  	[sflag:s23] =	ssyncset.done $0x0  }
0x2d: {  	s16 =	rddreg [dreg:$0xa];
	[sflag:s23] =	ssyncadd.s32 $0xFFFFE000  }
0x2e: {  	[spmem:s16] =	stream.linear.scatter [tilespmem:s22], [sflag:$0xA], $0x2000, $0x38;
	[tilespmem:$0x1FC00] =	vst v63  }
0x2f: {  	_ =	swait.ge [sflag:s23], $0x2000  }
0x30: {  	[sflag:s23] =	ssyncset.done $0x0  }
0x31: {  	s17 =	rddreg [dreg:$0xb];
	[sflag:s23] =	ssyncadd.s32 $0xFFFFE000  }
0x32: {  	[spmem:s17] =	stream.linear.scatter [tilespmem:s22], [sflag:$0xA], $0x2000, $0x38;
	[tilespmem:$0x1FC00] =	vst v63  }
0x33: {  	_ =	swait.ge [sflag:s23], $0x2000  }
0x34: {  	[sflag:s23] =	ssyncset.done $0x0  }
0x35: {  	s18 =	rddreg [dreg:$0xc];
	[sflag:s23] =	ssyncadd.s32 $0xFFFFE000  }
0x36: {  	[spmem:s18] =	stream.linear.scatter [tilespmem:s22], [sflag:$0xA], $0x2000, $0x38;
	[tilespmem:$0x1FC00] =	vst v63  }
0x37: {  	_ =	swait.ge [sflag:s23], $0x2000  }
0x38: {  	[sflag:s23] =	ssyncset.done $0x0  }
0x39: {  	s19 =	rddreg [dreg:$0xd];
	[sflag:s23] =	ssyncadd.s32 $0xFFFFE000  }
0x3a: {  	[spmem:s19] =	stream.linear.scatter [tilespmem:s22], [sflag:$0xA], $0x2000, $0x38;
	[tilespmem:$0x1FC00] =	vst v63  }
0x3b: {  	_ =	swait.ge [sflag:s23], $0x2000  }
0x3c: {  	[sflag:s23] =	ssyncset.done $0x0  }
0x3d: {  	s17 =	rddreg [dreg:$0xe];
	[sflag:s23] =	ssyncadd.s32 $0xFFFFE000  }
0x3e: {  	[spmem:s17] =	stream.linear.scatter [tilespmem:s22], [sflag:$0xA], $0x2000, $0x38;
	[tilespmem:$0x1FC00] =	vst v63  }
0x3f: {  	_ =	swait.ge [sflag:s23], $0x2000  }
0x40: {  	[sflag:s23] =	ssyncset.done $0x0  }
0x41: {  	s18 =	rddreg [dreg:$0xf];
	[sflag:s23] =	ssyncadd.s32 $0xFFFFE000  }
0x42: {  	[spmem:s18] =	stream.linear.scatter [tilespmem:s22], [sflag:$0xA], $0x2000, $0x38;
	[tilespmem:$0x1FC00] =	vst v63  }
0x43: {  	_ =	swait.ge [sflag:s23], $0x2000  }
0x44: {  	[sflag:s23] =	ssyncset.done $0x0  }
0x45: {  	s19 =	rddreg [dreg:$0x10];
	[sflag:s23] =	ssyncadd.s32 $0xFFFFE000  }
0x46: {  	[spmem:s19] =	stream.linear.scatter [tilespmem:s22], [sflag:$0xA], $0x2000, $0x38;
	[tilespmem:$0x1FC00] =	vst v63  }
0x47: {  	_ =	swait.ge [sflag:s23], $0x2000  }
0x48: {  	[sflag:s23] =	ssyncset.done $0x0  }
0x49: {  	s17 =	rddreg [dreg:$0x11];
	[sflag:s23] =	ssyncadd.s32 $0xFFFFE000  }
0x4a: {  	[spmem:s17] =	stream.linear.scatter [tilespmem:s22], [sflag:$0xA], $0x2000, $0x38;
	[tilespmem:$0x1FC00] =	vst v63  }
0x4b: {  	_ =	swait.ge [sflag:s23], $0x2000  }
0x4c: {  	[sflag:s23] =	ssyncset.done $0x0  }
0x4d: {  	[sflag:s23] =	ssyncadd.s32 $0xFFFFE000  }
0x4e: {  	[spmem:s20] =	stream.linear.scatter [tilespmem:s22], [sflag:$0xA], $0x2000, $0x38;
	[tilespmem:$0x1FC00] =	vst v63  }
0x4f: {  	_ =	swait.ge [sflag:s23], $0x2000  }
0x50: {  	[sflag:s23] =	ssyncset.done $0x0  }
0x51: {  	[sflag:s23] =	ssyncadd.s32 $0xFFFFE000  }
0x52: {  	_ =	swait.ge [sflag:s24], $0x1400  }
0x53: {  	[sflag:s24] =	ssyncset.done $0x0  }
0x54: {  	[sflag:s24] =	ssyncadd.s32 $0xFFFFEC00  }
0x55: {  	_ =	swait.ge [sflag:s24], $0x2800  }
0x56: {  	[sflag:s24] =	ssyncset.done $0x0  }
0x57: {  	[sflag:s24] =	ssyncadd.s32 $0xFFFFD800  }
0x58: {  	s18 =	simm.s32 $0x0;
	[bflag:$0x0] =	sbarrier.arrive $0xFFFF  }
0x59: {  	[tilespmem:s22], [sflag:$0x1] =	stream.indirect.gather [hbm4b:s2+s25], $0x80, s18, s25, $0xb8;
	[tilespmem:$0x1FC00] =	vst v63  }
0x5a: {  	_ = 	snop  }
0x5b: {  	[tilespmem:s26], [sflag:$0x2] =	stream.indirect.gather [hbm4b:s2+s25], $0x80, s25, s25, $0xb8;
	[tilespmem:$0x1FC00] =	vst v63  }
0x5c: {  	_ = 	snop  }
0x5d: {  	[tilespmem:s29], [sflag:$0x3] =	stream.indirect.gather [hbm4b:s2+s25], $0x80, s28, s25, $0xb8;
	[tilespmem:$0x1FC00] =	vst v63  }
0x5e: {  	_ = 	snop  }
0x5f: {  	[tilespmem:s31], [sflag:$0x4] =	stream.indirect.gather [hbm4b:s2+s25], $0x80, s30, s25, $0xb8;
	[tilespmem:$0x1FC00] =	vst v63  }
0x60: {  	_ =	swait.ge [sflag:s1], $0x2000  }
0x61: {  	[sflag:s1] =	ssyncset.done $0x0  }
0x62: {  	s19 =	simm.s32 $0x1400;
	[sflag:s1] =	ssyncadd.s32 $0xFFFFE000  }
0x63: {  	[spmem:s3] =	stream.indirect.scatter.add.f32 [tilespmem:s22], [sflag:$0x5], $0x80, s19, s25, $0xb8;
	[tilespmem:$0x1FC00] =	vst v63  }
0x64: {  	_ =	swait.ge [sflag:s0], $0x2000  }
0x65: {  	[sflag:s0] =	ssyncset.done $0x0  }
0x66: {  	s17 =	simm.s32 $0x1480;
	[sflag:s0] =	ssyncadd.s32 $0xFFFFE000  }
0x67: {  	[spmem:s3] =	stream.indirect.scatter.add.f32 [tilespmem:s26], [sflag:$0x6], $0x80, s17, s25, $0xb8;
	[tilespmem:$0x1FC00] =	vst v63  }
0x68: {  	_ =	swait.ge [sflag:s5], $0x2000  }
0x69: {  	[sflag:s5] =	ssyncset.done $0x0  }
0x6a: {  	s18 =	simm.s32 $0x1500;
	[sflag:s5] =	ssyncadd.s32 $0xFFFFE000  }
0x6b: {  	[spmem:s3] =	stream.indirect.scatter.add.f32 [tilespmem:s29], [sflag:$0x7], $0x80, s18, s25, $0xb8;
	[tilespmem:$0x1FC00] =	vst v63  }
0x6c: {  	_ =	swait.ge [sflag:s6], $0x2000  }
0x6d: {  	[sflag:s6] =	ssyncset.done $0x0  }
0x6e: {  	s19 =	simm.s32 $0x1580;
	[sflag:s6] =	ssyncadd.s32 $0xFFFFE000  }
0x6f: {  	[spmem:s3] =	stream.indirect.scatter.add.f32 [tilespmem:s31], [sflag:$0x8], $0x80, s19, s25, $0xb8;
	[tilespmem:$0x1FC00] =	vst v63  }
0x70: {  	_ =	swait.ge [sflag:s8], $0x2000  }
0x71: {  	[sflag:s8] =	ssyncset.done $0x0  }
0x72: {  	s17 =	simm.s32 $0x100;
	[sflag:s8] =	ssyncadd.s32 $0xFFFFE000  }
0x73: {  	[tilespmem:s22], [sflag:$0x1] =	stream.indirect.gather [hbm4b:s2+s25], $0x80, s17, s25, $0xb8;
	[tilespmem:$0x1FC00] =	vst v63  }
0x74: {  	_ =	swait.ge [sflag:s9], $0x2000  }
0x75: {  	[sflag:s9] =	ssyncset.done $0x0  }
0x76: {  	s18 =	simm.s32 $0x140;
	[sflag:s9] =	ssyncadd.s32 $0xFFFFE000  }
0x77: {  	[tilespmem:s26], [sflag:$0x2] =	stream.indirect.gather [hbm4b:s2+s25], $0x80, s18, s25, $0xb8;
	[tilespmem:$0x1FC00] =	vst v63  }
0x78: {  	_ =	swait.ge [sflag:s10], $0x2000  }
0x79: {  	[sflag:s10] =	ssyncset.done $0x0  }
0x7a: {  	s19 =	simm.s32 $0x180;
	[sflag:s10] =	ssyncadd.s32 $0xFFFFE000  }
0x7b: {  	[tilespmem:s29], [sflag:$0x3] =	stream.indirect.gather [hbm4b:s2+s25], $0x80, s19, s25, $0xb8;
	[tilespmem:$0x1FC00] =	vst v63  }
0x7c: {  	_ =	swait.ge [sflag:s11], $0x2000  }
0x7d: {  	s16 =	simm.s32 $0x400;
	[sflag:s11] =	ssyncset.done $0x0  }
0x7e: {  	s17 =	simm.s32 $0x1780;
	s18 =	simm.s32 $0x1C0;
	[sflag:s11] =	ssyncadd.s32 $0xFFFFE000  }
.LBB2_4:
0x7f: {  	[tilespmem:s31], [sflag:$0x4] =	stream.indirect.gather [hbm4b:s2+s25], $0x80, s18, s25, $0xb8;
	[tilespmem:$0x1FC00] =	vst v63  }
0x80: {  	s18 =	smov.u32 s16  }
0x81: {  	p0 =	sne.s32 s16, $0x4800;
	s16 =	sadd.s32 $0x400, s16;
	_ =	swait.ge [sflag:s1], $0x2000  }
0x82: {  	[sflag:s1] =	ssyncset.done $0x0  }
0x83: {  	s19 =	sadd.s32 $0xFFFFFE80, s17;
	[sflag:s1] =	ssyncadd.s32 $0xFFFFE000  }
0x84: {  	[spmem:s3] =	stream.indirect.scatter.add.f32 [tilespmem:s22], [sflag:$0x5], $0x80, s19, s25, $0xb8;
	[tilespmem:$0x1FC00] =	vst v63  }
0x85: {  	_ =	swait.ge [sflag:s0], $0x2000  }
0x86: {  	[sflag:s0] =	ssyncset.done $0x0  }
0x87: {  	s19 =	sadd.s32 $0xFFFFFF00, s17;
	[sflag:s0] =	ssyncadd.s32 $0xFFFFE000  }
0x88: {  	[spmem:s3] =	stream.indirect.scatter.add.f32 [tilespmem:s26], [sflag:$0x6], $0x80, s19, s25, $0xb8;
	[tilespmem:$0x1FC00] =	vst v63  }
0x89: {  	_ =	swait.ge [sflag:s5], $0x2000  }
0x8a: {  	[sflag:s5] =	ssyncset.done $0x0  }
0x8b: {  	s19 =	sadd.s32 $0xFFFFFF80, s17;
	[sflag:s5] =	ssyncadd.s32 $0xFFFFE000  }
0x8c: {  	[spmem:s3] =	stream.indirect.scatter.add.f32 [tilespmem:s29], [sflag:$0x7], $0x80, s19, s25, $0xb8;
	[tilespmem:$0x1FC00] =	vst v63  }
0x8d: {  	_ =	swait.ge [sflag:s6], $0x2000  }
0x8e: {  	[sflag:s6] =	ssyncset.done $0x0  }
0x8f: {  	[sflag:s6] =	ssyncadd.s32 $0xFFFFE000  }
0x90: {  	[spmem:s3] =	stream.indirect.scatter.add.f32 [tilespmem:s31], [sflag:$0x8], $0x80, s17, s25, $0xb8;
	[tilespmem:$0x1FC00] =	vst v63  }
0x91: {  	_ =	swait.ge [sflag:s8], $0x2000  }
0x92: {  	s18 =	sshra.s32 s18, $0x2;
	[sflag:s8] =	ssyncset.done $0x0  }
0x93: {  	s19 =	sadd.s32 $0x100, s18;
	[sflag:s8] =	ssyncadd.s32 $0xFFFFE000  }
0x94: {  	[tilespmem:s22], [sflag:$0x1] =	stream.indirect.gather [hbm4b:s2+s25], $0x80, s19, s25, $0xb8;
	[tilespmem:$0x1FC00] =	vst v63  }
0x95: {  	_ =	swait.ge [sflag:s9], $0x2000  }
0x96: {  	[sflag:s9] =	ssyncset.done $0x0  }
0x97: {  	s19 =	sadd.s32 $0x140, s18;
	[sflag:s9] =	ssyncadd.s32 $0xFFFFE000  }
0x98: {  	[tilespmem:s26], [sflag:$0x2] =	stream.indirect.gather [hbm4b:s2+s25], $0x80, s19, s25, $0xb8;
	[tilespmem:$0x1FC00] =	vst v63  }
0x99: {  	_ =	swait.ge [sflag:s10], $0x2000  }
0x9a: {  	[sflag:s10] =	ssyncset.done $0x0  }
.Ltmp1:
0x9b: {  	s19 =	sadd.s32 $0x180, s18;
	[sflag:s10] =	ssyncadd.s32 $0xFFFFE000;
	(pc) =	sbr.rel @p0 .LBB2_4-.Ltmp1, $4  }
0x9c: {  	[tilespmem:s29], [sflag:$0x3] =	stream.indirect.gather [hbm4b:s2+s25], $0x80, s19, s25, $0xb8;
	[tilespmem:$0x1FC00] =	vst v63  }
0x9d: {  	_ =	swait.ge [sflag:s11], $0x2000  }
0x9e: {  	[sflag:s11] =	ssyncset.done $0x0  }
0x9f: {  	s17 =	sadd.s32 $0x200, s17;
	s18 =	sadd.s32 $0x1C0, s18;
	[sflag:s11] =	ssyncadd.s32 $0xFFFFE000  }
0xa0: {  	[tilespmem:s31], [sflag:$0x4] =	stream.indirect.gather [hbm4b:s2+s25], $0x80, s18, s25, $0xb8;
	[tilespmem:$0x1FC00] =	vst v63  }
0xa1: {  	_ =	swait.ge [sflag:s1], $0x2000  }
0xa2: {  	[sflag:s1] =	ssyncset.done $0x0  }
0xa3: {  	[sflag:s1] =	ssyncadd.s32 $0xFFFFE000  }
0xa4: {  	[spmem:s3] =	stream.indirect.scatter.add.f32 [tilespmem:s22], [sflag:$0x5], $0x80, s12, s25, $0xb8;
	[tilespmem:$0x1FC00] =	vst v63  }
0xa5: {  	_ =	swait.ge [sflag:s0], $0x2000  }
0xa6: {  	[sflag:s0] =	ssyncset.done $0x0  }
0xa7: {  	[sflag:s0] =	ssyncadd.s32 $0xFFFFE000  }
0xa8: {  	[spmem:s3] =	stream.indirect.scatter.add.f32 [tilespmem:s26], [sflag:$0x6], $0x80, s13, s25, $0xb8;
	[tilespmem:$0x1FC00] =	vst v63  }
0xa9: {  	_ =	swait.ge [sflag:s5], $0x2000  }
0xaa: {  	[sflag:s5] =	ssyncset.done $0x0  }
0xab: {  	[sflag:s5] =	ssyncadd.s32 $0xFFFFE000  }
0xac: {  	[spmem:s3] =	stream.indirect.scatter.add.f32 [tilespmem:s29], [sflag:$0x7], $0x80, s14, s25, $0xb8;
	[tilespmem:$0x1FC00] =	vst v63  }
0xad: {  	_ =	swait.ge [sflag:s6], $0x2000  }
0xae: {  	[sflag:s6] =	ssyncset.done $0x0  }
0xaf: {  	[sflag:s6] =	ssyncadd.s32 $0xFFFFE000  }
0xb0: {  	[spmem:s3] =	stream.indirect.scatter.add.f32 [tilespmem:s31], [sflag:$0x8], $0x80, s21, s25, $0xb8;
	[tilespmem:$0x1FC00] =	vst v63  }
0xb1: {  	_ =	swait.ge [sflag:s8], $0x2000  }
0xb2: {  	[sflag:s8] =	ssyncset.done $0x0  }
0xb3: {  	[sflag:s8] =	ssyncadd.s32 $0xFFFFE000  }
0xb4: {  	_ =	swait.ge [sflag:s9], $0x2000  }
0xb5: {  	[sflag:s9] =	ssyncset.done $0x0  }
0xb6: {  	[sflag:s9] =	ssyncadd.s32 $0xFFFFE000  }
0xb7: {  	_ =	swait.ge [sflag:s10], $0x2000  }
0xb8: {  	[sflag:s10] =	ssyncset.done $0x0  }
0xb9: {  	[sflag:s10] =	ssyncadd.s32 $0xFFFFE000  }
0xba: {  	_ =	swait.ge [sflag:s11], $0x2000  }
0xbb: {  	[sflag:s11] =	ssyncset.done $0x0  }
0xbc: {  	s16 =	simm.s32 $0x0;
	s17 =	rddreg [dreg:$0x6];
	[sflag:s11] =	ssyncadd.s32 $0xFFFFE000  }
0xbd: {  	[tilespmem:s16], [sflag:$0xA] =	stream.linear.gather [hbm4b:s17+s16], $0x1400, $0x38;
	[tilespmem:$0x1FC00] =	vst v63  }
0xbe: {  	_ =	swait.ge [sflag:s23], $0x1400  }
0xbf: {  	[sflag:s23] =	ssyncset.done $0x0  }
0xc0: {  	s19 =	simm.s32 $0x1400;
	s18 =	rddreg [dreg:$0x7];
	[sflag:s23] =	ssyncadd.s32 $0xFFFFEC00  }
0xc1: {  	[tilespmem:s19], [sflag:$0xA] =	stream.linear.gather [hbm4b:s18+s16], $0x2800, $0x38;
	[tilespmem:$0x1FC00] =	vst v63  }
0xc2: {  	_ =	swait.ge [sflag:s23], $0x2800  }
0xc3: {  	[sflag:s23] =	ssyncset.done $0x0  }
0xc4: {  	[sflag:s23] =	ssyncadd.s32 $0xFFFFD800  }
0xc5: {  	[tilespmem:s22], [sflag:$0x1] =	stream.indirect.gather [hbm4b:s2+s25], $0x80, s16, s25, $0xb8;
	[tilespmem:$0x1FC00] =	vst v63  }
0xc6: {  	_ = 	snop  }
0xc7: {  	[tilespmem:s26], [sflag:$0x2] =	stream.indirect.gather [hbm4b:s2+s25], $0x80, s25, s25, $0xb8;
	[tilespmem:$0x1FC00] =	vst v63  }
0xc8: {  	_ = 	snop  }
0xc9: {  	[tilespmem:s29], [sflag:$0x3] =	stream.indirect.gather [hbm4b:s2+s25], $0x80, s28, s25, $0xb8;
	[tilespmem:$0x1FC00] =	vst v63  }
0xca: {  	_ = 	snop  }
0xcb: {  	[tilespmem:s31], [sflag:$0x4] =	stream.indirect.gather [hbm4b:s2+s25], $0x80, s30, s25, $0xb8;
	[tilespmem:$0x1FC00] =	vst v63  }
0xcc: {  	_ =	swait.ge [sflag:s1], $0x2000  }
0xcd: {  	[sflag:s1] =	ssyncset.done $0x0  }
0xce: {  	s19 =	simm.s32 $0x1400;
	[sflag:s1] =	ssyncadd.s32 $0xFFFFE000  }
0xcf: {  	[spmem:s3] =	stream.indirect.scatter.add.f32 [tilespmem:s22], [sflag:$0x5], $0x80, s19, s25, $0xb8;
	[tilespmem:$0x1FC00] =	vst v63  }
0xd0: {  	_ =	swait.ge [sflag:s0], $0x2000  }
0xd1: {  	[sflag:s0] =	ssyncset.done $0x0  }
0xd2: {  	s17 =	simm.s32 $0x1480;
	[sflag:s0] =	ssyncadd.s32 $0xFFFFE000  }
0xd3: {  	[spmem:s3] =	stream.indirect.scatter.add.f32 [tilespmem:s26], [sflag:$0x6], $0x80, s17, s25, $0xb8;
	[tilespmem:$0x1FC00] =	vst v63  }
0xd4: {  	_ =	swait.ge [sflag:s5], $0x2000  }
0xd5: {  	[sflag:s5] =	ssyncset.done $0x0  }
0xd6: {  	s18 =	simm.s32 $0x1500;
	[sflag:s5] =	ssyncadd.s32 $0xFFFFE000  }
0xd7: {  	[spmem:s3] =	stream.indirect.scatter.add.f32 [tilespmem:s29], [sflag:$0x7], $0x80, s18, s25, $0xb8;
	[tilespmem:$0x1FC00] =	vst v63  }
0xd8: {  	_ =	swait.ge [sflag:s6], $0x2000  }
0xd9: {  	[sflag:s6] =	ssyncset.done $0x0  }
0xda: {  	s19 =	simm.s32 $0x1580;
	[sflag:s6] =	ssyncadd.s32 $0xFFFFE000  }
0xdb: {  	[spmem:s3] =	stream.indirect.scatter.add.f32 [tilespmem:s31], [sflag:$0x8], $0x80, s19, s25, $0xb8;
	[tilespmem:$0x1FC00] =	vst v63  }
0xdc: {  	_ =	swait.ge [sflag:s8], $0x2000  }
0xdd: {  	[sflag:s8] =	ssyncset.done $0x0  }
0xde: {  	s17 =	simm.s32 $0x100;
	[sflag:s8] =	ssyncadd.s32 $0xFFFFE000  }
0xdf: {  	[tilespmem:s22], [sflag:$0x1] =	stream.indirect.gather [hbm4b:s2+s25], $0x80, s17, s25, $0xb8;
	[tilespmem:$0x1FC00] =	vst v63  }
0xe0: {  	_ =	swait.ge [sflag:s9], $0x2000  }
0xe1: {  	[sflag:s9] =	ssyncset.done $0x0  }
0xe2: {  	s18 =	simm.s32 $0x140;
	[sflag:s9] =	ssyncadd.s32 $0xFFFFE000  }
0xe3: {  	[tilespmem:s26], [sflag:$0x2] =	stream.indirect.gather [hbm4b:s2+s25], $0x80, s18, s25, $0xb8;
	[tilespmem:$0x1FC00] =	vst v63  }
0xe4: {  	_ =	swait.ge [sflag:s10], $0x2000  }
0xe5: {  	[sflag:s10] =	ssyncset.done $0x0  }
0xe6: {  	s19 =	simm.s32 $0x180;
	[sflag:s10] =	ssyncadd.s32 $0xFFFFE000  }
0xe7: {  	[tilespmem:s29], [sflag:$0x3] =	stream.indirect.gather [hbm4b:s2+s25], $0x80, s19, s25, $0xb8;
	[tilespmem:$0x1FC00] =	vst v63  }
0xe8: {  	_ =	swait.ge [sflag:s11], $0x2000  }
0xe9: {  	s16 =	simm.s32 $0x400;
	[sflag:s11] =	ssyncset.done $0x0  }
0xea: {  	s17 =	simm.s32 $0x1780;
	s18 =	simm.s32 $0x1C0;
	[sflag:s11] =	ssyncadd.s32 $0xFFFFE000  }
.LBB2_6:
0xeb: {  	[tilespmem:s31], [sflag:$0x4] =	stream.indirect.gather [hbm4b:s2+s25], $0x80, s18, s25, $0xb8;
	[tilespmem:$0x1FC00] =	vst v63  }
0xec: {  	s18 =	smov.u32 s16  }
0xed: {  	p0 =	sne.s32 s16, $0x4800;
	s16 =	sadd.s32 $0x400, s16;
	_ =	swait.ge [sflag:s1], $0x2000  }
0xee: {  	[sflag:s1] =	ssyncset.done $0x0  }
0xef: {  	s19 =	sadd.s32 $0xFFFFFE80, s17;
	[sflag:s1] =	ssyncadd.s32 $0xFFFFE000  }
0xf0: {  	[spmem:s3] =	stream.indirect.scatter.add.f32 [tilespmem:s22], [sflag:$0x5], $0x80, s19, s25, $0xb8;
	[tilespmem:$0x1FC00] =	vst v63  }
0xf1: {  	_ =	swait.ge [sflag:s0], $0x2000  }
0xf2: {  	[sflag:s0] =	ssyncset.done $0x0  }
0xf3: {  	s19 =	sadd.s32 $0xFFFFFF00, s17;
	[sflag:s0] =	ssyncadd.s32 $0xFFFFE000  }
0xf4: {  	[spmem:s3] =	stream.indirect.scatter.add.f32 [tilespmem:s26], [sflag:$0x6], $0x80, s19, s25, $0xb8;
	[tilespmem:$0x1FC00] =	vst v63  }
0xf5: {  	_ =	swait.ge [sflag:s5], $0x2000  }
0xf6: {  	[sflag:s5] =	ssyncset.done $0x0  }
0xf7: {  	s19 =	sadd.s32 $0xFFFFFF80, s17;
	[sflag:s5] =	ssyncadd.s32 $0xFFFFE000  }
0xf8: {  	[spmem:s3] =	stream.indirect.scatter.add.f32 [tilespmem:s29], [sflag:$0x7], $0x80, s19, s25, $0xb8;
	[tilespmem:$0x1FC00] =	vst v63  }
0xf9: {  	_ =	swait.ge [sflag:s6], $0x2000  }
0xfa: {  	[sflag:s6] =	ssyncset.done $0x0  }
0xfb: {  	[sflag:s6] =	ssyncadd.s32 $0xFFFFE000  }
0xfc: {  	[spmem:s3] =	stream.indirect.scatter.add.f32 [tilespmem:s31], [sflag:$0x8], $0x80, s17, s25, $0xb8;
	[tilespmem:$0x1FC00] =	vst v63  }
0xfd: {  	_ =	swait.ge [sflag:s8], $0x2000  }
0xfe: {  	s18 =	sshra.s32 s18, $0x2;
	[sflag:s8] =	ssyncset.done $0x0  }
0xff: {  	s19 =	sadd.s32 $0x100, s18;
	[sflag:s8] =	ssyncadd.s32 $0xFFFFE000  }
0x100: {  	[tilespmem:s22], [sflag:$0x1] =	stream.indirect.gather [hbm4b:s2+s25], $0x80, s19, s25, $0xb8;
	[tilespmem:$0x1FC00] =	vst v63  }
0x101: {  	_ =	swait.ge [sflag:s9], $0x2000  }
0x102: {  	[sflag:s9] =	ssyncset.done $0x0  }
0x103: {  	s19 =	sadd.s32 $0x140, s18;
	[sflag:s9] =	ssyncadd.s32 $0xFFFFE000  }
0x104: {  	[tilespmem:s26], [sflag:$0x2] =	stream.indirect.gather [hbm4b:s2+s25], $0x80, s19, s25, $0xb8;
	[tilespmem:$0x1FC00] =	vst v63  }
0x105: {  	_ =	swait.ge [sflag:s10], $0x2000  }
0x106: {  	[sflag:s10] =	ssyncset.done $0x0  }
.Ltmp2:
0x107: {  	s19 =	sadd.s32 $0x180, s18;
	[sflag:s10] =	ssyncadd.s32 $0xFFFFE000;
	(pc) =	sbr.rel @p0 .LBB2_6-.Ltmp2, $4  }
0x108: {  	[tilespmem:s29], [sflag:$0x3] =	stream.indirect.gather [hbm4b:s2+s25], $0x80, s19, s25, $0xb8;
	[tilespmem:$0x1FC00] =	vst v63  }
0x109: {  	_ =	swait.ge [sflag:s11], $0x2000  }
0x10a: {  	[sflag:s11] =	ssyncset.done $0x0  }
0x10b: {  	s17 =	sadd.s32 $0x200, s17;
	s18 =	sadd.s32 $0x1C0, s18;
	[sflag:s11] =	ssyncadd.s32 $0xFFFFE000  }
0x10c: {  	[tilespmem:s31], [sflag:$0x4] =	stream.indirect.gather [hbm4b:s2+s25], $0x80, s18, s25, $0xb8;
	[tilespmem:$0x1FC00] =	vst v63  }
0x10d: {  	_ =	swait.ge [sflag:s1], $0x2000  }
0x10e: {  	[sflag:s1] =	ssyncset.done $0x0  }
0x10f: {  	[sflag:s1] =	ssyncadd.s32 $0xFFFFE000  }
0x110: {  	[spmem:s3] =	stream.indirect.scatter.add.f32 [tilespmem:s22], [sflag:$0x5], $0x80, s12, s25, $0xb8;
	[tilespmem:$0x1FC00] =	vst v63  }
0x111: {  	_ =	swait.ge [sflag:s0], $0x2000  }
0x112: {  	[sflag:s0] =	ssyncset.done $0x0  }
0x113: {  	[sflag:s0] =	ssyncadd.s32 $0xFFFFE000  }
0x114: {  	[spmem:s3] =	stream.indirect.scatter.add.f32 [tilespmem:s26], [sflag:$0x6], $0x80, s13, s25, $0xb8;
	[tilespmem:$0x1FC00] =	vst v63  }
0x115: {  	_ =	swait.ge [sflag:s5], $0x2000  }
0x116: {  	[sflag:s5] =	ssyncset.done $0x0  }
0x117: {  	[sflag:s5] =	ssyncadd.s32 $0xFFFFE000  }
0x118: {  	[spmem:s3] =	stream.indirect.scatter.add.f32 [tilespmem:s29], [sflag:$0x7], $0x80, s14, s25, $0xb8;
	[tilespmem:$0x1FC00] =	vst v63  }
0x119: {  	_ =	swait.ge [sflag:s6], $0x2000  }
0x11a: {  	[sflag:s6] =	ssyncset.done $0x0  }
0x11b: {  	[sflag:s6] =	ssyncadd.s32 $0xFFFFE000  }
0x11c: {  	[spmem:s3] =	stream.indirect.scatter.add.f32 [tilespmem:s31], [sflag:$0x8], $0x80, s21, s25, $0xb8;
	[tilespmem:$0x1FC00] =	vst v63  }
0x11d: {  	_ =	swait.ge [sflag:s8], $0x2000  }
0x11e: {  	[sflag:s8] =	ssyncset.done $0x0  }
0x11f: {  	[sflag:s8] =	ssyncadd.s32 $0xFFFFE000  }
0x120: {  	_ =	swait.ge [sflag:s9], $0x2000  }
0x121: {  	[sflag:s9] =	ssyncset.done $0x0  }
0x122: {  	[sflag:s9] =	ssyncadd.s32 $0xFFFFE000  }
0x123: {  	_ =	swait.ge [sflag:s10], $0x2000  }
0x124: {  	[sflag:s10] =	ssyncset.done $0x0  }
0x125: {  	[sflag:s10] =	ssyncadd.s32 $0xFFFFE000  }
0x126: {  	_ =	swait.ge [sflag:s11], $0x2000  }
0x127: {  	[sflag:s11] =	ssyncset.done $0x0  }
0x128: {  	s16 =	stileid.u32;
	[sflag:s11] =	ssyncadd.s32 $0xFFFFE000  }
0x129: {  	s16 =	sshll.u32 s16, $0x6;
	[bflag:$0x0] =	sbarrier.arrive $0xFFFF  }
0x12a: {  	s17 =	sshrl.u32 s7, $0x3;
	s16 =	sor.u32 $0x1C0A, s16;
	s19 =	rddreg [dreg:$0x8]  }
0x12b: {  	[hbm:s19], [sflag:s16] =	dma.local [spmem:s17], $0x2800  }
0x12c: {  	_ =	swait.ge [sflag:s23], $0x2800  }
0x12d: {  	s15 =	sadd.s32 $0x1, s15;
	s19 =	rddreg [dreg:$0x9]  }
0x12e: {  	p0 =	sne.s32 s15, s19  }
.Ltmp3:
0x12f: {  	_ = 	snop;
	(pc) =	sbr.rel @p0 .LBB2_1-.Ltmp3, $3  }
0x130: {  	_ =	sdelay $0x1  }
0x131: {  	[sflag:s23] =	ssyncset.done $0x0  }
0x132: {  	[sflag:s23] =	ssyncadd.s32 $0xFFFFD800  }
0x133: {  	_ =	sfence.sel $0x180000  }
0x134: {  	[bflag:$0x0] =	sbarrier.arrive $0xFFFF  }
0x135: {  	_ =	strace $0x9000004A  }
0x136: {  	s0 =	stileid.u32;
	[bflag:$0x2] =	sbarrier.arrive $0xFFFF  }
0x137: {  	p0 =	sne.s32 s0, $0x0;
	s0 =	rddreg [dreg:$0x3]  }
0x138: {  	s0 =	sadd.s32 @!p0 $0x100000, s0  }
0x139: {  	[sflag:s0] =	ssyncadd.tile.s32 @!p0 $0x1;
	_ =	shalt  }
.Lfunc_end2:
_tile_overlayer_lowered:
.L_overlay_start_2:
0x13a: {  	(tag) =	ssettag $0x2  }
0x13b: {  	s0 =	rddreg [dreg:$0x0];
	s2 =	stileid.u32  }
0x13c: {  	s1 =	rddreg [dreg:$0x1];
	p0 =	sne.s32 s2, $0x0  }
0x13d: {  	s3 =	rddreg [dreg:$0x2];
	[bflag:$0x3] =	sbarrier.arrive $0xFFFF;
	s2 =	simm.s32 @!p0 $0x1C0A  }
0x13e: {  	[timem:s3], [sflag:s2] =	dma.local @!p0 [hbm:s0], s1  }
0x13f: {  	s0 =	simm.s32 @!p0 $0xA  }
0x140: {  	_ =	swait.ge @!p0 [sflag:s0], s1  }
0x141: {  	s1 =	ssub.s32 @!p0 $0x0, s1;
	[sflag:s0] =	ssyncset.done @!p0 $0x0  }
0x142: {  	[sflag:s0] =	ssyncadd.s32 @!p0 s1  }
0x143: {  	[bflag:$0x3] =	sbarrier.arrive $0xFFFF  }
0x144: {  	_ =	shalt  }

// kernel: kernel.14.cloned.1.call-start
scs
__scs_entry_jumppad:
0x0: {  	(pc) =	sbr.rel $0x88, $3  }
0x1: {  	(tag) =	ssettag $0x0;
	lr =	simm.s32 $0x1  }
0x2: {  	[smem:$0x3F9B] =	sst lr;
	_ =	strace $0xD0000000  }
0x3: {  	_ = 	snop  }
0x4: {  	_ = 	snop  }
0x5: {  	_ = 	snop  }
0x6: {  	_ = 	snop  }
0x7: {  	_ = 	snop  }
__scs_overlays_trampoline_lowered:
0x8: {  	[smem:$0x3FAA] =	sst s0  }
0x9: {  	[smem:$0x3FAB] =	sst s1  }
0xa: {  	[smem:$0x3FAC] =	sst s2  }
0xb: {  	[smem:$0x3FAD] =	sst s3  }
0xc: {  	[smem:$0x3FAE] =	sst s4  }
0xd: {  	[smem:$0x3FAF] =	sst s5  }
0xe: {  	[smem:$0x3FB0] =	sst s6  }
0xf: {  	[smem:$0x3FB1] =	sst s7  }
0x10: {  	[smem:$0x3FB2] =	sst s8  }
0x11: {  	[smem:$0x3FB3] =	sst s9;
	s0 =	simm.s32 @!p0 $0x0  }
0x12: {  	s1 =	sld [smem:$0x3F99];
	s0 =	simm.s32 @p0 $0x1  }
0x13: {  	[smem:$0x3FB4] =	sst s0;
	s0 =	simm.s32 @!p1 $0x0  }
0x14: {  	s2 =	sld [smem:$0x3F98];
	s0 =	simm.s32 @p1 $0x1  }
0x15: {  	[smem:$0x3FB5] =	sst s0;
	s0 =	simm.s32 @!p2 $0x0  }
0x16: {  	s3 =	sld [smem:$0x3FDB];
	s0 =	simm.s32 @p2 $0x1  }
0x17: {  	s4 =	simm.s32 $0x1BF5;
	[smem:$0x3FB7] =	sst s0  }
0x18: {  	s0 =	sld [smem:$0x3F9A];
	_ =	swait.ge [sflag:s4], $0x0  }
0x19: {  	s7 =	sld [smem:$0x3F9B]  }
0x1a: {  	s8 =	sadd.s32 $0xFFFFE003, lr  }
0x1b: {  	s9 =	sadd.s32 $0xFFFFFEF7, lr;
	s5 =	simm.s32 $0xFFFFFFFF;
	p2 =	slt.u32 s8, $0xFFFFF086  }
0x1c: {  	p1 =	slt.u32 s9, $0xF7A;
	s5 =	simm.s32 @!p2 $0x0  }
0x1d: {  	s5 =	simm.s32 @p1 $0x1;
	p0 =	seq.s32 s7, s2  }
0x1e: {  	s7 =	smul.u32 @!p0 $0xF7A, s2;
	p2 =	seq.s32 @!p0 s5, $0x0  }
0x1f: {  	s9 =	smul.u32 $0xF7A, s1;
	s8 =	simm.s32 @!p0 $0x1BF5;
	p2 =	por !p2, p0  }
0x20: {  	[sflag:s8] =	ssyncset.s32 @!p0 $0xFFFFF086;
	s6 =	sadd.s32 @!p0 s3, s7;
	s7 =	simm.s32 @!p0 $0x108  }
0x21: {  	s3 =	sadd.s32 s3, s9;
	s6 =	sadd.s32 @!p0 $0x88, s6;
	s7 =	simm.s32 @p2 $0x1082  }
0x22: {  	[simem:s7], [sflag:s8] =	dma.local @!p0 [hbm:s6], $0xF7A  }
0x23: {  	s9 =	sor.u32 $0xD0000000, s2;
	s6 =	simm.s32 $0x108;
	_ =	swait.ge @!p0 [sflag:s8], $0x0  }
0x24: {  	s3 =	sadd.s32 $0x88, s3;
	s6 =	simm.s32 @!p1 $0x1082;
	[sflag:s4] =	ssyncset.s32 $0xFFFFF086  }
0x25: {  	[simem:s6], [sflag:s4] =	dma.local [hbm:s3], $0xF7A  }
0x26: {  	[smem:$0x3F9B] =	sst s1;
	(tag) =	ssettag s2;
	_ =	strace s9  }
0x27: {  	s1 =	sld [smem:$0x3FAB]  }
0x28: {  	s2 =	sld [smem:$0x3FAC]  }
0x29: {  	s4 =	sld [smem:$0x3FAE]  }
0x2a: {  	p0 =	seq.s32 s5, $0x0;
	s5 =	sld [smem:$0x3FAF]  }
0x2b: {  	s6 =	sld [smem:$0x3FB0]  }
0x2c: {  	s7 =	sld [smem:$0x3FB1]  }
0x2d: {  	s3 =	simm.s32 $0x108;
	s8 =	sld [smem:$0x3FB2]  }
0x2e: {  	s3 =	simm.s32 @!p0 $0x1082;
	s9 =	sld [smem:$0x3FB3]  }
0x2f: {  	lr =	sadd.s32 s0, s3;
	s0 =	sld [smem:$0x3FAA]  }
0x30: {  	s3 =	sld [smem:$0x3FAD]  }
0x31: {  	[smem:$0x3FB6] =	sst s10  }
0x32: {  	s10 =	sld [smem:$0x3FB4];
	_ =	sdelay $0x3  }
0x33: {  	p0 =	seq.s32 s10, $0x1;
	s10 =	sld [smem:$0x3FB6];
	_ =	sdelay $0x3  }
0x34: {  	[smem:$0x3FB6] =	sst s10  }
0x35: {  	s10 =	sld [smem:$0x3FB5];
	_ =	sdelay $0x3  }
0x36: {  	p1 =	seq.s32 s10, $0x1;
	s10 =	sld [smem:$0x3FB6];
	_ =	sdelay $0x3  }
0x37: {  	[smem:$0x3FB6] =	sst s10  }
0x38: {  	s10 =	sld [smem:$0x3FB7]  }
0x39: {  	_ = 	snop;
	(pc) =	sbr.ind lr, $3  }
0x3a: {  	_ = 	snop  }
0x3b: {  	_ = 	snop  }
0x3c: {  	p2 =	seq.s32 s10, $0x1;
	s10 =	sld [smem:$0x3FB6]  }
0x3d: {  	_ =	shalt  }
0x3e: {  	_ =	shalt  }
0x3f: {  	_ =	shalt  }
0x40: {  	_ =	shalt  }
0x41: {  	_ =	shalt  }
0x42: {  	_ =	shalt  }
0x43: {  	_ =	shalt  }
0x44: {  	_ =	shalt  }
0x45: {  	_ =	shalt  }
0x46: {  	_ =	shalt  }
0x47: {  	_ =	shalt  }
0x48: {  	_ =	shalt  }
0x49: {  	_ =	shalt  }
0x4a: {  	_ =	shalt  }
0x4b: {  	_ =	shalt  }
0x4c: {  	_ =	shalt  }
0x4d: {  	_ =	shalt  }
0x4e: {  	_ =	shalt  }
0x4f: {  	_ =	shalt  }
0x50: {  	_ =	shalt  }
0x51: {  	_ =	shalt  }
0x52: {  	_ =	shalt  }
0x53: {  	_ =	shalt  }
0x54: {  	_ =	shalt  }
0x55: {  	_ =	shalt  }
0x56: {  	_ =	shalt  }
0x57: {  	_ =	shalt  }
0x58: {  	_ =	shalt  }
0x59: {  	_ =	shalt  }
0x5a: {  	_ =	shalt  }
0x5b: {  	_ =	shalt  }
0x5c: {  	_ =	shalt  }
0x5d: {  	_ =	shalt  }
0x5e: {  	_ =	shalt  }
0x5f: {  	_ =	shalt  }
0x60: {  	_ =	shalt  }
0x61: {  	_ =	shalt  }
0x62: {  	_ =	shalt  }
0x63: {  	_ =	shalt  }
0x64: {  	_ =	shalt  }
0x65: {  	_ =	shalt  }
0x66: {  	_ =	shalt  }
0x67: {  	_ =	shalt  }
0x68: {  	_ =	shalt  }
0x69: {  	_ =	shalt  }
0x6a: {  	_ =	shalt  }
0x6b: {  	_ =	shalt  }
0x6c: {  	_ =	shalt  }
0x6d: {  	_ =	shalt  }
0x6e: {  	_ =	shalt  }
0x6f: {  	_ =	shalt  }
0x70: {  	_ =	shalt  }
0x71: {  	_ =	shalt  }
0x72: {  	_ =	shalt  }
0x73: {  	_ =	shalt  }
0x74: {  	_ =	shalt  }
0x75: {  	_ =	shalt  }
0x76: {  	_ =	shalt  }
0x77: {  	_ =	shalt  }
0x78: {  	_ =	shalt  }
0x79: {  	_ =	shalt  }
0x7a: {  	_ =	shalt  }
0x7b: {  	_ =	shalt  }
0x7c: {  	_ =	shalt  }
0x7d: {  	_ =	shalt  }
0x7e: {  	_ =	shalt  }
0x7f: {  	_ =	shalt  }
0x80: {  	_ =	shalt  }
0x81: {  	_ =	shalt  }
0x82: {  	_ =	shalt  }
0x83: {  	_ =	shalt  }
0x84: {  	_ =	shalt  }
0x85: {  	_ =	shalt  }
0x86: {  	_ =	shalt  }
0x87: {  	_ =	shalt  }
.Lfunc_end0:
.L_simem_size_0:
called_computation.2_lowered:
.L_overlay_start_0:
0x88: {  	s2 =	sld [smem:$0x3FD9]  }
0x89: {  	s3 =	sld [smem:$0x3FFE];
	_ =	sdelay $0x1  }
0x8a: {  	s1 =	srdreg.scid  }
0x8b: {  	s0 =	sand.u32 $0x1, s1  }
0x8c: {  	s17 =	sshll.u32 s0, $0xA;
	s2 =	sadd.s32 s3, s2  }
0x8d: {  	s2 =	sadd.s32 s2, s17  }
0x8e: {  	[smem:$0x3FC2] =	sst s2  }
0x8f: {  	_ = 	snop  }
0x90: {  	s2 =	sld [smem:$0x3FD0];
	(tm) =	ssettm $0x1  }
0x91: {  	s18 =	sld [smem:$0x3FFB];
	_ =	sdelay $0x3  }
0x92: {  	_ =	strace s18  }
0x93: {  	s3 =	sld [smem:$0x3FFC];
	_ =	sdelay $0x3  }
0x94: {  	_ =	strace s3  }
0x95: {  	s3 =	sld [smem:$0x3FFD];
	_ =	sdelay $0x3  }
0x96: {  	_ =	strace s3  }
0x97: {  	_ =	strace $0x8FFFFFFF  }
0x98: {  	s19 =	sld [smem:$0x3FDB];
	_ =	sdelay $0x1  }
0x99: {  	s4 =	simm.s32 $_scs_section_size  }
0x9a: {  	s5 =	simm.s32 $_size__tile_overlayer_lowered;
	s6 =	simm.s32 $_tile_overlayer_lowered  }
0x9b: {  	s22 =	simm.s32 $0x1BFF;
	s21 =	sshll.u32 s6, $0x1;
	s3 =	sadd.s32 s4, s19  }
0x9c: {  	s7 =	simm.s32 $0x0;
	s20 =	sshll.u32 s5, $0x1;
	s5 =	sadd.s32 s21, s3  }
0x9d: {  	[timem:s7], [sflag:s22] =	dma.local [hbm:s5], s20  }
0x9e: {  	_ =	swait.ge [sflag:s22], s20  }
0x9f: {  	s4 =	ssub.s32 $0x0, s20;
	[sflag:s22] =	ssyncset.done $0x0  }
0xa0: {  	[sflag:s22] =	ssyncadd.s32 s4;
	_ =	sdelay $0x1  }
0xa1: {  	s23 =	simm.s32 $0x1B8B  }
0xa2: {  	_ =	swait.ge [sflag:s23], $0x1  }
0xa3: {  	[sflag:s23] =	ssyncset.done $0x0  }
0xa4: {  	s25 =	simm.s32 $0x1B8E;
	s24 =	sld [smem:$0x3FFE];
	[sflag:s23] =	ssyncadd.s32 $0xFFFFFFFF  }
0xa5: {  	s26 =	simm.s32 $execute0_lowered;
	[smem:$0x3FD2] =	sst s25  }
0xa6: {  	s5 =	sshll.u32 s26, $0x1;
	_ =	strace $0x8000004C;
	[dreg:$0x1] =	wrdreg $0xFFFFFFFF  }
0xa7: {  	s28 =	simm.s32 $_size_execute0_lowered;
	s3 =	sadd.s32 s3, s5;
	[dreg:$0x0] =	wrdreg $0x0  }
0xa8: {  	s5 =	sshll.u32 s28, $0x1;
	[dreg:$0x2] =	wrdreg s3  }
0xa9: {  	[dreg:$0x3] =	wrdreg s5  }
0xaa: {  	[dreg:$0x4] =	wrdreg $0xC0  }
0xab: {  	_ =	task [dreg:s7], $0x5FFFF  }
0xac: {  	[dreg:$0x1] =	wrdreg $0xFFFFFFFF  }
0xad: {  	[dreg:$0x0] =	wrdreg $0x60  }
0xae: {  	[dreg:$0x2] =	wrdreg s2  }
0xaf: {  	[dreg:$0x3] =	wrdreg s24  }
0xb0: {  	[dreg:$0x4] =	wrdreg $0x3C000  }
0xb1: {  	[dreg:$0x5] =	wrdreg $0x9  }
0xb2: {  	_ =	task.clear_ibuf [dreg:s7], $0x6FFFF;
	_ =	strace $0x9000004C  }
0xb3: {  	s29 =	simm.s32 $0x9;
	_ =	strace $0x8000004E  }
0xb4: {  	_ =	swait.ge [sflag:s29], $0x1  }
0xb5: {  	[sflag:s29] =	ssyncadd.s32 $0xFFFFFFFF  }
0xb6: {  	_ =	strace $0x9000004E  }
0xb7: {  	_ =	sfence  }
0xb8: {  	s30 =	sld [smem:$0x0];
	_ =	sdelay $0x2  }
0xb9: {  	s31 =	sshll.u32 s1, $0xD;
	s1 =	sshrl.u32 s1, $0x2  }
0xba: {  	s3 =	sand.u32 $0x4000, s31;
	s1 =	sadd.s32 s1, s30  }
0xbb: {  	s0 =	sor.u32 s3, s0;
	s1 =	sshll.u32 s1, $0x11  }
0xbc: {  	s0 =	sor.u32 s1, s0  }
0xbd: {  	s0 =	sadd.s32 $0x8F2B, s0  }
0xbe: {  	[sflag:s0] =	ssyncadd.remote.s32 $0x1  }
0xbf: {  	_ =	sfence.sel $0xFFFF  }
0xc0: {  	[dreg:$0x0] =	wrdreg $0xFFFFFFFF;
	(pc) =	sbr.abs _section_cstart, $3  }
0xc1: {  	[dreg:$0x1] =	wrdreg $0xFFFFFFFF  }
0xc2: {  	_ =	task.clear_ibuf [dreg:s7], $0x2FFFF;
	_ =	strace $0x9FFFFFFF  }
0xc3: {  	(tm) =	ssettm $0x7FFFFFFF  }
tec
execute0_lowered:
.L_overlay_start_1:
0x0: {  	(tag) =	ssettag $0x1  }
0x1: {  	s0 =	srdreg.scid;
	s2 =	rddreg [dreg:$0x0]  }
0x2: {  	s9 =	stileid.u32;
	s5 =	rddreg [dreg:$0x1]  }
0x3: {  	s3 =	rddreg [dreg:$0x2];
	s4 =	simm.s32 $0x0;
	s28 =	simm.s32 $0x80  }
0x4: {  	s29 =	simm.s32 $0x1BC00;
	s30 =	simm.s32 $0xC0;
	s8 =	smul.u32 $0x14000, s9  }
0x5: {  	s0 =	sand.u32 $0x1, s0;
	s1 =	sshll.u32 s9, $0x1;
	s13 =	smul.u32 $0x50000, s9  }
0x6: {  	s31 =	simm.s32 $0x1DC00;
	s1 =	sor.u32 s0, s1;
	s7 =	smul.u32 $0x140000, s0  }
0x7: {  	[smem:$0x7FF] =	sst s4;
	s0 =	ssub.s32 $0x2, s0;
	s6 =	smul.u32 $0x2800, s1  }
0x8: {  	_ =	strace $0x8000004D;
	s1 =	smul.u32 $0x5000, s1;
	s14 =	sshrl.u32 s0, $0x1  }
0x9: {  	s15 =	sshrl.u32 s13, $0x2;
	s0 =	ssub.s32 s0, s14;
	s6 =	sshrl.u32 s6, $0x3  }
0xa: {  	s1 =	sshrl.u32 s1, $0x3;
	s0 =	smax.u32 s0, $0x1;
	s6 =	sadd.s32 s6, s5  }
0xb: {  	s1 =	sadd.s32 s1, s5;
	[dreg:$0x9] =	wrdreg s0;
	s16 =	sadd.s32 $0x2C00, s6  }
0xc: {  	s7 =	sadd.s32 s8, s7;
	s17 =	sadd.s32 $0x16C00, s1;
	[dreg:$0x4] =	wrdreg s16  }
0xd: {  	s7 =	sshrl.u32 s7, $0x3;
	s6 =	sadd.s32 $0x2E80, s6;
	[dreg:$0x5] =	wrdreg s17  }
0xe: {  	s5 =	sadd.s32 s7, s5;
	s1 =	sadd.s32 $0x17100, s1;
	[dreg:$0x6] =	wrdreg s6  }
0xf: {  	s7 =	sadd.s32 s15, s3;
	s18 =	sadd.s32 $0x2AC00, s5;
	[dreg:$0x7] =	wrdreg s1  }
0x10: {  	s10 =	simm.s32 $0x7;
	s19 =	sadd.s32 $0x2000, s7;
	[dreg:$0x8] =	wrdreg s18  }
0x11: {  	s11 =	simm.s32 $0x8;
	s20 =	sadd.s32 $0x4000, s7;
	[dreg:$0xa] =	wrdreg s19  }
0x12: {  	s12 =	simm.s32 $0x3A00;
	s21 =	sadd.s32 $0x6000, s7;
	[dreg:$0xb] =	wrdreg s20  }
0x13: {  	s9 =	simm.s32 $0x6;
	s22 =	sadd.s32 $0x8000, s7;
	[dreg:$0xc] =	wrdreg s21  }
0x14: {  	s13 =	simm.s32 $0x3A80;
	s23 =	sadd.s32 $0xA000, s7;
	[dreg:$0xd] =	wrdreg s22  }
0x15: {  	s8 =	simm.s32 $0x5;
	s24 =	sadd.s32 $0xC000, s7;
	[dreg:$0xe] =	wrdreg s23  }
0x16: {  	s14 =	simm.s32 $0x3B00;
	s25 =	sadd.s32 $0xE000, s7;
	[dreg:$0xf] =	wrdreg s24  }
0x17: {  	s0 =	simm.s32 $0x2;
	s26 =	sadd.s32 $0x10000, s7;
	[dreg:$0x10] =	wrdreg s25  }
0x18: {  	s15 =	simm.s32 $0x0;
	s5 =	simm.s32 $0x3;
	[dreg:$0x11] =	wrdreg s26  }
0x19: {  	s20 =	sadd.s32 $0x12000, s7;
	s22 =	simm.s32 $0x17C00;
	s23 =	simm.s32 $0xA  }
0x1a: {  	s24 =	simm.s32 $0x9;
	s25 =	simm.s32 $0x40;
	s26 =	simm.s32 $0x19C00  }
0x1b: {  	v0 =	vimm.f32 $0.0e+00;
	s1 =	simm.s32 $0x1;
	s6 =	simm.s32 $0x4;
	s21 =	simm.s32 $0x3B80  }
.LBB2_1:
0x1c: {  	s16 =	rddreg [dreg:$0x4]  }
0x1d: {  	[tilespmem:s4], [sflag:$0x9] =	stream.linear.gather [hbm4b:s16+s4], $0x1400, $0x38;
	[tilespmem:$0x1FC00] =	vst v63  }
0x1e: {  	s19 =	rddreg [dreg:$0x5];
	s17 =	simm.s32 $0x1400;
	s18 =	sand.u32 $0x7E00, s4  }
0x1f: {  	[tilespmem:s17], [sflag:$0x9] =	stream.linear.gather [hbm4b:s19+s4], $0x2800, $0x38;
	[tilespmem:$0x1FC00] =	vst v63  }
0x20: {  	s18 =	sshrl.u32 s18, $0x2;
	s19 =	sand.u32 $0x70, s4  }
0x21: {  	s16 =	simm.s32 $0x40;
	s17 =	simm.s32 $0x0;
	s18 =	sor.u32 s19, s18  }
.LBB2_2:
0x22: {  	p0 =	sne.s32 s16, $0x7FC0  }
0x23: {  	[tilespmem:s18+$0x17C00] =	vst v0;
	s17 =	sadd.s32 $0x10, s17;
	s18 =	smov.u32 s16;
	s16 =	sadd.s32 $0x40, s16  }
.Ltmp0:
0x24: {  	(pc) =	sbr.rel @p0 .LBB2_2-.Ltmp0, $4  }
0x25: {  	_ = 	snop  }
0x26: {  	s18 =	sand.u32 $0x7E00, s18  }
0x27: {  	s19 =	sand.u32 $0x70, s17;
	s18 =	sshrl.u32 s18, $0x2  }
0x28: {  	s18 =	sor.u32 s19, s18  }
0x29: {  	[tilespmem:s18+$0x17C00] =	vst v0  }
0x2a: {  	[spmem:s7] =	stream.linear.scatter [tilespmem:s22], [sflag:$0xA], $0x2000, $0x38;
	[tilespmem:$0x1FC00] =	vst v63  }
0x2b: {  	_ =	swait.ge [sflag:s23], $0x2000  }
0x2c: {  	[sflag:s23] =	ssyncset.done $0x0  }
0x2d: {  	s16 =	rddreg [dreg:$0xa];
	[sflag:s23] =	ssyncadd.s32 $0xFFFFE000  }
0x2e: {  	[spmem:s16] =	stream.linear.scatter [tilespmem:s22], [sflag:$0xA], $0x2000, $0x38;
	[tilespmem:$0x1FC00] =	vst v63  }
0x2f: {  	_ =	swait.ge [sflag:s23], $0x2000  }
0x30: {  	[sflag:s23] =	ssyncset.done $0x0  }
0x31: {  	s17 =	rddreg [dreg:$0xb];
	[sflag:s23] =	ssyncadd.s32 $0xFFFFE000  }
0x32: {  	[spmem:s17] =	stream.linear.scatter [tilespmem:s22], [sflag:$0xA], $0x2000, $0x38;
	[tilespmem:$0x1FC00] =	vst v63  }
0x33: {  	_ =	swait.ge [sflag:s23], $0x2000  }
0x34: {  	[sflag:s23] =	ssyncset.done $0x0  }
0x35: {  	s18 =	rddreg [dreg:$0xc];
	[sflag:s23] =	ssyncadd.s32 $0xFFFFE000  }
0x36: {  	[spmem:s18] =	stream.linear.scatter [tilespmem:s22], [sflag:$0xA], $0x2000, $0x38;
	[tilespmem:$0x1FC00] =	vst v63  }
0x37: {  	_ =	swait.ge [sflag:s23], $0x2000  }
0x38: {  	[sflag:s23] =	ssyncset.done $0x0  }
0x39: {  	s19 =	rddreg [dreg:$0xd];
	[sflag:s23] =	ssyncadd.s32 $0xFFFFE000  }
0x3a: {  	[spmem:s19] =	stream.linear.scatter [tilespmem:s22], [sflag:$0xA], $0x2000, $0x38;
	[tilespmem:$0x1FC00] =	vst v63  }
0x3b: {  	_ =	swait.ge [sflag:s23], $0x2000  }
0x3c: {  	[sflag:s23] =	ssyncset.done $0x0  }
0x3d: {  	s17 =	rddreg [dreg:$0xe];
	[sflag:s23] =	ssyncadd.s32 $0xFFFFE000  }
0x3e: {  	[spmem:s17] =	stream.linear.scatter [tilespmem:s22], [sflag:$0xA], $0x2000, $0x38;
	[tilespmem:$0x1FC00] =	vst v63  }
0x3f: {  	_ =	swait.ge [sflag:s23], $0x2000  }
0x40: {  	[sflag:s23] =	ssyncset.done $0x0  }
0x41: {  	s18 =	rddreg [dreg:$0xf];
	[sflag:s23] =	ssyncadd.s32 $0xFFFFE000  }
0x42: {  	[spmem:s18] =	stream.linear.scatter [tilespmem:s22], [sflag:$0xA], $0x2000, $0x38;
	[tilespmem:$0x1FC00] =	vst v63  }
0x43: {  	_ =	swait.ge [sflag:s23], $0x2000  }
0x44: {  	[sflag:s23] =	ssyncset.done $0x0  }
0x45: {  	s19 =	rddreg [dreg:$0x10];
	[sflag:s23] =	ssyncadd.s32 $0xFFFFE000  }
0x46: {  	[spmem:s19] =	stream.linear.scatter [tilespmem:s22], [sflag:$0xA], $0x2000, $0x38;
	[tilespmem:$0x1FC00] =	vst v63  }
0x47: {  	_ =	swait.ge [sflag:s23], $0x2000  }
0x48: {  	[sflag:s23] =	ssyncset.done $0x0  }
0x49: {  	s17 =	rddreg [dreg:$0x11];
	[sflag:s23] =	ssyncadd.s32 $0xFFFFE000  }
0x4a: {  	[spmem:s17] =	stream.linear.scatter [tilespmem:s22], [sflag:$0xA], $0x2000, $0x38;
	[tilespmem:$0x1FC00] =	vst v63  }
0x4b: {  	_ =	swait.ge [sflag:s23], $0x2000  }
0x4c: {  	[sflag:s23] =	ssyncset.done $0x0  }
0x4d: {  	[sflag:s23] =	ssyncadd.s32 $0xFFFFE000  }
0x4e: {  	[spmem:s20] =	stream.linear.scatter [tilespmem:s22], [sflag:$0xA], $0x2000, $0x38;
	[tilespmem:$0x1FC00] =	vst v63  }
0x4f: {  	_ =	swait.ge [sflag:s23], $0x2000  }
0x50: {  	[sflag:s23] =	ssyncset.done $0x0  }
0x51: {  	[sflag:s23] =	ssyncadd.s32 $0xFFFFE000  }
0x52: {  	_ =	swait.ge [sflag:s24], $0x1400  }
0x53: {  	[sflag:s24] =	ssyncset.done $0x0  }
0x54: {  	[sflag:s24] =	ssyncadd.s32 $0xFFFFEC00  }
0x55: {  	_ =	swait.ge [sflag:s24], $0x2800  }
0x56: {  	[sflag:s24] =	ssyncset.done $0x0  }
0x57: {  	[sflag:s24] =	ssyncadd.s32 $0xFFFFD800  }
0x58: {  	s18 =	simm.s32 $0x0;
	[bflag:$0x0] =	sbarrier.arrive $0xFFFF  }
0x59: {  	[tilespmem:s22], [sflag:$0x1] =	stream.indirect.gather [hbm4b:s2+s25], $0x80, s18, s25, $0xb8;
	[tilespmem:$0x1FC00] =	vst v63  }
0x5a: {  	_ = 	snop  }
0x5b: {  	[tilespmem:s26], [sflag:$0x2] =	stream.indirect.gather [hbm4b:s2+s25], $0x80, s25, s25, $0xb8;
	[tilespmem:$0x1FC00] =	vst v63  }
0x5c: {  	_ = 	snop  }
0x5d: {  	[tilespmem:s29], [sflag:$0x3] =	stream.indirect.gather [hbm4b:s2+s25], $0x80, s28, s25, $0xb8;
	[tilespmem:$0x1FC00] =	vst v63  }
0x5e: {  	_ = 	snop  }
0x5f: {  	[tilespmem:s31], [sflag:$0x4] =	stream.indirect.gather [hbm4b:s2+s25], $0x80, s30, s25, $0xb8;
	[tilespmem:$0x1FC00] =	vst v63  }
0x60: {  	_ =	swait.ge [sflag:s1], $0x2000  }
0x61: {  	[sflag:s1] =	ssyncset.done $0x0  }
0x62: {  	s19 =	simm.s32 $0x1400;
	[sflag:s1] =	ssyncadd.s32 $0xFFFFE000  }
0x63: {  	[spmem:s3] =	stream.indirect.scatter.add.f32 [tilespmem:s22], [sflag:$0x5], $0x80, s19, s25, $0xb8;
	[tilespmem:$0x1FC00] =	vst v63  }
0x64: {  	_ =	swait.ge [sflag:s0], $0x2000  }
0x65: {  	[sflag:s0] =	ssyncset.done $0x0  }
0x66: {  	s17 =	simm.s32 $0x1480;
	[sflag:s0] =	ssyncadd.s32 $0xFFFFE000  }
0x67: {  	[spmem:s3] =	stream.indirect.scatter.add.f32 [tilespmem:s26], [sflag:$0x6], $0x80, s17, s25, $0xb8;
	[tilespmem:$0x1FC00] =	vst v63  }
0x68: {  	_ =	swait.ge [sflag:s5], $0x2000  }
0x69: {  	[sflag:s5] =	ssyncset.done $0x0  }
0x6a: {  	s18 =	simm.s32 $0x1500;
	[sflag:s5] =	ssyncadd.s32 $0xFFFFE000  }
0x6b: {  	[spmem:s3] =	stream.indirect.scatter.add.f32 [tilespmem:s29], [sflag:$0x7], $0x80, s18, s25, $0xb8;
	[tilespmem:$0x1FC00] =	vst v63  }
0x6c: {  	_ =	swait.ge [sflag:s6], $0x2000  }
0x6d: {  	[sflag:s6] =	ssyncset.done $0x0  }
0x6e: {  	s19 =	simm.s32 $0x1580;
	[sflag:s6] =	ssyncadd.s32 $0xFFFFE000  }
0x6f: {  	[spmem:s3] =	stream.indirect.scatter.add.f32 [tilespmem:s31], [sflag:$0x8], $0x80, s19, s25, $0xb8;
	[tilespmem:$0x1FC00] =	vst v63  }
0x70: {  	_ =	swait.ge [sflag:s8], $0x2000  }
0x71: {  	[sflag:s8] =	ssyncset.done $0x0  }
0x72: {  	s17 =	simm.s32 $0x100;
	[sflag:s8] =	ssyncadd.s32 $0xFFFFE000  }
0x73: {  	[tilespmem:s22], [sflag:$0x1] =	stream.indirect.gather [hbm4b:s2+s25], $0x80, s17, s25, $0xb8;
	[tilespmem:$0x1FC00] =	vst v63  }
0x74: {  	_ =	swait.ge [sflag:s9], $0x2000  }
0x75: {  	[sflag:s9] =	ssyncset.done $0x0  }
0x76: {  	s18 =	simm.s32 $0x140;
	[sflag:s9] =	ssyncadd.s32 $0xFFFFE000  }
0x77: {  	[tilespmem:s26], [sflag:$0x2] =	stream.indirect.gather [hbm4b:s2+s25], $0x80, s18, s25, $0xb8;
	[tilespmem:$0x1FC00] =	vst v63  }
0x78: {  	_ =	swait.ge [sflag:s10], $0x2000  }
0x79: {  	[sflag:s10] =	ssyncset.done $0x0  }
0x7a: {  	s19 =	simm.s32 $0x180;
	[sflag:s10] =	ssyncadd.s32 $0xFFFFE000  }
0x7b: {  	[tilespmem:s29], [sflag:$0x3] =	stream.indirect.gather [hbm4b:s2+s25], $0x80, s19, s25, $0xb8;
	[tilespmem:$0x1FC00] =	vst v63  }
0x7c: {  	_ =	swait.ge [sflag:s11], $0x2000  }
0x7d: {  	s16 =	simm.s32 $0x400;
	[sflag:s11] =	ssyncset.done $0x0  }
0x7e: {  	s17 =	simm.s32 $0x1780;
	s18 =	simm.s32 $0x1C0;
	[sflag:s11] =	ssyncadd.s32 $0xFFFFE000  }
.LBB2_4:
0x7f: {  	[tilespmem:s31], [sflag:$0x4] =	stream.indirect.gather [hbm4b:s2+s25], $0x80, s18, s25, $0xb8;
	[tilespmem:$0x1FC00] =	vst v63  }
0x80: {  	s18 =	smov.u32 s16  }
0x81: {  	p0 =	sne.s32 s16, $0x4800;
	s16 =	sadd.s32 $0x400, s16;
	_ =	swait.ge [sflag:s1], $0x2000  }
0x82: {  	[sflag:s1] =	ssyncset.done $0x0  }
0x83: {  	s19 =	sadd.s32 $0xFFFFFE80, s17;
	[sflag:s1] =	ssyncadd.s32 $0xFFFFE000  }
0x84: {  	[spmem:s3] =	stream.indirect.scatter.add.f32 [tilespmem:s22], [sflag:$0x5], $0x80, s19, s25, $0xb8;
	[tilespmem:$0x1FC00] =	vst v63  }
0x85: {  	_ =	swait.ge [sflag:s0], $0x2000  }
0x86: {  	[sflag:s0] =	ssyncset.done $0x0  }
0x87: {  	s19 =	sadd.s32 $0xFFFFFF00, s17;
	[sflag:s0] =	ssyncadd.s32 $0xFFFFE000  }
0x88: {  	[spmem:s3] =	stream.indirect.scatter.add.f32 [tilespmem:s26], [sflag:$0x6], $0x80, s19, s25, $0xb8;
	[tilespmem:$0x1FC00] =	vst v63  }
0x89: {  	_ =	swait.ge [sflag:s5], $0x2000  }
0x8a: {  	[sflag:s5] =	ssyncset.done $0x0  }
0x8b: {  	s19 =	sadd.s32 $0xFFFFFF80, s17;
	[sflag:s5] =	ssyncadd.s32 $0xFFFFE000  }
0x8c: {  	[spmem:s3] =	stream.indirect.scatter.add.f32 [tilespmem:s29], [sflag:$0x7], $0x80, s19, s25, $0xb8;
	[tilespmem:$0x1FC00] =	vst v63  }
0x8d: {  	_ =	swait.ge [sflag:s6], $0x2000  }
0x8e: {  	[sflag:s6] =	ssyncset.done $0x0  }
0x8f: {  	[sflag:s6] =	ssyncadd.s32 $0xFFFFE000  }
0x90: {  	[spmem:s3] =	stream.indirect.scatter.add.f32 [tilespmem:s31], [sflag:$0x8], $0x80, s17, s25, $0xb8;
	[tilespmem:$0x1FC00] =	vst v63  }
0x91: {  	_ =	swait.ge [sflag:s8], $0x2000  }
0x92: {  	s18 =	sshra.s32 s18, $0x2;
	[sflag:s8] =	ssyncset.done $0x0  }
0x93: {  	s19 =	sadd.s32 $0x100, s18;
	[sflag:s8] =	ssyncadd.s32 $0xFFFFE000  }
0x94: {  	[tilespmem:s22], [sflag:$0x1] =	stream.indirect.gather [hbm4b:s2+s25], $0x80, s19, s25, $0xb8;
	[tilespmem:$0x1FC00] =	vst v63  }
0x95: {  	_ =	swait.ge [sflag:s9], $0x2000  }
0x96: {  	[sflag:s9] =	ssyncset.done $0x0  }
0x97: {  	s19 =	sadd.s32 $0x140, s18;
	[sflag:s9] =	ssyncadd.s32 $0xFFFFE000  }
0x98: {  	[tilespmem:s26], [sflag:$0x2] =	stream.indirect.gather [hbm4b:s2+s25], $0x80, s19, s25, $0xb8;
	[tilespmem:$0x1FC00] =	vst v63  }
0x99: {  	_ =	swait.ge [sflag:s10], $0x2000  }
0x9a: {  	[sflag:s10] =	ssyncset.done $0x0  }
.Ltmp1:
0x9b: {  	s19 =	sadd.s32 $0x180, s18;
	[sflag:s10] =	ssyncadd.s32 $0xFFFFE000;
	(pc) =	sbr.rel @p0 .LBB2_4-.Ltmp1, $4  }
0x9c: {  	[tilespmem:s29], [sflag:$0x3] =	stream.indirect.gather [hbm4b:s2+s25], $0x80, s19, s25, $0xb8;
	[tilespmem:$0x1FC00] =	vst v63  }
0x9d: {  	_ =	swait.ge [sflag:s11], $0x2000  }
0x9e: {  	[sflag:s11] =	ssyncset.done $0x0  }
0x9f: {  	s17 =	sadd.s32 $0x200, s17;
	s18 =	sadd.s32 $0x1C0, s18;
	[sflag:s11] =	ssyncadd.s32 $0xFFFFE000  }
0xa0: {  	[tilespmem:s31], [sflag:$0x4] =	stream.indirect.gather [hbm4b:s2+s25], $0x80, s18, s25, $0xb8;
	[tilespmem:$0x1FC00] =	vst v63  }
0xa1: {  	_ =	swait.ge [sflag:s1], $0x2000  }
0xa2: {  	[sflag:s1] =	ssyncset.done $0x0  }
0xa3: {  	[sflag:s1] =	ssyncadd.s32 $0xFFFFE000  }
0xa4: {  	[spmem:s3] =	stream.indirect.scatter.add.f32 [tilespmem:s22], [sflag:$0x5], $0x80, s12, s25, $0xb8;
	[tilespmem:$0x1FC00] =	vst v63  }
0xa5: {  	_ =	swait.ge [sflag:s0], $0x2000  }
0xa6: {  	[sflag:s0] =	ssyncset.done $0x0  }
0xa7: {  	[sflag:s0] =	ssyncadd.s32 $0xFFFFE000  }
0xa8: {  	[spmem:s3] =	stream.indirect.scatter.add.f32 [tilespmem:s26], [sflag:$0x6], $0x80, s13, s25, $0xb8;
	[tilespmem:$0x1FC00] =	vst v63  }
0xa9: {  	_ =	swait.ge [sflag:s5], $0x2000  }
0xaa: {  	[sflag:s5] =	ssyncset.done $0x0  }
0xab: {  	[sflag:s5] =	ssyncadd.s32 $0xFFFFE000  }
0xac: {  	[spmem:s3] =	stream.indirect.scatter.add.f32 [tilespmem:s29], [sflag:$0x7], $0x80, s14, s25, $0xb8;
	[tilespmem:$0x1FC00] =	vst v63  }
0xad: {  	_ =	swait.ge [sflag:s6], $0x2000  }
0xae: {  	[sflag:s6] =	ssyncset.done $0x0  }
0xaf: {  	[sflag:s6] =	ssyncadd.s32 $0xFFFFE000  }
0xb0: {  	[spmem:s3] =	stream.indirect.scatter.add.f32 [tilespmem:s31], [sflag:$0x8], $0x80, s21, s25, $0xb8;
	[tilespmem:$0x1FC00] =	vst v63  }
0xb1: {  	_ =	swait.ge [sflag:s8], $0x2000  }
0xb2: {  	[sflag:s8] =	ssyncset.done $0x0  }
0xb3: {  	[sflag:s8] =	ssyncadd.s32 $0xFFFFE000  }
0xb4: {  	_ =	swait.ge [sflag:s9], $0x2000  }
0xb5: {  	[sflag:s9] =	ssyncset.done $0x0  }
0xb6: {  	[sflag:s9] =	ssyncadd.s32 $0xFFFFE000  }
0xb7: {  	_ =	swait.ge [sflag:s10], $0x2000  }
0xb8: {  	[sflag:s10] =	ssyncset.done $0x0  }
0xb9: {  	[sflag:s10] =	ssyncadd.s32 $0xFFFFE000  }
0xba: {  	_ =	swait.ge [sflag:s11], $0x2000  }
0xbb: {  	[sflag:s11] =	ssyncset.done $0x0  }
0xbc: {  	s16 =	simm.s32 $0x0;
	s17 =	rddreg [dreg:$0x6];
	[sflag:s11] =	ssyncadd.s32 $0xFFFFE000  }
0xbd: {  	[tilespmem:s16], [sflag:$0xA] =	stream.linear.gather [hbm4b:s17+s16], $0x1400, $0x38;
	[tilespmem:$0x1FC00] =	vst v63  }
0xbe: {  	_ =	swait.ge [sflag:s23], $0x1400  }
0xbf: {  	[sflag:s23] =	ssyncset.done $0x0  }
0xc0: {  	s19 =	simm.s32 $0x1400;
	s18 =	rddreg [dreg:$0x7];
	[sflag:s23] =	ssyncadd.s32 $0xFFFFEC00  }
0xc1: {  	[tilespmem:s19], [sflag:$0xA] =	stream.linear.gather [hbm4b:s18+s16], $0x2800, $0x38;
	[tilespmem:$0x1FC00] =	vst v63  }
0xc2: {  	_ =	swait.ge [sflag:s23], $0x2800  }
0xc3: {  	[sflag:s23] =	ssyncset.done $0x0  }
0xc4: {  	[sflag:s23] =	ssyncadd.s32 $0xFFFFD800  }
0xc5: {  	[tilespmem:s22], [sflag:$0x1] =	stream.indirect.gather [hbm4b:s2+s25], $0x80, s16, s25, $0xb8;
	[tilespmem:$0x1FC00] =	vst v63  }
0xc6: {  	_ = 	snop  }
0xc7: {  	[tilespmem:s26], [sflag:$0x2] =	stream.indirect.gather [hbm4b:s2+s25], $0x80, s25, s25, $0xb8;
	[tilespmem:$0x1FC00] =	vst v63  }
0xc8: {  	_ = 	snop  }
0xc9: {  	[tilespmem:s29], [sflag:$0x3] =	stream.indirect.gather [hbm4b:s2+s25], $0x80, s28, s25, $0xb8;
	[tilespmem:$0x1FC00] =	vst v63  }
0xca: {  	_ = 	snop  }
0xcb: {  	[tilespmem:s31], [sflag:$0x4] =	stream.indirect.gather [hbm4b:s2+s25], $0x80, s30, s25, $0xb8;
	[tilespmem:$0x1FC00] =	vst v63  }
0xcc: {  	_ =	swait.ge [sflag:s1], $0x2000  }
0xcd: {  	[sflag:s1] =	ssyncset.done $0x0  }
0xce: {  	s19 =	simm.s32 $0x1400;
	[sflag:s1] =	ssyncadd.s32 $0xFFFFE000  }
0xcf: {  	[spmem:s3] =	stream.indirect.scatter.add.f32 [tilespmem:s22], [sflag:$0x5], $0x80, s19, s25, $0xb8;
	[tilespmem:$0x1FC00] =	vst v63  }
0xd0: {  	_ =	swait.ge [sflag:s0], $0x2000  }
0xd1: {  	[sflag:s0] =	ssyncset.done $0x0  }
0xd2: {  	s17 =	simm.s32 $0x1480;
	[sflag:s0] =	ssyncadd.s32 $0xFFFFE000  }
0xd3: {  	[spmem:s3] =	stream.indirect.scatter.add.f32 [tilespmem:s26], [sflag:$0x6], $0x80, s17, s25, $0xb8;
	[tilespmem:$0x1FC00] =	vst v63  }
0xd4: {  	_ =	swait.ge [sflag:s5], $0x2000  }
0xd5: {  	[sflag:s5] =	ssyncset.done $0x0  }
0xd6: {  	s18 =	simm.s32 $0x1500;
	[sflag:s5] =	ssyncadd.s32 $0xFFFFE000  }
0xd7: {  	[spmem:s3] =	stream.indirect.scatter.add.f32 [tilespmem:s29], [sflag:$0x7], $0x80, s18, s25, $0xb8;
	[tilespmem:$0x1FC00] =	vst v63  }
0xd8: {  	_ =	swait.ge [sflag:s6], $0x2000  }
0xd9: {  	[sflag:s6] =	ssyncset.done $0x0  }
0xda: {  	s19 =	simm.s32 $0x1580;
	[sflag:s6] =	ssyncadd.s32 $0xFFFFE000  }
0xdb: {  	[spmem:s3] =	stream.indirect.scatter.add.f32 [tilespmem:s31], [sflag:$0x8], $0x80, s19, s25, $0xb8;
	[tilespmem:$0x1FC00] =	vst v63  }
0xdc: {  	_ =	swait.ge [sflag:s8], $0x2000  }
0xdd: {  	[sflag:s8] =	ssyncset.done $0x0  }
0xde: {  	s17 =	simm.s32 $0x100;
	[sflag:s8] =	ssyncadd.s32 $0xFFFFE000  }
0xdf: {  	[tilespmem:s22], [sflag:$0x1] =	stream.indirect.gather [hbm4b:s2+s25], $0x80, s17, s25, $0xb8;
	[tilespmem:$0x1FC00] =	vst v63  }
0xe0: {  	_ =	swait.ge [sflag:s9], $0x2000  }
0xe1: {  	[sflag:s9] =	ssyncset.done $0x0  }
0xe2: {  	s18 =	simm.s32 $0x140;
	[sflag:s9] =	ssyncadd.s32 $0xFFFFE000  }
0xe3: {  	[tilespmem:s26], [sflag:$0x2] =	stream.indirect.gather [hbm4b:s2+s25], $0x80, s18, s25, $0xb8;
	[tilespmem:$0x1FC00] =	vst v63  }
0xe4: {  	_ =	swait.ge [sflag:s10], $0x2000  }
0xe5: {  	[sflag:s10] =	ssyncset.done $0x0  }
0xe6: {  	s19 =	simm.s32 $0x180;
	[sflag:s10] =	ssyncadd.s32 $0xFFFFE000  }
0xe7: {  	[tilespmem:s29], [sflag:$0x3] =	stream.indirect.gather [hbm4b:s2+s25], $0x80, s19, s25, $0xb8;
	[tilespmem:$0x1FC00] =	vst v63  }
0xe8: {  	_ =	swait.ge [sflag:s11], $0x2000  }
0xe9: {  	s16 =	simm.s32 $0x400;
	[sflag:s11] =	ssyncset.done $0x0  }
0xea: {  	s17 =	simm.s32 $0x1780;
	s18 =	simm.s32 $0x1C0;
	[sflag:s11] =	ssyncadd.s32 $0xFFFFE000  }
.LBB2_6:
0xeb: {  	[tilespmem:s31], [sflag:$0x4] =	stream.indirect.gather [hbm4b:s2+s25], $0x80, s18, s25, $0xb8;
	[tilespmem:$0x1FC00] =	vst v63  }
0xec: {  	s18 =	smov.u32 s16  }
0xed: {  	p0 =	sne.s32 s16, $0x4800;
	s16 =	sadd.s32 $0x400, s16;
	_ =	swait.ge [sflag:s1], $0x2000  }
0xee: {  	[sflag:s1] =	ssyncset.done $0x0  }
0xef: {  	s19 =	sadd.s32 $0xFFFFFE80, s17;
	[sflag:s1] =	ssyncadd.s32 $0xFFFFE000  }
0xf0: {  	[spmem:s3] =	stream.indirect.scatter.add.f32 [tilespmem:s22], [sflag:$0x5], $0x80, s19, s25, $0xb8;
	[tilespmem:$0x1FC00] =	vst v63  }
0xf1: {  	_ =	swait.ge [sflag:s0], $0x2000  }
0xf2: {  	[sflag:s0] =	ssyncset.done $0x0  }
0xf3: {  	s19 =	sadd.s32 $0xFFFFFF00, s17;
	[sflag:s0] =	ssyncadd.s32 $0xFFFFE000  }
0xf4: {  	[spmem:s3] =	stream.indirect.scatter.add.f32 [tilespmem:s26], [sflag:$0x6], $0x80, s19, s25, $0xb8;
	[tilespmem:$0x1FC00] =	vst v63  }
0xf5: {  	_ =	swait.ge [sflag:s5], $0x2000  }
0xf6: {  	[sflag:s5] =	ssyncset.done $0x0  }
0xf7: {  	s19 =	sadd.s32 $0xFFFFFF80, s17;
	[sflag:s5] =	ssyncadd.s32 $0xFFFFE000  }
0xf8: {  	[spmem:s3] =	stream.indirect.scatter.add.f32 [tilespmem:s29], [sflag:$0x7], $0x80, s19, s25, $0xb8;
	[tilespmem:$0x1FC00] =	vst v63  }
0xf9: {  	_ =	swait.ge [sflag:s6], $0x2000  }
0xfa: {  	[sflag:s6] =	ssyncset.done $0x0  }
0xfb: {  	[sflag:s6] =	ssyncadd.s32 $0xFFFFE000  }
0xfc: {  	[spmem:s3] =	stream.indirect.scatter.add.f32 [tilespmem:s31], [sflag:$0x8], $0x80, s17, s25, $0xb8;
	[tilespmem:$0x1FC00] =	vst v63  }
0xfd: {  	_ =	swait.ge [sflag:s8], $0x2000  }
0xfe: {  	s18 =	sshra.s32 s18, $0x2;
	[sflag:s8] =	ssyncset.done $0x0  }
0xff: {  	s19 =	sadd.s32 $0x100, s18;
	[sflag:s8] =	ssyncadd.s32 $0xFFFFE000  }
0x100: {  	[tilespmem:s22], [sflag:$0x1] =	stream.indirect.gather [hbm4b:s2+s25], $0x80, s19, s25, $0xb8;
	[tilespmem:$0x1FC00] =	vst v63  }
0x101: {  	_ =	swait.ge [sflag:s9], $0x2000  }
0x102: {  	[sflag:s9] =	ssyncset.done $0x0  }
0x103: {  	s19 =	sadd.s32 $0x140, s18;
	[sflag:s9] =	ssyncadd.s32 $0xFFFFE000  }
0x104: {  	[tilespmem:s26], [sflag:$0x2] =	stream.indirect.gather [hbm4b:s2+s25], $0x80, s19, s25, $0xb8;
	[tilespmem:$0x1FC00] =	vst v63  }
0x105: {  	_ =	swait.ge [sflag:s10], $0x2000  }
0x106: {  	[sflag:s10] =	ssyncset.done $0x0  }
.Ltmp2:
0x107: {  	s19 =	sadd.s32 $0x180, s18;
	[sflag:s10] =	ssyncadd.s32 $0xFFFFE000;
	(pc) =	sbr.rel @p0 .LBB2_6-.Ltmp2, $4  }
0x108: {  	[tilespmem:s29], [sflag:$0x3] =	stream.indirect.gather [hbm4b:s2+s25], $0x80, s19, s25, $0xb8;
	[tilespmem:$0x1FC00] =	vst v63  }
0x109: {  	_ =	swait.ge [sflag:s11], $0x2000  }
0x10a: {  	[sflag:s11] =	ssyncset.done $0x0  }
0x10b: {  	s17 =	sadd.s32 $0x200, s17;
	s18 =	sadd.s32 $0x1C0, s18;
	[sflag:s11] =	ssyncadd.s32 $0xFFFFE000  }
0x10c: {  	[tilespmem:s31], [sflag:$0x4] =	stream.indirect.gather [hbm4b:s2+s25], $0x80, s18, s25, $0xb8;
	[tilespmem:$0x1FC00] =	vst v63  }
0x10d: {  	_ =	swait.ge [sflag:s1], $0x2000  }
0x10e: {  	[sflag:s1] =	ssyncset.done $0x0  }
0x10f: {  	[sflag:s1] =	ssyncadd.s32 $0xFFFFE000  }
0x110: {  	[spmem:s3] =	stream.indirect.scatter.add.f32 [tilespmem:s22], [sflag:$0x5], $0x80, s12, s25, $0xb8;
	[tilespmem:$0x1FC00] =	vst v63  }
0x111: {  	_ =	swait.ge [sflag:s0], $0x2000  }
0x112: {  	[sflag:s0] =	ssyncset.done $0x0  }
0x113: {  	[sflag:s0] =	ssyncadd.s32 $0xFFFFE000  }
0x114: {  	[spmem:s3] =	stream.indirect.scatter.add.f32 [tilespmem:s26], [sflag:$0x6], $0x80, s13, s25, $0xb8;
	[tilespmem:$0x1FC00] =	vst v63  }
0x115: {  	_ =	swait.ge [sflag:s5], $0x2000  }
0x116: {  	[sflag:s5] =	ssyncset.done $0x0  }
0x117: {  	[sflag:s5] =	ssyncadd.s32 $0xFFFFE000  }
0x118: {  	[spmem:s3] =	stream.indirect.scatter.add.f32 [tilespmem:s29], [sflag:$0x7], $0x80, s14, s25, $0xb8;
	[tilespmem:$0x1FC00] =	vst v63  }
0x119: {  	_ =	swait.ge [sflag:s6], $0x2000  }
0x11a: {  	[sflag:s6] =	ssyncset.done $0x0  }
0x11b: {  	[sflag:s6] =	ssyncadd.s32 $0xFFFFE000  }
0x11c: {  	[spmem:s3] =	stream.indirect.scatter.add.f32 [tilespmem:s31], [sflag:$0x8], $0x80, s21, s25, $0xb8;
	[tilespmem:$0x1FC00] =	vst v63  }
0x11d: {  	_ =	swait.ge [sflag:s8], $0x2000  }
0x11e: {  	[sflag:s8] =	ssyncset.done $0x0  }
0x11f: {  	[sflag:s8] =	ssyncadd.s32 $0xFFFFE000  }
0x120: {  	_ =	swait.ge [sflag:s9], $0x2000  }
0x121: {  	[sflag:s9] =	ssyncset.done $0x0  }
0x122: {  	[sflag:s9] =	ssyncadd.s32 $0xFFFFE000  }
0x123: {  	_ =	swait.ge [sflag:s10], $0x2000  }
0x124: {  	[sflag:s10] =	ssyncset.done $0x0  }
0x125: {  	[sflag:s10] =	ssyncadd.s32 $0xFFFFE000  }
0x126: {  	_ =	swait.ge [sflag:s11], $0x2000  }
0x127: {  	[sflag:s11] =	ssyncset.done $0x0  }
0x128: {  	s16 =	stileid.u32;
	[sflag:s11] =	ssyncadd.s32 $0xFFFFE000  }
0x129: {  	s16 =	sshll.u32 s16, $0x6;
	[bflag:$0x0] =	sbarrier.arrive $0xFFFF  }
0x12a: {  	s17 =	sshrl.u32 s7, $0x3;
	s16 =	sor.u32 $0x1C0A, s16;
	s19 =	rddreg [dreg:$0x8]  }
0x12b: {  	[hbm:s19], [sflag:s16] =	dma.local [spmem:s17], $0x2800  }
0x12c: {  	_ =	swait.ge [sflag:s23], $0x2800  }
0x12d: {  	s15 =	sadd.s32 $0x1, s15;
	s19 =	rddreg [dreg:$0x9]  }
0x12e: {  	p0 =	sne.s32 s15, s19  }
.Ltmp3:
0x12f: {  	_ = 	snop;
	(pc) =	sbr.rel @p0 .LBB2_1-.Ltmp3, $3  }
0x130: {  	_ =	sdelay $0x1  }
0x131: {  	[sflag:s23] =	ssyncset.done $0x0  }
0x132: {  	[sflag:s23] =	ssyncadd.s32 $0xFFFFD800  }
0x133: {  	_ =	sfence.sel $0x180000  }
0x134: {  	[bflag:$0x0] =	sbarrier.arrive $0xFFFF  }
0x135: {  	_ =	strace $0x9000004D  }
0x136: {  	s0 =	stileid.u32;
	[bflag:$0x2] =	sbarrier.arrive $0xFFFF  }
0x137: {  	p0 =	sne.s32 s0, $0x0;
	s0 =	rddreg [dreg:$0x3]  }
0x138: {  	s0 =	sadd.s32 @!p0 $0x100000, s0  }
0x139: {  	[sflag:s0] =	ssyncadd.tile.s32 @!p0 $0x1;
	_ =	shalt  }
.Lfunc_end2:
_tile_overlayer_lowered:
.L_overlay_start_2:
0x13a: {  	(tag) =	ssettag $0x2  }
0x13b: {  	s0 =	rddreg [dreg:$0x0];
	s2 =	stileid.u32  }
0x13c: {  	s1 =	rddreg [dreg:$0x1];
	p0 =	sne.s32 s2, $0x0  }
0x13d: {  	s3 =	rddreg [dreg:$0x2];
	[bflag:$0x3] =	sbarrier.arrive $0xFFFF;
	s2 =	simm.s32 @!p0 $0x1C0A  }
0x13e: {  	[timem:s3], [sflag:s2] =	dma.local @!p0 [hbm:s0], s1  }
0x13f: {  	s0 =	simm.s32 @!p0 $0xA  }
0x140: {  	_ =	swait.ge @!p0 [sflag:s0], s1  }
0x141: {  	s1 =	ssub.s32 @!p0 $0x0, s1;
	[sflag:s0] =	ssyncset.done @!p0 $0x0  }
0x142: {  	[sflag:s0] =	ssyncadd.s32 @!p0 s1  }
0x143: {  	[bflag:$0x3] =	sbarrier.arrive $0xFFFF  }
0x144: {  	_ =	shalt  }

// kernel: kernel.8.cloned.1.call-start
scs
__scs_entry_jumppad:
0x0: {  	(pc) =	sbr.rel $0x88, $3  }
0x1: {  	(tag) =	ssettag $0x0;
	lr =	simm.s32 $0x1  }
0x2: {  	[smem:$0x3F9B] =	sst lr;
	_ =	strace $0xD0000000  }
0x3: {  	_ = 	snop  }
0x4: {  	_ = 	snop  }
0x5: {  	_ = 	snop  }
0x6: {  	_ = 	snop  }
0x7: {  	_ = 	snop  }
__scs_overlays_trampoline_lowered:
0x8: {  	[smem:$0x3FAA] =	sst s0  }
0x9: {  	[smem:$0x3FAB] =	sst s1  }
0xa: {  	[smem:$0x3FAC] =	sst s2  }
0xb: {  	[smem:$0x3FAD] =	sst s3  }
0xc: {  	[smem:$0x3FAE] =	sst s4  }
0xd: {  	[smem:$0x3FAF] =	sst s5  }
0xe: {  	[smem:$0x3FB0] =	sst s6  }
0xf: {  	[smem:$0x3FB1] =	sst s7  }
0x10: {  	[smem:$0x3FB2] =	sst s8  }
0x11: {  	[smem:$0x3FB3] =	sst s9;
	s0 =	simm.s32 @!p0 $0x0  }
0x12: {  	s1 =	sld [smem:$0x3F99];
	s0 =	simm.s32 @p0 $0x1  }
0x13: {  	[smem:$0x3FB4] =	sst s0;
	s0 =	simm.s32 @!p1 $0x0  }
0x14: {  	s2 =	sld [smem:$0x3F98];
	s0 =	simm.s32 @p1 $0x1  }
0x15: {  	[smem:$0x3FB5] =	sst s0;
	s0 =	simm.s32 @!p2 $0x0  }
0x16: {  	s3 =	sld [smem:$0x3FDB];
	s0 =	simm.s32 @p2 $0x1  }
0x17: {  	s4 =	simm.s32 $0x1BF5;
	[smem:$0x3FB7] =	sst s0  }
0x18: {  	s0 =	sld [smem:$0x3F9A];
	_ =	swait.ge [sflag:s4], $0x0  }
0x19: {  	s7 =	sld [smem:$0x3F9B]  }
0x1a: {  	s8 =	sadd.s32 $0xFFFFE003, lr  }
0x1b: {  	s9 =	sadd.s32 $0xFFFFFEF7, lr;
	s5 =	simm.s32 $0xFFFFFFFF;
	p2 =	slt.u32 s8, $0xFFFFF086  }
0x1c: {  	p1 =	slt.u32 s9, $0xF7A;
	s5 =	simm.s32 @!p2 $0x0  }
0x1d: {  	s5 =	simm.s32 @p1 $0x1;
	p0 =	seq.s32 s7, s2  }
0x1e: {  	s7 =	smul.u32 @!p0 $0xF7A, s2;
	p2 =	seq.s32 @!p0 s5, $0x0  }
0x1f: {  	s9 =	smul.u32 $0xF7A, s1;
	s8 =	simm.s32 @!p0 $0x1BF5;
	p2 =	por !p2, p0  }
0x20: {  	[sflag:s8] =	ssyncset.s32 @!p0 $0xFFFFF086;
	s6 =	sadd.s32 @!p0 s3, s7;
	s7 =	simm.s32 @!p0 $0x108  }
0x21: {  	s3 =	sadd.s32 s3, s9;
	s6 =	sadd.s32 @!p0 $0x88, s6;
	s7 =	simm.s32 @p2 $0x1082  }
0x22: {  	[simem:s7], [sflag:s8] =	dma.local @!p0 [hbm:s6], $0xF7A  }
0x23: {  	s9 =	sor.u32 $0xD0000000, s2;
	s6 =	simm.s32 $0x108;
	_ =	swait.ge @!p0 [sflag:s8], $0x0  }
0x24: {  	s3 =	sadd.s32 $0x88, s3;
	s6 =	simm.s32 @!p1 $0x1082;
	[sflag:s4] =	ssyncset.s32 $0xFFFFF086  }
0x25: {  	[simem:s6], [sflag:s4] =	dma.local [hbm:s3], $0xF7A  }
0x26: {  	[smem:$0x3F9B] =	sst s1;
	(tag) =	ssettag s2;
	_ =	strace s9  }
0x27: {  	s1 =	sld [smem:$0x3FAB]  }
0x28: {  	s2 =	sld [smem:$0x3FAC]  }
0x29: {  	s4 =	sld [smem:$0x3FAE]  }
0x2a: {  	p0 =	seq.s32 s5, $0x0;
	s5 =	sld [smem:$0x3FAF]  }
0x2b: {  	s6 =	sld [smem:$0x3FB0]  }
0x2c: {  	s7 =	sld [smem:$0x3FB1]  }
0x2d: {  	s3 =	simm.s32 $0x108;
	s8 =	sld [smem:$0x3FB2]  }
0x2e: {  	s3 =	simm.s32 @!p0 $0x1082;
	s9 =	sld [smem:$0x3FB3]  }
0x2f: {  	lr =	sadd.s32 s0, s3;
	s0 =	sld [smem:$0x3FAA]  }
0x30: {  	s3 =	sld [smem:$0x3FAD]  }
0x31: {  	[smem:$0x3FB6] =	sst s10  }
0x32: {  	s10 =	sld [smem:$0x3FB4];
	_ =	sdelay $0x3  }
0x33: {  	p0 =	seq.s32 s10, $0x1;
	s10 =	sld [smem:$0x3FB6];
	_ =	sdelay $0x3  }
0x34: {  	[smem:$0x3FB6] =	sst s10  }
0x35: {  	s10 =	sld [smem:$0x3FB5];
	_ =	sdelay $0x3  }
0x36: {  	p1 =	seq.s32 s10, $0x1;
	s10 =	sld [smem:$0x3FB6];
	_ =	sdelay $0x3  }
0x37: {  	[smem:$0x3FB6] =	sst s10  }
0x38: {  	s10 =	sld [smem:$0x3FB7]  }
0x39: {  	_ = 	snop;
	(pc) =	sbr.ind lr, $3  }
0x3a: {  	_ = 	snop  }
0x3b: {  	_ = 	snop  }
0x3c: {  	p2 =	seq.s32 s10, $0x1;
	s10 =	sld [smem:$0x3FB6]  }
0x3d: {  	_ =	shalt  }
0x3e: {  	_ =	shalt  }
0x3f: {  	_ =	shalt  }
0x40: {  	_ =	shalt  }
0x41: {  	_ =	shalt  }
0x42: {  	_ =	shalt  }
0x43: {  	_ =	shalt  }
0x44: {  	_ =	shalt  }
0x45: {  	_ =	shalt  }
0x46: {  	_ =	shalt  }
0x47: {  	_ =	shalt  }
0x48: {  	_ =	shalt  }
0x49: {  	_ =	shalt  }
0x4a: {  	_ =	shalt  }
0x4b: {  	_ =	shalt  }
0x4c: {  	_ =	shalt  }
0x4d: {  	_ =	shalt  }
0x4e: {  	_ =	shalt  }
0x4f: {  	_ =	shalt  }
0x50: {  	_ =	shalt  }
0x51: {  	_ =	shalt  }
0x52: {  	_ =	shalt  }
0x53: {  	_ =	shalt  }
0x54: {  	_ =	shalt  }
0x55: {  	_ =	shalt  }
0x56: {  	_ =	shalt  }
0x57: {  	_ =	shalt  }
0x58: {  	_ =	shalt  }
0x59: {  	_ =	shalt  }
0x5a: {  	_ =	shalt  }
0x5b: {  	_ =	shalt  }
0x5c: {  	_ =	shalt  }
0x5d: {  	_ =	shalt  }
0x5e: {  	_ =	shalt  }
0x5f: {  	_ =	shalt  }
0x60: {  	_ =	shalt  }
0x61: {  	_ =	shalt  }
0x62: {  	_ =	shalt  }
0x63: {  	_ =	shalt  }
0x64: {  	_ =	shalt  }
0x65: {  	_ =	shalt  }
0x66: {  	_ =	shalt  }
0x67: {  	_ =	shalt  }
0x68: {  	_ =	shalt  }
0x69: {  	_ =	shalt  }
0x6a: {  	_ =	shalt  }
0x6b: {  	_ =	shalt  }
0x6c: {  	_ =	shalt  }
0x6d: {  	_ =	shalt  }
0x6e: {  	_ =	shalt  }
0x6f: {  	_ =	shalt  }
0x70: {  	_ =	shalt  }
0x71: {  	_ =	shalt  }
0x72: {  	_ =	shalt  }
0x73: {  	_ =	shalt  }
0x74: {  	_ =	shalt  }
0x75: {  	_ =	shalt  }
0x76: {  	_ =	shalt  }
0x77: {  	_ =	shalt  }
0x78: {  	_ =	shalt  }
0x79: {  	_ =	shalt  }
0x7a: {  	_ =	shalt  }
0x7b: {  	_ =	shalt  }
0x7c: {  	_ =	shalt  }
0x7d: {  	_ =	shalt  }
0x7e: {  	_ =	shalt  }
0x7f: {  	_ =	shalt  }
0x80: {  	_ =	shalt  }
0x81: {  	_ =	shalt  }
0x82: {  	_ =	shalt  }
0x83: {  	_ =	shalt  }
0x84: {  	_ =	shalt  }
0x85: {  	_ =	shalt  }
0x86: {  	_ =	shalt  }
0x87: {  	_ =	shalt  }
.Lfunc_end0:
.L_simem_size_0:
called_computation_lowered:
.L_overlay_start_0:
0x88: {  	s2 =	sld [smem:$0x3FD9]  }
0x89: {  	s3 =	sld [smem:$0x3FFE];
	_ =	sdelay $0x1  }
0x8a: {  	s1 =	srdreg.scid  }
0x8b: {  	s0 =	sand.u32 $0x1, s1  }
0x8c: {  	s17 =	sshll.u32 s0, $0xA;
	s2 =	sadd.s32 s3, s2  }
0x8d: {  	s2 =	sadd.s32 s2, s17  }
0x8e: {  	[smem:$0x3FC2] =	sst s2  }
0x8f: {  	_ = 	snop  }
0x90: {  	s2 =	sld [smem:$0x3FD0];
	(tm) =	ssettm $0x1  }
0x91: {  	s18 =	sld [smem:$0x3FFB];
	_ =	sdelay $0x3  }
0x92: {  	_ =	strace s18  }
0x93: {  	s3 =	sld [smem:$0x3FFC];
	_ =	sdelay $0x3  }
0x94: {  	_ =	strace s3  }
0x95: {  	s3 =	sld [smem:$0x3FFD];
	_ =	sdelay $0x3  }
0x96: {  	_ =	strace s3  }
0x97: {  	_ =	strace $0x8FFFFFFF  }
0x98: {  	s19 =	sld [smem:$0x3FDB];
	_ =	sdelay $0x1  }
0x99: {  	s4 =	simm.s32 $_scs_section_size  }
0x9a: {  	s5 =	simm.s32 $_size__tile_overlayer_lowered;
	s6 =	simm.s32 $_tile_overlayer_lowered  }
0x9b: {  	s22 =	simm.s32 $0x1BFF;
	s21 =	sshll.u32 s6, $0x1;
	s3 =	sadd.s32 s4, s19  }
0x9c: {  	s7 =	simm.s32 $0x0;
	s20 =	sshll.u32 s5, $0x1;
	s5 =	sadd.s32 s21, s3  }
0x9d: {  	[timem:s7], [sflag:s22] =	dma.local [hbm:s5], s20  }
0x9e: {  	_ =	swait.ge [sflag:s22], s20  }
0x9f: {  	s4 =	ssub.s32 $0x0, s20;
	[sflag:s22] =	ssyncset.done $0x0  }
0xa0: {  	[sflag:s22] =	ssyncadd.s32 s4;
	_ =	sdelay $0x1  }
0xa1: {  	s23 =	simm.s32 $0x1B8B  }
0xa2: {  	_ =	swait.ge [sflag:s23], $0x1  }
0xa3: {  	[sflag:s23] =	ssyncset.done $0x0  }
0xa4: {  	s25 =	simm.s32 $0x1B8E;
	s24 =	sld [smem:$0x3FFE];
	[sflag:s23] =	ssyncadd.s32 $0xFFFFFFFF  }
0xa5: {  	s26 =	simm.s32 $execute0_lowered;
	[smem:$0x3FD2] =	sst s25  }
0xa6: {  	s5 =	sshll.u32 s26, $0x1;
	_ =	strace $0x80000046;
	[dreg:$0x1] =	wrdreg $0xFFFFFFFF  }
0xa7: {  	s28 =	simm.s32 $_size_execute0_lowered;
	s3 =	sadd.s32 s3, s5;
	[dreg:$0x0] =	wrdreg $0x0  }
0xa8: {  	s5 =	sshll.u32 s28, $0x1;
	[dreg:$0x2] =	wrdreg s3  }
0xa9: {  	[dreg:$0x3] =	wrdreg s5  }
0xaa: {  	[dreg:$0x4] =	wrdreg $0xC0  }
0xab: {  	_ =	task [dreg:s7], $0x5FFFF  }
0xac: {  	[dreg:$0x1] =	wrdreg $0xFFFFFFFF  }
0xad: {  	[dreg:$0x0] =	wrdreg $0x60  }
0xae: {  	[dreg:$0x2] =	wrdreg s2  }
0xaf: {  	[dreg:$0x3] =	wrdreg s24  }
0xb0: {  	[dreg:$0x4] =	wrdreg $0x9  }
0xb1: {  	_ =	task.clear_ibuf [dreg:s7], $0x5FFFF;
	_ =	strace $0x90000046  }
0xb2: {  	s29 =	simm.s32 $0x9;
	_ =	strace $0x80000048  }
0xb3: {  	_ =	swait.ge [sflag:s29], $0x1  }
0xb4: {  	[sflag:s29] =	ssyncadd.s32 $0xFFFFFFFF  }
0xb5: {  	_ =	strace $0x90000048  }
0xb6: {  	_ =	sfence  }
0xb7: {  	s30 =	sld [smem:$0x0];
	_ =	sdelay $0x2  }
0xb8: {  	s31 =	sshll.u32 s1, $0xD;
	s1 =	sshrl.u32 s1, $0x2  }
0xb9: {  	s3 =	sand.u32 $0x4000, s31;
	s1 =	sadd.s32 s1, s30  }
0xba: {  	s0 =	sor.u32 s3, s0;
	s1 =	sshll.u32 s1, $0x11  }
0xbb: {  	s0 =	sor.u32 s1, s0  }
0xbc: {  	s0 =	sadd.s32 $0x8F2B, s0  }
0xbd: {  	[sflag:s0] =	ssyncadd.remote.s32 $0x1  }
0xbe: {  	_ =	sfence.sel $0xFFFF  }
0xbf: {  	[dreg:$0x0] =	wrdreg $0xFFFFFFFF;
	(pc) =	sbr.abs _section_cstart, $3  }
0xc0: {  	[dreg:$0x1] =	wrdreg $0xFFFFFFFF  }
0xc1: {  	_ =	task.clear_ibuf [dreg:s7], $0x2FFFF;
	_ =	strace $0x9FFFFFFF  }
0xc2: {  	(tm) =	ssettm $0x7FFFFFFF  }
0xc3: {  	_ =	shalt  }
tec
execute0_lowered:
.L_overlay_start_1:
0x0: {  	(tag) =	ssettag $0x1  }
0x1: {  	s1 =	srdreg.scid  }
0x2: {  	s0 =	stileid.u32;
	s4 =	rddreg [dreg:$0x0]  }
0x3: {  	s6 =	rddreg [dreg:$0x1];
	s3 =	sand.u32 $0x1, s1;
	s29 =	sshll.u32 s0, $0x1  }
0x4: {  	s2 =	simm.s32 $0x0;
	s30 =	sshrl.u32 s0, $0x2;
	s5 =	sor.u32 s3, s29  }
0x5: {  	s9 =	simm.s32 $0x400;
	s7 =	smul.u32 $0x14000, s30;
	s8 =	sshll.u32 s5, $0x7  }
0x6: {  	s10 =	simm.s32 $0x0;
	s1 =	rddreg [dreg:$0x2];
	s8 =	sand.u32 $0x380, s8  }
0x7: {  	[smem:$0x7FF] =	sst s2;
	s3 =	ssub.s32 $0x2, s3;
	s7 =	sor.u32 s7, s8  }
0x8: {  	_ =	strace $0x80000047;
	s5 =	smul.u32 $0x500, s5;
	s7 =	sshrl.u32 s7, $0x3  }
0x9: {  	s31 =	sshrl.u32 s3, $0x1;
	s8 =	simm.s32 $0x80;
	s6 =	sadd.s32 s7, s6  }
0xa: {  	s7 =	ssub.s32 s3, s31;
	s3 =	sadd.s32 s4, s5;
	s4 =	sadd.s32 $0xCC00, s6  }
0xb: {  	v0 =	vimm.f32 $0.0e+00;
	v1 =	vimm.f32 $1.000000000e+00;
	s5 =	smax.u32 s7, $0x1;
	s6 =	simm.s32 $0x1;
	s7 =	simm.s32 $0x2800  }
.LBB2_1:
0xc: {  	[tilespmem:s2], [sflag:$0x1] =	stream.linear.gather [hbm4b:s3+s2], $0x2800, $0x38;
	[tilespmem:$0x5000] =	vst v63  }
0xd: {  	_ =	swait.ge [sflag:s6], $0x2800  }
0xe: {  	[sflag:s6] =	ssyncset.done $0x0  }
0xf: {  	s11 =	simm.s32 $0x0;
	[sflag:s6] =	ssyncadd.s32 $0xFFFFD800  }
.LBB2_2:
0x10: {  	p0 =	sne.s32 s11, $0x9FC0  }
.Ltmp0:
0x11: {  	_ = 	snop;
	(pc) =	sbr.rel @p0 .LBB2_2-.Ltmp0, $3  }
0x12: {  	_ =	sdelay $0x1  }
0x13: {  	s12 =	sshra.s32 s11, $0x2  }
0x14: {  	s11 =	sadd.s32 $0x40, s11;
	[tilespmem:s12+$0x2800] =	vst v0  }
0x15: {  	s11 =	simm.s32 $0x0  }
.LBB2_4:
0x16: {  	s12 =	sshra.s32 s11, $0x2  }
0x17: {  	v2 =	vld [tilespmem:s12+$0x0];
	_ =	sdelay $0x7  }
0x18: {  	[tilespmem:v2+s7+$0x0] =	vst.idx.add.f32.msk $0xffff, v1  }
0x19: {  	v2 =	vld [tilespmem:s12+$0x10];
	_ =	sdelay $0x7  }
0x1a: {  	[tilespmem:v2+s7+$0x0] =	vst.idx.add.f32.msk $0xffff, v1  }
0x1b: {  	v2 =	vld [tilespmem:s12+$0x20];
	_ =	sdelay $0x7  }
0x1c: {  	[tilespmem:v2+s7+$0x0] =	vst.idx.add.f32.msk $0xffff, v1  }
0x1d: {  	v2 =	vld [tilespmem:s12+$0x30];
	_ =	sdelay $0x2  }
0x1e: {  	p0 =	sne.s32 s11, $0x9F00  }
.Ltmp1:
0x1f: {  	_ = 	snop;
	(pc) =	sbr.rel @p0 .LBB2_4-.Ltmp1, $2  }
0x20: {  	_ =	sdelay $0x2  }
0x21: {  	s11 =	sadd.s32 $0x100, s11;
	[tilespmem:v2+s7+$0x0] =	vst.idx.add.f32.msk $0xffff, v1  }
0x22: {  	s10 =	sadd.s32 $0x1, s10  }
0x23: {  	p0 =	sne.s32 s10, s5  }
.Ltmp2:
0x24: {  	_ = 	snop;
	(pc) =	sbr.rel @p0 .LBB2_1-.Ltmp2, $4  }
0x25: {  	[hbm4b:s4+s8] =	stream.strided.scatter [tilespmem:s7], [sflag:$0x1], $0x2800, s9, s8, $0x38;
	[tilespmem:$0x5000] =	vst v63  }
0x26: {  	_ =	swait.ge [sflag:s6], $0x2800  }
0x27: {  	[sflag:s6] =	ssyncset.done $0x0  }
0x28: {  	[sflag:s6] =	ssyncadd.s32 $0xFFFFD800  }
0x29: {  	_ =	sfence.sel $0x180000  }
0x2a: {  	[bflag:$0x0] =	sbarrier.arrive $0xFFFF  }
0x2b: {  	p0 =	sne.s32 s0, $0x0;
	_ =	strace $0x90000047  }
0x2c: {  	s0 =	sadd.s32 @!p0 $0x100000, s1;
	[bflag:$0x2] =	sbarrier.arrive $0xFFFF  }
0x2d: {  	[sflag:s0] =	ssyncadd.tile.s32 @!p0 $0x1;
	_ =	shalt  }
.Lfunc_end2:
_tile_overlayer_lowered:
.L_overlay_start_2:
0x2e: {  	(tag) =	ssettag $0x2  }
0x2f: {  	s0 =	rddreg [dreg:$0x0];
	s2 =	stileid.u32  }
0x30: {  	s1 =	rddreg [dreg:$0x1];
	p0 =	sne.s32 s2, $0x0  }
0x31: {  	s3 =	rddreg [dreg:$0x2];
	[bflag:$0x3] =	sbarrier.arrive $0xFFFF;
	s2 =	simm.s32 @!p0 $0x1C01  }
0x32: {  	[timem:s3], [sflag:s2] =	dma.local @!p0 [hbm:s0], s1  }
0x33: {  	s0 =	simm.s32 @!p0 $0x1  }
0x34: {  	_ =	swait.ge @!p0 [sflag:s0], s1  }
0x35: {  	s1 =	ssub.s32 @!p0 $0x0, s1;
	[sflag:s0] =	ssyncset.done @!p0 $0x0  }
0x36: {  	[sflag:s0] =	ssyncadd.s32 @!p0 s1  }
0x37: {  	[bflag:$0x3] =	sbarrier.arrive $0xFFFF  }
0x38: {  	_ =	shalt  }

</sc_bundles>
